<compile_context>
chip_gen: v7x
topology: tpu7x:2x2x1
jax: 0.10.2.dev20260603
libtpu: 0.0.44.dev20260713+nightly
codegen_flags: <defaults>
</compile_context>

<pallas_src>
import jax
import jax.numpy as jnp
import numpy as np
from jax import lax
from jax.experimental import pallas as pl
from jax.experimental.pallas import tpu as pltpu
from jax.experimental.pallas import tpu_sc as plsc

_B, _N, _F = 32, 32768, 32
_L = 16
_K = 64
_CAP = 1792
_CHUNK = 256
_NCHUNK = _N // _CHUNK
_NG = 64
_GS = _CAP // _NG
_COMPACT_AT = _CAP - _CHUNK - 20
_INT_MIN = np.int32(-2147483648)
_M31 = np.int32(0x7FFFFFFF)


def _key_of(v):
    b = plsc.bitcast(v, jnp.int32)
    return b ^ ((b >> 31) & _M31)


def _val_of(k):
    return plsc.bitcast(k ^ ((k >> 31) & _M31), jnp.float32)


def _lane_idx():
    return lax.broadcasted_iota(jnp.int32, (_L,), 0)


def _xlane_max(v):
    idx = _lane_idx()
    for sh in (8, 4, 2, 1):
        v = jnp.maximum(v, v.at[idx ^ sh].get(mode="promise_in_bounds"))
    return v


def _xlane_sum(v):
    idx = _lane_idx()
    for sh in (8, 4, 2, 1):
        v = v + v.at[idx ^ sh].get(mode="promise_in_bounds")
    return v


def _sc_body(x_hbm, pen_hbm, out_hbm, xv0, xv1, pv0, pv1, buf, ov,
             sx0, sx1, sp0, sp1):
    w = lax.axis_index("s") * 2 + lax.axis_index("c")
    iota = lax.broadcasted_iota(jnp.int32, (_L,), 0)
    ninf = jnp.full((_L,), -jnp.inf, jnp.float32)
    pinf = jnp.full((_L,), jnp.inf, jnp.float32)
    zi = jnp.zeros((_L,), jnp.int32)

    def slot_lo(s):
        return buf[pl.ds(s * _F, _L)]

    def slot_hi(s):
        return buf[pl.ds(s * _F + _L, _L)]

    def group_bound(cnt_lo, cnt_hi):
        def g_body(g, acc):
            def s_body(s, m):
                sl = s * _NG + g
                vlo = jnp.where(sl < cnt_lo, slot_lo(sl), ninf)
                vhi = jnp.where(sl < cnt_hi, slot_hi(sl), ninf)
                return (jnp.maximum(m[0], vlo), jnp.maximum(m[1], vhi))
            gm = lax.fori_loop(0, _GS, s_body, (ninf, ninf))
            return (jnp.minimum(acc[0], gm[0]), jnp.minimum(acc[1], gm[1]))
        return lax.fori_loop(0, _NG, g_body, (pinf, pinf))

    def rewrite(cnt_lo, cnt_hi, vlb_lo, vlb_hi, cnt_max, as_keys):
        def s_body(s, c):
            nc_lo, nc_hi, tr_lo, tr_hi = c
            vlo = slot_lo(s)
            vhi = slot_hi(s)
            val_lo = s < cnt_lo
            val_hi = s < cnt_hi
            eq_lo = val_lo & (vlo == vlb_lo) & (tr_lo < _K)
            eq_hi = val_hi & (vhi == vlb_hi) & (tr_hi < _K)
            keep_lo = (val_lo & (vlo > vlb_lo)) | eq_lo
            keep_hi = (val_hi & (vhi > vlb_hi)) | eq_hi
            if as_keys:
                wlo = plsc.bitcast(_key_of(vlo), jnp.float32)
                whi = plsc.bitcast(_key_of(vhi), jnp.float32)
            else:
                wlo, whi = vlo, vhi
            plsc.store_scatter(buf, [(nc_lo * _F) + iota], wlo, mask=keep_lo)
            plsc.store_scatter(buf, [(nc_hi * _F) + iota + _L], whi, mask=keep_hi)
            return (nc_lo + jnp.where(keep_lo, 1, 0),
                    nc_hi + jnp.where(keep_hi, 1, 0),
                    tr_lo + jnp.where(eq_lo, 1, 0),
                    tr_hi + jnp.where(eq_hi, 1, 0))
        nc_lo, nc_hi, _, _ = lax.fori_loop(0, cnt_max, s_body,
                                           (zi, zi, zi, zi))
        return nc_lo, nc_hi

    cf_cap = jnp.full((_L,), (_CAP - 17) * _F, jnp.int32)

    xvs, pvs, sxs, sps = (xv0, xv1), (pv0, pv1), (sx0, sx1), (sp0, sp1)

    def issue(ch, b):
        pltpu.async_copy(x_hbm.at[w, pl.ds(ch * _CHUNK, _CHUNK)], xvs[b],
                         sxs[b])
        pltpu.async_copy(pen_hbm.at[w, pl.ds(ch * _CHUNK, _CHUNK)], pvs[b],
                         sps[b])

    issue(0, 0)
    issue(1, 1)

    def chunk_body(ch, carry, b):
        xv, pv = xvs[b], pvs[b]
        tau_lo, tau_hi, cf_lo, cf_hi, nval = carry
        pltpu.make_async_copy(x_hbm.at[w, pl.ds(0, _CHUNK)], xv,
                              sxs[b]).wait()
        pltpu.make_async_copy(pen_hbm.at[w, pl.ds(0, _CHUNK)], pv,
                              sps[b]).wait()

        @plsc.parallel_loop(0, _CHUNK // _L, carry=(cf_lo, cf_hi, nval))
        def cell16(q, c):
            cfl, cfh, nv = c
            pvec = pv[pl.ds(q * _L, _L)]
            nv = nv + jnp.where(pvec > 0.0, 1, 0)
            for u in range(_L):
                cell = q * _L + u
                p = pvec[u]
                vlo = jnp.minimum(xv[cell, 0:_L], p)
                vhi = jnp.minimum(xv[cell, _L:2 * _L], p)
                klo = vlo > tau_lo
                khi = vhi > tau_hi
                plsc.store_scatter(buf, [cfl + iota], vlo, mask=klo)
                plsc.store_scatter(buf, [cfh + iota + _L], vhi, mask=khi)
                cfl = cfl + jnp.where(klo, _F, 0)
                cfh = cfh + jnp.where(khi, _F, 0)
            return (jnp.minimum(cfl, cf_cap), jnp.minimum(cfh, cf_cap), nv)

        cf_lo, cf_hi, nval = cell16
        pl.when(ch + 2 < _NCHUNK)(lambda: issue(ch + 2, b))
        cnt_lo = lax.shift_right_arithmetic(cf_lo, 5)
        cnt_hi = lax.shift_right_arithmetic(cf_hi, 5)
        cnt_max = _xlane_max(jnp.maximum(cnt_lo, cnt_hi))[0]

        def do_compact(op):
            tl, th, clo, chi, cm = op
            vlb_lo, vlb_hi = group_bound(clo, chi)
            ncl, nch = rewrite(clo, chi, vlb_lo, vlb_hi, cm, False)
            return (jnp.maximum(tl, vlb_lo), jnp.maximum(th, vlb_hi),
                    ncl, nch, cm)

        tau_lo, tau_hi, cnt_lo, cnt_hi, _ = lax.cond(
            cnt_max > _COMPACT_AT, do_compact, lambda op: op,
            (tau_lo, tau_hi, cnt_lo, cnt_hi, cnt_max))
        return (tau_lo, tau_hi, cnt_lo * _F, cnt_hi * _F, nval)

    def pair_body(pr, carry):
        carry = chunk_body(pr * 2, carry, 0)
        return chunk_body(pr * 2 + 1, carry, 1)

    tau0 = jnp.full((_L,), -jnp.inf, jnp.float32)
    tau_lo, tau_hi, cf_lo, cf_hi, nval = lax.fori_loop(
        0, _NCHUNK // 2, pair_body, (tau0, tau0, zi, zi, zi))

    cnt_lo = lax.shift_right_arithmetic(cf_lo, 5)
    cnt_hi = lax.shift_right_arithmetic(cf_hi, 5)
    cnt_max = _xlane_max(jnp.maximum(cnt_lo, cnt_hi))[0]
    vlb_lo, vlb_hi = group_bound(cnt_lo, cnt_hi)
    nc_lo, nc_hi = rewrite(cnt_lo, cnt_hi, vlb_lo, vlb_hi, cnt_max, True)
    nc_max = _xlane_max(jnp.maximum(nc_lo, nc_hi))[0]

    kmin_f = plsc.bitcast(jnp.full((_L,), _INT_MIN, jnp.int32), jnp.float32)

    def clear_body(s, _):
        plsc.store_scatter(buf, [(s * _F) + iota], kmin_f, mask=s >= nc_lo)
        plsc.store_scatter(buf, [(s * _F) + iota + _L], kmin_f, mask=s >= nc_hi)
        return 0

    lax.fori_loop(0, nc_max, clear_body, 0)

    def bit_body(i, t):
        t_lo, t_hi = t
        bit = jnp.int32(1) << (jnp.int32(31) - i)
        cand_lo = t_lo + bit
        cand_hi = t_hi + bit

        def s_body(s, c):
            k_lo = plsc.bitcast(slot_lo(s), jnp.int32)
            k_hi = plsc.bitcast(slot_hi(s), jnp.int32)
            return (c[0] + jnp.where(k_lo >= cand_lo, 1, 0),
                    c[1] + jnp.where(k_hi >= cand_hi, 1, 0))

        c_lo, c_hi = lax.fori_loop(0, nc_max, s_body, (zi, zi))
        return (jnp.where(c_lo >= _K, cand_lo, t_lo),
                jnp.where(c_hi >= _K, cand_hi, t_hi))

    tmin = jnp.full((_L,), _INT_MIN, jnp.int32)
    t_lo, t_hi = lax.fori_loop(0, 32, bit_body, (tmin, tmin))

    def stat_body(s, c):
        sg_lo, sg_hi, cg_lo, cg_hi = c
        k_lo = plsc.bitcast(slot_lo(s), jnp.int32)
        k_hi = plsc.bitcast(slot_hi(s), jnp.int32)
        g_lo = k_lo > t_lo
        g_hi = k_hi > t_hi
        return (sg_lo + jnp.where(g_lo, _val_of(k_lo), 0.0),
                sg_hi + jnp.where(g_hi, _val_of(k_hi), 0.0),
                cg_lo + jnp.where(g_lo, 1, 0),
                cg_hi + jnp.where(g_hi, 1, 0))

    zf = jnp.zeros((_L,), jnp.float32)
    sg_lo, sg_hi, cg_lo, cg_hi = lax.fori_loop(0, nc_max, stat_body,
                                               (zf, zf, zi, zi))

    tie_lo = jnp.where(t_lo == _INT_MIN, 0.0, _val_of(t_lo))
    tie_hi = jnp.where(t_hi == _INT_MIN, 0.0, _val_of(t_hi))
    kf = jnp.float32(_K)
    denom = jnp.maximum(jnp.minimum(kf, _xlane_sum(nval).astype(jnp.float32)), 1.0)
    res_lo = (sg_lo + (kf - cg_lo.astype(jnp.float32)) * tie_lo) / denom
    res_hi = (sg_hi + (kf - cg_hi.astype(jnp.float32)) * tie_hi) / denom
    ov[pl.ds(0, _L)] = res_lo
    ov[pl.ds(_L, _L)] = res_hi
    pltpu.sync_copy(ov, out_hbm.at[w])


@jax.jit
def _sc_call(x, pen):
    mesh = plsc.VectorSubcoreMesh(core_axis_name="c", subcore_axis_name="s")
    return pl.kernel(
        _sc_body,
        mesh=mesh,
        compiler_params=pltpu.CompilerParams(needs_layout_passes=False),
        out_type=jax.ShapeDtypeStruct((_B, _F), jnp.float32),
        scratch_types=[
            pltpu.VMEM((_CHUNK, _F), jnp.float32),
            pltpu.VMEM((_CHUNK, _F), jnp.float32),
            pltpu.VMEM((_CHUNK,), jnp.float32),
            pltpu.VMEM((_CHUNK,), jnp.float32),
            pltpu.VMEM((_CAP * _F,), jnp.float32),
            pltpu.VMEM((_F,), jnp.float32),
            pltpu.SemaphoreType.DMA,
            pltpu.SemaphoreType.DMA,
            pltpu.SemaphoreType.DMA,
            pltpu.SemaphoreType.DMA,
        ],
    )(x, pen)


def kernel(x, mask):
    b, n, f = x.shape
    assert (b, n, f) == (_B, _N, _F)
    pen = jnp.where(mask, -jnp.inf, jnp.inf).astype(jnp.float32)
    return _sc_call(x, pen)

# --- scband reference (transcript-rebuilt; emitter-appended) ---
"""Pipeline reference for scband-top-kpool-36447092473998 (READ-ONLY COPY).

The authoritative reference and input builder live on the scoring server;
editing this copy changes nothing except your own understanding.
"""

import jax, jax.numpy as jnp
import numpy as np

K = 64

def setup_inputs(seed: int = 0) -> dict:
    key = jax.random.key(seed)
    k1, k2 = jax.random.split(key)
    x = jax.random.normal(k1, (32, 32768, 32), dtype=jnp.float32)
    mask = jax.random.randint(k2, (32, 32768), 0, 2, dtype=jnp.int32).astype(bool)
    return {"x": x, "mask": mask}

def reference(x, mask):
    k = min(K, x.shape[1])
    # masked_fill with -inf on padded positions
    xm = jnp.where(mask[:, :, None], -jnp.inf, x)
    # sort descending along cells axis
    sorted_x = jnp.sort(xm, axis=1)[:, ::-1, :]
    top_k = sorted_x[:, :k, :]
    # replace -inf with 0.0
    top_k = jnp.where(top_k == -jnp.inf, 0.0, top_k)
    # count valid (non-padded) entries among the top-k slots
    sorted_mask = jnp.sort(mask.astype(jnp.float32), axis=1)
    top_k_mask = sorted_mask[:, :k][:, :, None]
    n_valid = k - jnp.sum(top_k_mask, axis=1)
    n_valid = jnp.clip(n_valid, 1, None)
    return jnp.sum(top_k, axis=1) / n_valid

if __name__ == "__main__":
    import jax
    _d = setup_inputs()
    print(jax.jit(kernel)(*tuple(_d.values())))

</pallas_src>

<mosaic_0001>
#map = affine_map<(d0, d1) -> (0, 0, 0)>
#map1 = affine_map<(d0, d1) -> (0, 0)>
module attributes {stable_mosaic.version = 14 : i64} {
  func.func @_sc_body(%arg0: i32, %arg1: i32, %arg2: memref<32x32768x32xf32, #tpu.memory_space<hbm>>, %arg3: memref<32x32768xf32, #tpu.memory_space<hbm>>, %arg4: memref<32x32xf32, #tpu.memory_space<hbm>>, %arg5: memref<256x32xf32, #tpu.memory_space<vmem>>, %arg6: memref<256x32xf32, #tpu.memory_space<vmem>>, %arg7: memref<256xf32, #tpu.memory_space<vmem>>, %arg8: memref<256xf32, #tpu.memory_space<vmem>>, %arg9: memref<57344xf32, #tpu.memory_space<vmem>>, %arg10: memref<32xf32, #tpu.memory_space<vmem>>, %arg11: memref<!tpu.dma_semaphore, #tpu.memory_space<semaphore_mem>>, %arg12: memref<!tpu.dma_semaphore, #tpu.memory_space<semaphore_mem>>, %arg13: memref<!tpu.dma_semaphore, #tpu.memory_space<semaphore_mem>>, %arg14: memref<!tpu.dma_semaphore, #tpu.memory_space<semaphore_mem>>) attributes {dimension_semantics = [#tpu.dimension_semantics<core_parallel>, #tpu.dimension_semantics<subcore_parallel>], iteration_bounds = array<i64: 2, 16>, scalar_prefetch = 0 : i64, scratch_operands = 10 : i64, tpu.core_type = #tpu.core_type<sc_vector_subcore>, window_params = [{transform_indices = #map}, {transform_indices = #map1}, {transform_indices = #map1}]} {
    %mul3A = arith.constant 2 : i32
    %mul3A_0 = arith.muli %arg1, %mul3A : i32
    %add3A = arith.addi %mul3A_0, %arg0 : i32
    %iota3A = tpu.iota {dimensions = array<i32: 0>} : vector<16xi32>
    %broadcast_in_dim3A = arith.constant 0xFF800000 : f32
    %broadcast_in_dim3A_1 = vector.broadcast %broadcast_in_dim3A : f32 to vector<16xf32>
    %broadcast_in_dim3A_2 = arith.constant 0x7F800000 : f32
    %broadcast_in_dim3A_3 = vector.broadcast %broadcast_in_dim3A_2 : f32 to vector<16xf32>
    %broadcast_in_dim3A_4 = arith.constant 0 : i32
    %broadcast_in_dim3A_5 = vector.broadcast %broadcast_in_dim3A_4 : i32 to vector<16xi32>
    %broadcast_in_dim3A_6 = arith.constant 56800 : i32
    %broadcast_in_dim3A_7 = vector.broadcast %broadcast_in_dim3A_6 : i32 to vector<16xi32>
    %dma_start3A = arith.constant 0 : i32
    %dma_start3A_8 = arith.constant 0 : i32
    %dma_start3A_9 = tpu.memref_slice %arg2[%add3A, %dma_start3A, %dma_start3A_8] : memref<32x32768x32xf32, #tpu.memory_space<hbm>> -> memref<1x256x32xf32, #tpu.memory_space<hbm>>
    %dma_start3A_10 = tpu.memref_squeeze %dma_start3A_9 : memref<1x256x32xf32, #tpu.memory_space<hbm>> -> memref<256x32xf32, #tpu.memory_space<hbm>>
    %dma_start3A_11 = arith.constant 0 : i32
    %dma_start3A_12 = arith.constant 0 : i32
    %dma_start3A_13 = tpu.memref_slice %arg2[%add3A, %dma_start3A_11, %dma_start3A_12] : memref<32x32768x32xf32, #tpu.memory_space<hbm>> -> memref<1x256x32xf32, #tpu.memory_space<hbm>>
    %dma_start3A_14 = tpu.memref_squeeze %dma_start3A_13 : memref<1x256x32xf32, #tpu.memory_space<hbm>> -> memref<256x32xf32, #tpu.memory_space<hbm>>
    tpu.enqueue_dma source(%dma_start3A_14 : memref<256x32xf32, #tpu.memory_space<hbm>>) target(%arg5 : memref<256x32xf32, #tpu.memory_space<vmem>>) target_semaphore(%arg11 : memref<!tpu.dma_semaphore, #tpu.memory_space<semaphore_mem>>)
    %dma_start3A_15 = arith.constant 0 : i32
    %dma_start3A_16 = tpu.memref_slice %arg3[%add3A, %dma_start3A_15] : memref<32x32768xf32, #tpu.memory_space<hbm>> -> memref<1x256xf32, #tpu.memory_space<hbm>>
    %dma_start3A_17 = tpu.memref_squeeze %dma_start3A_16 : memref<1x256xf32, #tpu.memory_space<hbm>> -> memref<256xf32, #tpu.memory_space<hbm>>
    %dma_start3A_18 = arith.constant 0 : i32
    %dma_start3A_19 = tpu.memref_slice %arg3[%add3A, %dma_start3A_18] : memref<32x32768xf32, #tpu.memory_space<hbm>> -> memref<1x256xf32, #tpu.memory_space<hbm>>
    %dma_start3A_20 = tpu.memref_squeeze %dma_start3A_19 : memref<1x256xf32, #tpu.memory_space<hbm>> -> memref<256xf32, #tpu.memory_space<hbm>>
    tpu.enqueue_dma source(%dma_start3A_20 : memref<256xf32, #tpu.memory_space<hbm>>) target(%arg7 : memref<256xf32, #tpu.memory_space<vmem>>) target_semaphore(%arg13 : memref<!tpu.dma_semaphore, #tpu.memory_space<semaphore_mem>>)
    %dma_start3A_21 = arith.constant 256 : i32
    %dma_start3A_22 = arith.constant 0 : i32
    %dma_start3A_23 = tpu.memref_slice %arg2[%add3A, %dma_start3A_21, %dma_start3A_22] : memref<32x32768x32xf32, #tpu.memory_space<hbm>> -> memref<1x256x32xf32, #tpu.memory_space<hbm>>
    %dma_start3A_24 = tpu.memref_squeeze %dma_start3A_23 : memref<1x256x32xf32, #tpu.memory_space<hbm>> -> memref<256x32xf32, #tpu.memory_space<hbm>>
    %dma_start3A_25 = arith.constant 256 : i32
    %dma_start3A_26 = arith.constant 0 : i32
    %dma_start3A_27 = tpu.memref_slice %arg2[%add3A, %dma_start3A_25, %dma_start3A_26] : memref<32x32768x32xf32, #tpu.memory_space<hbm>> -> memref<1x256x32xf32, #tpu.memory_space<hbm>>
    %dma_start3A_28 = tpu.memref_squeeze %dma_start3A_27 : memref<1x256x32xf32, #tpu.memory_space<hbm>> -> memref<256x32xf32, #tpu.memory_space<hbm>>
    tpu.enqueue_dma source(%dma_start3A_28 : memref<256x32xf32, #tpu.memory_space<hbm>>) target(%arg6 : memref<256x32xf32, #tpu.memory_space<vmem>>) target_semaphore(%arg12 : memref<!tpu.dma_semaphore, #tpu.memory_space<semaphore_mem>>)
    %dma_start3A_29 = arith.constant 256 : i32
    %dma_start3A_30 = tpu.memref_slice %arg3[%add3A, %dma_start3A_29] : memref<32x32768xf32, #tpu.memory_space<hbm>> -> memref<1x256xf32, #tpu.memory_space<hbm>>
    %dma_start3A_31 = tpu.memref_squeeze %dma_start3A_30 : memref<1x256xf32, #tpu.memory_space<hbm>> -> memref<256xf32, #tpu.memory_space<hbm>>
    %dma_start3A_32 = arith.constant 256 : i32
    %dma_start3A_33 = tpu.memref_slice %arg3[%add3A, %dma_start3A_32] : memref<32x32768xf32, #tpu.memory_space<hbm>> -> memref<1x256xf32, #tpu.memory_space<hbm>>
    %dma_start3A_34 = tpu.memref_squeeze %dma_start3A_33 : memref<1x256xf32, #tpu.memory_space<hbm>> -> memref<256xf32, #tpu.memory_space<hbm>>
    tpu.enqueue_dma source(%dma_start3A_34 : memref<256xf32, #tpu.memory_space<hbm>>) target(%arg8 : memref<256xf32, #tpu.memory_space<vmem>>) target_semaphore(%arg14 : memref<!tpu.dma_semaphore, #tpu.memory_space<semaphore_mem>>)
    %broadcast_in_dim3A_35 = arith.constant 0xFF800000 : f32
    %broadcast_in_dim3A_36 = vector.broadcast %broadcast_in_dim3A_35 : f32 to vector<16xf32>
    %scan3A = arith.constant 0 : i32
    %scan3A_37 = arith.constant 64 : i32
    %scan3A_38 = arith.addi %scan3A, %scan3A_37 : i32
    %scan3A_39 = arith.constant 1 : i32
    %scan3A_40:5 = scf.for %scan3A_313 = %scan3A to %scan3A_38 step %scan3A_39 iter_args(%scan3A_314 = %broadcast_in_dim3A_36, %scan3A_315 = %broadcast_in_dim3A_36, %scan3A_316 = %broadcast_in_dim3A_5, %scan3A_317 = %broadcast_in_dim3A_5, %scan3A_318 = %broadcast_in_dim3A_5) -> (vector<16xf32>, vector<16xf32>, vector<16xi32>, vector<16xi32>, vector<16xi32>)  : i32 {
      %mul3A_319 = arith.constant 2 : i32
      %mul3A_320 = arith.muli %scan3A_313, %mul3A_319 : i32
      %dma_wait3A = arith.constant 0 : i32
      %dma_wait3A_321 = arith.constant 0 : i32
      %dma_wait3A_322 = tpu.memref_slice %arg2[%add3A, %dma_wait3A, %dma_wait3A_321] : memref<32x32768x32xf32, #tpu.memory_space<hbm>> -> memref<1x256x32xf32, #tpu.memory_space<hbm>>
      %dma_wait3A_323 = tpu.memref_squeeze %dma_wait3A_322 : memref<1x256x32xf32, #tpu.memory_space<hbm>> -> memref<256x32xf32, #tpu.memory_space<hbm>>
      %dma_wait3A_324 = arith.constant 0 : i32
      %dma_wait3A_325 = arith.constant 0 : i32
      %dma_wait3A_326 = tpu.memref_slice %arg2[%add3A, %dma_wait3A_324, %dma_wait3A_325] : memref<32x32768x32xf32, #tpu.memory_space<hbm>> -> memref<1x256x32xf32, #tpu.memory_space<hbm>>
      %dma_wait3A_327 = tpu.memref_squeeze %dma_wait3A_326 : memref<1x256x32xf32, #tpu.memory_space<hbm>> -> memref<256x32xf32, #tpu.memory_space<hbm>>
      tpu.wait_dma2 semaphore(%arg11 : memref<!tpu.dma_semaphore, #tpu.memory_space<semaphore_mem>>) src(%dma_wait3A_327 : memref<256x32xf32, #tpu.memory_space<hbm>>) dst(%arg5 : memref<256x32xf32, #tpu.memory_space<vmem>>)
      %dma_wait3A_328 = arith.constant 0 : i32
      %dma_wait3A_329 = tpu.memref_slice %arg3[%add3A, %dma_wait3A_328] : memref<32x32768xf32, #tpu.memory_space<hbm>> -> memref<1x256xf32, #tpu.memory_space<hbm>>
      %dma_wait3A_330 = tpu.memref_squeeze %dma_wait3A_329 : memref<1x256xf32, #tpu.memory_space<hbm>> -> memref<256xf32, #tpu.memory_space<hbm>>
      %dma_wait3A_331 = arith.constant 0 : i32
      %dma_wait3A_332 = tpu.memref_slice %arg3[%add3A, %dma_wait3A_331] : memref<32x32768xf32, #tpu.memory_space<hbm>> -> memref<1x256xf32, #tpu.memory_space<hbm>>
      %dma_wait3A_333 = tpu.memref_squeeze %dma_wait3A_332 : memref<1x256xf32, #tpu.memory_space<hbm>> -> memref<256xf32, #tpu.memory_space<hbm>>
      tpu.wait_dma2 semaphore(%arg13 : memref<!tpu.dma_semaphore, #tpu.memory_space<semaphore_mem>>) src(%dma_wait3A_333 : memref<256xf32, #tpu.memory_space<hbm>>) dst(%arg7 : memref<256xf32, #tpu.memory_space<vmem>>)
      %parallel_loop3A = arith.constant 0 : i32
      %parallel_loop3A_334 = arith.constant 16 : i32
      %parallel_loop3A_335 = arith.constant 1 : i32
      %parallel_loop3A_336:3 = scf.for %parallel_loop3A_527 = %parallel_loop3A to %parallel_loop3A_334 step %parallel_loop3A_335 iter_args(%parallel_loop3A_528 = %scan3A_316, %parallel_loop3A_529 = %scan3A_317, %parallel_loop3A_530 = %scan3A_318) -> (vector<16xi32>, vector<16xi32>, vector<16xi32>)  : i32 {
        %parallel_loop3A_531 = arith.constant 16 : i32
        %parallel_loop3A_532 = arith.muli %parallel_loop3A_527, %parallel_loop3A_531 : i32
        %parallel_loop3A_533 = arith.index_cast %parallel_loop3A_532 : i32 to index
        %parallel_loop3A_534 = tpu.vector_load %arg7[%parallel_loop3A_533] {strides = array<i32>} : memref<256xf32, #tpu.memory_space<vmem>>, vector<16xf32>,
        %parallel_loop3A_535 = arith.constant 0.000000e+00 : f32
        %parallel_loop3A_536 = vector.broadcast %parallel_loop3A_535 : f32 to vector<16xf32>
        %parallel_loop3A_537 = arith.cmpf ogt, %parallel_loop3A_534, %parallel_loop3A_536 : vector<16xf32>
        %parallel_loop3A_538 = arith.constant 1 : i32
        %parallel_loop3A_539 = arith.constant 0 : i32
        %parallel_loop3A_540 = vector.broadcast %parallel_loop3A_538 : i32 to vector<16xi32>
        %parallel_loop3A_541 = vector.broadcast %parallel_loop3A_539 : i32 to vector<16xi32>
        %parallel_loop3A_542 = arith.select %parallel_loop3A_537, %parallel_loop3A_540, %parallel_loop3A_541 : vector<16xi1>, vector<16xi32>
        %parallel_loop3A_543 = arith.addi %parallel_loop3A_530, %parallel_loop3A_542 : vector<16xi32>
        %parallel_loop3A_544 = arith.constant 16 : i32
        %parallel_loop3A_545 = arith.muli %parallel_loop3A_527, %parallel_loop3A_544 : i32
        %parallel_loop3A_546 = arith.constant 0 : i32
        %parallel_loop3A_547 = arith.addi %parallel_loop3A_545, %parallel_loop3A_546 : i32
        %parallel_loop3A_548 = vector.extract_strided_slice %parallel_loop3A_534 {offsets = [0], sizes = [1], strides = [1]} : vector<16xf32> to vector<1xf32>
        %parallel_loop3A_549 = vector.extract %parallel_loop3A_548[0] : f32 from vector<1xf32>
        %parallel_loop3A_550 = arith.index_cast %parallel_loop3A_547 : i32 to index
        %parallel_loop3A_551 = arith.constant 0 : index
        %parallel_loop3A_552 = tpu.vector_load %arg5[%parallel_loop3A_550, %parallel_loop3A_551] {strides = array<i32>} : memref<256x32xf32, #tpu.memory_space<vmem>>, vector<16xf32>,
        %parallel_loop3A_553 = vector.broadcast %parallel_loop3A_549 : f32 to vector<16xf32>
        %parallel_loop3A_554 = arith.minimumf %parallel_loop3A_552, %parallel_loop3A_553 : vector<16xf32>
        %parallel_loop3A_555 = arith.index_cast %parallel_loop3A_547 : i32 to index
        %parallel_loop3A_556 = arith.constant 16 : index
        %parallel_loop3A_557 = tpu.vector_load %arg5[%parallel_loop3A_555, %parallel_loop3A_556] {strides = array<i32>} : memref<256x32xf32, #tpu.memory_space<vmem>>, vector<16xf32>,
        %parallel_loop3A_558 = vector.broadcast %parallel_loop3A_549 : f32 to vector<16xf32>
        %parallel_loop3A_559 = arith.minimumf %parallel_loop3A_557, %parallel_loop3A_558 : vector<16xf32>
        %parallel_loop3A_560 = arith.cmpf ogt, %parallel_loop3A_554, %scan3A_314 : vector<16xf32>
        %parallel_loop3A_561 = arith.cmpf ogt, %parallel_loop3A_559, %scan3A_315 : vector<16xf32>
        %parallel_loop3A_562 = arith.addi %parallel_loop3A_528, %iota3A : vector<16xi32>
        tpu.vector_store_idx %arg9[%parallel_loop3A_562], %parallel_loop3A_554 masked %parallel_loop3A_560 : memref<57344xf32, #tpu.memory_space<vmem>>[vector<16xi32>], vector<16xf32>, vector<16xi1>
        %parallel_loop3A_563 = arith.addi %parallel_loop3A_529, %iota3A : vector<16xi32>
        %parallel_loop3A_564 = arith.constant 16 : i32
        %parallel_loop3A_565 = vector.broadcast %parallel_loop3A_564 : i32 to vector<16xi32>
        %parallel_loop3A_566 = arith.addi %parallel_loop3A_563, %parallel_loop3A_565 : vector<16xi32>
        tpu.vector_store_idx %arg9[%parallel_loop3A_566], %parallel_loop3A_559 masked %parallel_loop3A_561 : memref<57344xf32, #tpu.memory_space<vmem>>[vector<16xi32>], vector<16xf32>, vector<16xi1>
        %parallel_loop3A_567 = arith.constant 32 : i32
        %parallel_loop3A_568 = arith.constant 0 : i32
        %parallel_loop3A_569 = vector.broadcast %parallel_loop3A_567 : i32 to vector<16xi32>
        %parallel_loop3A_570 = vector.broadcast %parallel_loop3A_568 : i32 to vector<16xi32>
        %parallel_loop3A_571 = arith.select %parallel_loop3A_560, %parallel_loop3A_569, %parallel_loop3A_570 : vector<16xi1>, vector<16xi32>
        %parallel_loop3A_572 = arith.addi %parallel_loop3A_528, %parallel_loop3A_571 : vector<16xi32>
        %parallel_loop3A_573 = arith.constant 32 : i32
        %parallel_loop3A_574 = arith.constant 0 : i32
        %parallel_loop3A_575 = vector.broadcast %parallel_loop3A_573 : i32 to vector<16xi32>
        %parallel_loop3A_576 = vector.broadcast %parallel_loop3A_574 : i32 to vector<16xi32>
        %parallel_loop3A_577 = arith.select %parallel_loop3A_561, %parallel_loop3A_575, %parallel_loop3A_576 : vector<16xi1>, vector<16xi32>
        %parallel_loop3A_578 = arith.addi %parallel_loop3A_529, %parallel_loop3A_577 : vector<16xi32>
        %parallel_loop3A_579 = arith.constant 16 : i32
        %parallel_loop3A_580 = arith.muli %parallel_loop3A_527, %parallel_loop3A_579 : i32
        %parallel_loop3A_581 = arith.constant 1 : i32
        %parallel_loop3A_582 = arith.addi %parallel_loop3A_580, %parallel_loop3A_581 : i32
        %parallel_loop3A_583 = vector.extract_strided_slice %parallel_loop3A_534 {offsets = [1], sizes = [1], strides = [1]} : vector<16xf32> to vector<1xf32>
        %parallel_loop3A_584 = vector.extract %parallel_loop3A_583[0] : f32 from vector<1xf32>
        %parallel_loop3A_585 = arith.index_cast %parallel_loop3A_582 : i32 to index
        %parallel_loop3A_586 = arith.constant 0 : index
        %parallel_loop3A_587 = tpu.vector_load %arg5[%parallel_loop3A_585, %parallel_loop3A_586] {strides = array<i32>} : memref<256x32xf32, #tpu.memory_space<vmem>>, vector<16xf32>,
        %parallel_loop3A_588 = vector.broadcast %parallel_loop3A_584 : f32 to vector<16xf32>
        %parallel_loop3A_589 = arith.minimumf %parallel_loop3A_587, %parallel_loop3A_588 : vector<16xf32>
        %parallel_loop3A_590 = arith.index_cast %parallel_loop3A_582 : i32 to index
        %parallel_loop3A_591 = arith.constant 16 : index
        %parallel_loop3A_592 = tpu.vector_load %arg5[%parallel_loop3A_590, %parallel_loop3A_591] {strides = array<i32>} : memref<256x32xf32, #tpu.memory_space<vmem>>, vector<16xf32>,
        %parallel_loop3A_593 = vector.broadcast %parallel_loop3A_584 : f32 to vector<16xf32>
        %parallel_loop3A_594 = arith.minimumf %parallel_loop3A_592, %parallel_loop3A_593 : vector<16xf32>
        %parallel_loop3A_595 = arith.cmpf ogt, %parallel_loop3A_589, %scan3A_314 : vector<16xf32>
        %parallel_loop3A_596 = arith.cmpf ogt, %parallel_loop3A_594, %scan3A_315 : vector<16xf32>
        %parallel_loop3A_597 = arith.addi %parallel_loop3A_572, %iota3A : vector<16xi32>
        tpu.vector_store_idx %arg9[%parallel_loop3A_597], %parallel_loop3A_589 masked %parallel_loop3A_595 : memref<57344xf32, #tpu.memory_space<vmem>>[vector<16xi32>], vector<16xf32>, vector<16xi1>
        %parallel_loop3A_598 = arith.addi %parallel_loop3A_578, %iota3A : vector<16xi32>
        %parallel_loop3A_599 = arith.constant 16 : i32
        %parallel_loop3A_600 = vector.broadcast %parallel_loop3A_599 : i32 to vector<16xi32>
        %parallel_loop3A_601 = arith.addi %parallel_loop3A_598, %parallel_loop3A_600 : vector<16xi32>
        tpu.vector_store_idx %arg9[%parallel_loop3A_601], %parallel_loop3A_594 masked %parallel_loop3A_596 : memref<57344xf32, #tpu.memory_space<vmem>>[vector<16xi32>], vector<16xf32>, vector<16xi1>
        %parallel_loop3A_602 = arith.constant 32 : i32
        %parallel_loop3A_603 = arith.constant 0 : i32
        %parallel_loop3A_604 = vector.broadcast %parallel_loop3A_602 : i32 to vector<16xi32>
        %parallel_loop3A_605 = vector.broadcast %parallel_loop3A_603 : i32 to vector<16xi32>
        %parallel_loop3A_606 = arith.select %parallel_loop3A_595, %parallel_loop3A_604, %parallel_loop3A_605 : vector<16xi1>, vector<16xi32>
        %parallel_loop3A_607 = arith.addi %parallel_loop3A_572, %parallel_loop3A_606 : vector<16xi32>
        %parallel_loop3A_608 = arith.constant 32 : i32
        %parallel_loop3A_609 = arith.constant 0 : i32
        %parallel_loop3A_610 = vector.broadcast %parallel_loop3A_608 : i32 to vector<16xi32>
        %parallel_loop3A_611 = vector.broadcast %parallel_loop3A_609 : i32 to vector<16xi32>
        %parallel_loop3A_612 = arith.select %parallel_loop3A_596, %parallel_loop3A_610, %parallel_loop3A_611 : vector<16xi1>, vector<16xi32>
        %parallel_loop3A_613 = arith.addi %parallel_loop3A_578, %parallel_loop3A_612 : vector<16xi32>
        %parallel_loop3A_614 = arith.constant 16 : i32
        %parallel_loop3A_615 = arith.muli %parallel_loop3A_527, %parallel_loop3A_614 : i32
        %parallel_loop3A_616 = arith.constant 2 : i32
        %parallel_loop3A_617 = arith.addi %parallel_loop3A_615, %parallel_loop3A_616 : i32
        %parallel_loop3A_618 = vector.extract_strided_slice %parallel_loop3A_534 {offsets = [2], sizes = [1], strides = [1]} : vector<16xf32> to vector<1xf32>
        %parallel_loop3A_619 = vector.extract %parallel_loop3A_618[0] : f32 from vector<1xf32>
        %parallel_loop3A_620 = arith.index_cast %parallel_loop3A_617 : i32 to index
        %parallel_loop3A_621 = arith.constant 0 : index
        %parallel_loop3A_622 = tpu.vector_load %arg5[%parallel_loop3A_620, %parallel_loop3A_621] {strides = array<i32>} : memref<256x32xf32, #tpu.memory_space<vmem>>, vector<16xf32>,
        %parallel_loop3A_623 = vector.broadcast %parallel_loop3A_619 : f32 to vector<16xf32>
        %parallel_loop3A_624 = arith.minimumf %parallel_loop3A_622, %parallel_loop3A_623 : vector<16xf32>
        %parallel_loop3A_625 = arith.index_cast %parallel_loop3A_617 : i32 to index
        %parallel_loop3A_626 = arith.constant 16 : index
        %parallel_loop3A_627 = tpu.vector_load %arg5[%parallel_loop3A_625, %parallel_loop3A_626] {strides = array<i32>} : memref<256x32xf32, #tpu.memory_space<vmem>>, vector<16xf32>,
        %parallel_loop3A_628 = vector.broadcast %parallel_loop3A_619 : f32 to vector<16xf32>
        %parallel_loop3A_629 = arith.minimumf %parallel_loop3A_627, %parallel_loop3A_628 : vector<16xf32>
        %parallel_loop3A_630 = arith.cmpf ogt, %parallel_loop3A_624, %scan3A_314 : vector<16xf32>
        %parallel_loop3A_631 = arith.cmpf ogt, %parallel_loop3A_629, %scan3A_315 : vector<16xf32>
        %parallel_loop3A_632 = arith.addi %parallel_loop3A_607, %iota3A : vector<16xi32>
        tpu.vector_store_idx %arg9[%parallel_loop3A_632], %parallel_loop3A_624 masked %parallel_loop3A_630 : memref<57344xf32, #tpu.memory_space<vmem>>[vector<16xi32>], vector<16xf32>, vector<16xi1>
        %parallel_loop3A_633 = arith.addi %parallel_loop3A_613, %iota3A : vector<16xi32>
        %parallel_loop3A_634 = arith.constant 16 : i32
        %parallel_loop3A_635 = vector.broadcast %parallel_loop3A_634 : i32 to vector<16xi32>
        %parallel_loop3A_636 = arith.addi %parallel_loop3A_633, %parallel_loop3A_635 : vector<16xi32>
        tpu.vector_store_idx %arg9[%parallel_loop3A_636], %parallel_loop3A_629 masked %parallel_loop3A_631 : memref<57344xf32, #tpu.memory_space<vmem>>[vector<16xi32>], vector<16xf32>, vector<16xi1>
        %parallel_loop3A_637 = arith.constant 32 : i32
        %parallel_loop3A_638 = arith.constant 0 : i32
        %parallel_loop3A_639 = vector.broadcast %parallel_loop3A_637 : i32 to vector<16xi32>
        %parallel_loop3A_640 = vector.broadcast %parallel_loop3A_638 : i32 to vector<16xi32>
        %parallel_loop3A_641 = arith.select %parallel_loop3A_630, %parallel_loop3A_639, %parallel_loop3A_640 : vector<16xi1>, vector<16xi32>
        %parallel_loop3A_642 = arith.addi %parallel_loop3A_607, %parallel_loop3A_641 : vector<16xi32>
        %parallel_loop3A_643 = arith.constant 32 : i32
        %parallel_loop3A_644 = arith.constant 0 : i32
        %parallel_loop3A_645 = vector.broadcast %parallel_loop3A_643 : i32 to vector<16xi32>
        %parallel_loop3A_646 = vector.broadcast %parallel_loop3A_644 : i32 to vector<16xi32>
        %parallel_loop3A_647 = arith.select %parallel_loop3A_631, %parallel_loop3A_645, %parallel_loop3A_646 : vector<16xi1>, vector<16xi32>
        %parallel_loop3A_648 = arith.addi %parallel_loop3A_613, %parallel_loop3A_647 : vector<16xi32>
        %parallel_loop3A_649 = arith.constant 16 : i32
        %parallel_loop3A_650 = arith.muli %parallel_loop3A_527, %parallel_loop3A_649 : i32
        %parallel_loop3A_651 = arith.constant 3 : i32
        %parallel_loop3A_652 = arith.addi %parallel_loop3A_650, %parallel_loop3A_651 : i32
        %parallel_loop3A_653 = vector.extract_strided_slice %parallel_loop3A_534 {offsets = [3], sizes = [1], strides = [1]} : vector<16xf32> to vector<1xf32>
        %parallel_loop3A_654 = vector.extract %parallel_loop3A_653[0] : f32 from vector<1xf32>
        %parallel_loop3A_655 = arith.index_cast %parallel_loop3A_652 : i32 to index
        %parallel_loop3A_656 = arith.constant 0 : index
        %parallel_loop3A_657 = tpu.vector_load %arg5[%parallel_loop3A_655, %parallel_loop3A_656] {strides = array<i32>} : memref<256x32xf32, #tpu.memory_space<vmem>>, vector<16xf32>,
        %parallel_loop3A_658 = vector.broadcast %parallel_loop3A_654 : f32 to vector<16xf32>
        %parallel_loop3A_659 = arith.minimumf %parallel_loop3A_657, %parallel_loop3A_658 : vector<16xf32>
        %parallel_loop3A_660 = arith.index_cast %parallel_loop3A_652 : i32 to index
        %parallel_loop3A_661 = arith.constant 16 : index
        %parallel_loop3A_662 = tpu.vector_load %arg5[%parallel_loop3A_660, %parallel_loop3A_661] {strides = array<i32>} : memref<256x32xf32, #tpu.memory_space<vmem>>, vector<16xf32>,
        %parallel_loop3A_663 = vector.broadcast %parallel_loop3A_654 : f32 to vector<16xf32>
        %parallel_loop3A_664 = arith.minimumf %parallel_loop3A_662, %parallel_loop3A_663 : vector<16xf32>
        %parallel_loop3A_665 = arith.cmpf ogt, %parallel_loop3A_659, %scan3A_314 : vector<16xf32>
        %parallel_loop3A_666 = arith.cmpf ogt, %parallel_loop3A_664, %scan3A_315 : vector<16xf32>
        %parallel_loop3A_667 = arith.addi %parallel_loop3A_642, %iota3A : vector<16xi32>
        tpu.vector_store_idx %arg9[%parallel_loop3A_667], %parallel_loop3A_659 masked %parallel_loop3A_665 : memref<57344xf32, #tpu.memory_space<vmem>>[vector<16xi32>], vector<16xf32>, vector<16xi1>
        %parallel_loop3A_668 = arith.addi %parallel_loop3A_648, %iota3A : vector<16xi32>
        %parallel_loop3A_669 = arith.constant 16 : i32
        %parallel_loop3A_670 = vector.broadcast %parallel_loop3A_669 : i32 to vector<16xi32>
        %parallel_loop3A_671 = arith.addi %parallel_loop3A_668, %parallel_loop3A_670 : vector<16xi32>
        tpu.vector_store_idx %arg9[%parallel_loop3A_671], %parallel_loop3A_664 masked %parallel_loop3A_666 : memref<57344xf32, #tpu.memory_space<vmem>>[vector<16xi32>], vector<16xf32>, vector<16xi1>
        %parallel_loop3A_672 = arith.constant 32 : i32
        %parallel_loop3A_673 = arith.constant 0 : i32
        %parallel_loop3A_674 = vector.broadcast %parallel_loop3A_672 : i32 to vector<16xi32>
        %parallel_loop3A_675 = vector.broadcast %parallel_loop3A_673 : i32 to vector<16xi32>
        %parallel_loop3A_676 = arith.select %parallel_loop3A_665, %parallel_loop3A_674, %parallel_loop3A_675 : vector<16xi1>, vector<16xi32>
        %parallel_loop3A_677 = arith.addi %parallel_loop3A_642, %parallel_loop3A_676 : vector<16xi32>
        %parallel_loop3A_678 = arith.constant 32 : i32
        %parallel_loop3A_679 = arith.constant 0 : i32
        %parallel_loop3A_680 = vector.broadcast %parallel_loop3A_678 : i32 to vector<16xi32>
        %parallel_loop3A_681 = vector.broadcast %parallel_loop3A_679 : i32 to vector<16xi32>
        %parallel_loop3A_682 = arith.select %parallel_loop3A_666, %parallel_loop3A_680, %parallel_loop3A_681 : vector<16xi1>, vector<16xi32>
        %parallel_loop3A_683 = arith.addi %parallel_loop3A_648, %parallel_loop3A_682 : vector<16xi32>
        %parallel_loop3A_684 = arith.constant 16 : i32
        %parallel_loop3A_685 = arith.muli %parallel_loop3A_527, %parallel_loop3A_684 : i32
        %parallel_loop3A_686 = arith.constant 4 : i32
        %parallel_loop3A_687 = arith.addi %parallel_loop3A_685, %parallel_loop3A_686 : i32
        %parallel_loop3A_688 = vector.extract_strided_slice %parallel_loop3A_534 {offsets = [4], sizes = [1], strides = [1]} : vector<16xf32> to vector<1xf32>
        %parallel_loop3A_689 = vector.extract %parallel_loop3A_688[0] : f32 from vector<1xf32>
        %parallel_loop3A_690 = arith.index_cast %parallel_loop3A_687 : i32 to index
        %parallel_loop3A_691 = arith.constant 0 : index
        %parallel_loop3A_692 = tpu.vector_load %arg5[%parallel_loop3A_690, %parallel_loop3A_691] {strides = array<i32>} : memref<256x32xf32, #tpu.memory_space<vmem>>, vector<16xf32>,
        %parallel_loop3A_693 = vector.broadcast %parallel_loop3A_689 : f32 to vector<16xf32>
        %parallel_loop3A_694 = arith.minimumf %parallel_loop3A_692, %parallel_loop3A_693 : vector<16xf32>
        %parallel_loop3A_695 = arith.index_cast %parallel_loop3A_687 : i32 to index
        %parallel_loop3A_696 = arith.constant 16 : index
        %parallel_loop3A_697 = tpu.vector_load %arg5[%parallel_loop3A_695, %parallel_loop3A_696] {strides = array<i32>} : memref<256x32xf32, #tpu.memory_space<vmem>>, vector<16xf32>,
        %parallel_loop3A_698 = vector.broadcast %parallel_loop3A_689 : f32 to vector<16xf32>
        %parallel_loop3A_699 = arith.minimumf %parallel_loop3A_697, %parallel_loop3A_698 : vector<16xf32>
        %parallel_loop3A_700 = arith.cmpf ogt, %parallel_loop3A_694, %scan3A_314 : vector<16xf32>
        %parallel_loop3A_701 = arith.cmpf ogt, %parallel_loop3A_699, %scan3A_315 : vector<16xf32>
        %parallel_loop3A_702 = arith.addi %parallel_loop3A_677, %iota3A : vector<16xi32>
        tpu.vector_store_idx %arg9[%parallel_loop3A_702], %parallel_loop3A_694 masked %parallel_loop3A_700 : memref<57344xf32, #tpu.memory_space<vmem>>[vector<16xi32>], vector<16xf32>, vector<16xi1>
        %parallel_loop3A_703 = arith.addi %parallel_loop3A_683, %iota3A : vector<16xi32>
        %parallel_loop3A_704 = arith.constant 16 : i32
        %parallel_loop3A_705 = vector.broadcast %parallel_loop3A_704 : i32 to vector<16xi32>
        %parallel_loop3A_706 = arith.addi %parallel_loop3A_703, %parallel_loop3A_705 : vector<16xi32>
        tpu.vector_store_idx %arg9[%parallel_loop3A_706], %parallel_loop3A_699 masked %parallel_loop3A_701 : memref<57344xf32, #tpu.memory_space<vmem>>[vector<16xi32>], vector<16xf32>, vector<16xi1>
        %parallel_loop3A_707 = arith.constant 32 : i32
        %parallel_loop3A_708 = arith.constant 0 : i32
        %parallel_loop3A_709 = vector.broadcast %parallel_loop3A_707 : i32 to vector<16xi32>
        %parallel_loop3A_710 = vector.broadcast %parallel_loop3A_708 : i32 to vector<16xi32>
        %parallel_loop3A_711 = arith.select %parallel_loop3A_700, %parallel_loop3A_709, %parallel_loop3A_710 : vector<16xi1>, vector<16xi32>
        %parallel_loop3A_712 = arith.addi %parallel_loop3A_677, %parallel_loop3A_711 : vector<16xi32>
        %parallel_loop3A_713 = arith.constant 32 : i32
        %parallel_loop3A_714 = arith.constant 0 : i32
        %parallel_loop3A_715 = vector.broadcast %parallel_loop3A_713 : i32 to vector<16xi32>
        %parallel_loop3A_716 = vector.broadcast %parallel_loop3A_714 : i32 to vector<16xi32>
        %parallel_loop3A_717 = arith.select %parallel_loop3A_701, %parallel_loop3A_715, %parallel_loop3A_716 : vector<16xi1>, vector<16xi32>
        %parallel_loop3A_718 = arith.addi %parallel_loop3A_683, %parallel_loop3A_717 : vector<16xi32>
        %parallel_loop3A_719 = arith.constant 16 : i32
        %parallel_loop3A_720 = arith.muli %parallel_loop3A_527, %parallel_loop3A_719 : i32
        %parallel_loop3A_721 = arith.constant 5 : i32
        %parallel_loop3A_722 = arith.addi %parallel_loop3A_720, %parallel_loop3A_721 : i32
        %parallel_loop3A_723 = vector.extract_strided_slice %parallel_loop3A_534 {offsets = [5], sizes = [1], strides = [1]} : vector<16xf32> to vector<1xf32>
        %parallel_loop3A_724 = vector.extract %parallel_loop3A_723[0] : f32 from vector<1xf32>
        %parallel_loop3A_725 = arith.index_cast %parallel_loop3A_722 : i32 to index
        %parallel_loop3A_726 = arith.constant 0 : index
        %parallel_loop3A_727 = tpu.vector_load %arg5[%parallel_loop3A_725, %parallel_loop3A_726] {strides = array<i32>} : memref<256x32xf32, #tpu.memory_space<vmem>>, vector<16xf32>,
        %parallel_loop3A_728 = vector.broadcast %parallel_loop3A_724 : f32 to vector<16xf32>
        %parallel_loop3A_729 = arith.minimumf %parallel_loop3A_727, %parallel_loop3A_728 : vector<16xf32>
        %parallel_loop3A_730 = arith.index_cast %parallel_loop3A_722 : i32 to index
        %parallel_loop3A_731 = arith.constant 16 : index
        %parallel_loop3A_732 = tpu.vector_load %arg5[%parallel_loop3A_730, %parallel_loop3A_731] {strides = array<i32>} : memref<256x32xf32, #tpu.memory_space<vmem>>, vector<16xf32>,
        %parallel_loop3A_733 = vector.broadcast %parallel_loop3A_724 : f32 to vector<16xf32>
        %parallel_loop3A_734 = arith.minimumf %parallel_loop3A_732, %parallel_loop3A_733 : vector<16xf32>
        %parallel_loop3A_735 = arith.cmpf ogt, %parallel_loop3A_729, %scan3A_314 : vector<16xf32>
        %parallel_loop3A_736 = arith.cmpf ogt, %parallel_loop3A_734, %scan3A_315 : vector<16xf32>
        %parallel_loop3A_737 = arith.addi %parallel_loop3A_712, %iota3A : vector<16xi32>
        tpu.vector_store_idx %arg9[%parallel_loop3A_737], %parallel_loop3A_729 masked %parallel_loop3A_735 : memref<57344xf32, #tpu.memory_space<vmem>>[vector<16xi32>], vector<16xf32>, vector<16xi1>
        %parallel_loop3A_738 = arith.addi %parallel_loop3A_718, %iota3A : vector<16xi32>
        %parallel_loop3A_739 = arith.constant 16 : i32
        %parallel_loop3A_740 = vector.broadcast %parallel_loop3A_739 : i32 to vector<16xi32>
        %parallel_loop3A_741 = arith.addi %parallel_loop3A_738, %parallel_loop3A_740 : vector<16xi32>
        tpu.vector_store_idx %arg9[%parallel_loop3A_741], %parallel_loop3A_734 masked %parallel_loop3A_736 : memref<57344xf32, #tpu.memory_space<vmem>>[vector<16xi32>], vector<16xf32>, vector<16xi1>
        %parallel_loop3A_742 = arith.constant 32 : i32
        %parallel_loop3A_743 = arith.constant 0 : i32
        %parallel_loop3A_744 = vector.broadcast %parallel_loop3A_742 : i32 to vector<16xi32>
        %parallel_loop3A_745 = vector.broadcast %parallel_loop3A_743 : i32 to vector<16xi32>
        %parallel_loop3A_746 = arith.select %parallel_loop3A_735, %parallel_loop3A_744, %parallel_loop3A_745 : vector<16xi1>, vector<16xi32>
        %parallel_loop3A_747 = arith.addi %parallel_loop3A_712, %parallel_loop3A_746 : vector<16xi32>
        %parallel_loop3A_748 = arith.constant 32 : i32
        %parallel_loop3A_749 = arith.constant 0 : i32
        %parallel_loop3A_750 = vector.broadcast %parallel_loop3A_748 : i32 to vector<16xi32>
        %parallel_loop3A_751 = vector.broadcast %parallel_loop3A_749 : i32 to vector<16xi32>
        %parallel_loop3A_752 = arith.select %parallel_loop3A_736, %parallel_loop3A_750, %parallel_loop3A_751 : vector<16xi1>, vector<16xi32>
        %parallel_loop3A_753 = arith.addi %parallel_loop3A_718, %parallel_loop3A_752 : vector<16xi32>
        %parallel_loop3A_754 = arith.constant 16 : i32
        %parallel_loop3A_755 = arith.muli %parallel_loop3A_527, %parallel_loop3A_754 : i32
        %parallel_loop3A_756 = arith.constant 6 : i32
        %parallel_loop3A_757 = arith.addi %parallel_loop3A_755, %parallel_loop3A_756 : i32
        %parallel_loop3A_758 = vector.extract_strided_slice %parallel_loop3A_534 {offsets = [6], sizes = [1], strides = [1]} : vector<16xf32> to vector<1xf32>
        %parallel_loop3A_759 = vector.extract %parallel_loop3A_758[0] : f32 from vector<1xf32>
        %parallel_loop3A_760 = arith.index_cast %parallel_loop3A_757 : i32 to index
        %parallel_loop3A_761 = arith.constant 0 : index
        %parallel_loop3A_762 = tpu.vector_load %arg5[%parallel_loop3A_760, %parallel_loop3A_761] {strides = array<i32>} : memref<256x32xf32, #tpu.memory_space<vmem>>, vector<16xf32>,
        %parallel_loop3A_763 = vector.broadcast %parallel_loop3A_759 : f32 to vector<16xf32>
        %parallel_loop3A_764 = arith.minimumf %parallel_loop3A_762, %parallel_loop3A_763 : vector<16xf32>
        %parallel_loop3A_765 = arith.index_cast %parallel_loop3A_757 : i32 to index
        %parallel_loop3A_766 = arith.constant 16 : index
        %parallel_loop3A_767 = tpu.vector_load %arg5[%parallel_loop3A_765, %parallel_loop3A_766] {strides = array<i32>} : memref<256x32xf32, #tpu.memory_space<vmem>>, vector<16xf32>,
        %parallel_loop3A_768 = vector.broadcast %parallel_loop3A_759 : f32 to vector<16xf32>
        %parallel_loop3A_769 = arith.minimumf %parallel_loop3A_767, %parallel_loop3A_768 : vector<16xf32>
        %parallel_loop3A_770 = arith.cmpf ogt, %parallel_loop3A_764, %scan3A_314 : vector<16xf32>
        %parallel_loop3A_771 = arith.cmpf ogt, %parallel_loop3A_769, %scan3A_315 : vector<16xf32>
        %parallel_loop3A_772 = arith.addi %parallel_loop3A_747, %iota3A : vector<16xi32>
        tpu.vector_store_idx %arg9[%parallel_loop3A_772], %parallel_loop3A_764 masked %parallel_loop3A_770 : memref<57344xf32, #tpu.memory_space<vmem>>[vector<16xi32>], vector<16xf32>, vector<16xi1>
        %parallel_loop3A_773 = arith.addi %parallel_loop3A_753, %iota3A : vector<16xi32>
        %parallel_loop3A_774 = arith.constant 16 : i32
        %parallel_loop3A_775 = vector.broadcast %parallel_loop3A_774 : i32 to vector<16xi32>
        %parallel_loop3A_776 = arith.addi %parallel_loop3A_773, %parallel_loop3A_775 : vector<16xi32>
        tpu.vector_store_idx %arg9[%parallel_loop3A_776], %parallel_loop3A_769 masked %parallel_loop3A_771 : memref<57344xf32, #tpu.memory_space<vmem>>[vector<16xi32>], vector<16xf32>, vector<16xi1>
        %parallel_loop3A_777 = arith.constant 32 : i32
        %parallel_loop3A_778 = arith.constant 0 : i32
        %parallel_loop3A_779 = vector.broadcast %parallel_loop3A_777 : i32 to vector<16xi32>
        %parallel_loop3A_780 = vector.broadcast %parallel_loop3A_778 : i32 to vector<16xi32>
        %parallel_loop3A_781 = arith.select %parallel_loop3A_770, %parallel_loop3A_779, %parallel_loop3A_780 : vector<16xi1>, vector<16xi32>
        %parallel_loop3A_782 = arith.addi %parallel_loop3A_747, %parallel_loop3A_781 : vector<16xi32>
        %parallel_loop3A_783 = arith.constant 32 : i32
        %parallel_loop3A_784 = arith.constant 0 : i32
        %parallel_loop3A_785 = vector.broadcast %parallel_loop3A_783 : i32 to vector<16xi32>
        %parallel_loop3A_786 = vector.broadcast %parallel_loop3A_784 : i32 to vector<16xi32>
        %parallel_loop3A_787 = arith.select %parallel_loop3A_771, %parallel_loop3A_785, %parallel_loop3A_786 : vector<16xi1>, vector<16xi32>
        %parallel_loop3A_788 = arith.addi %parallel_loop3A_753, %parallel_loop3A_787 : vector<16xi32>
        %parallel_loop3A_789 = arith.constant 16 : i32
        %parallel_loop3A_790 = arith.muli %parallel_loop3A_527, %parallel_loop3A_789 : i32
        %parallel_loop3A_791 = arith.constant 7 : i32
        %parallel_loop3A_792 = arith.addi %parallel_loop3A_790, %parallel_loop3A_791 : i32
        %parallel_loop3A_793 = vector.extract_strided_slice %parallel_loop3A_534 {offsets = [7], sizes = [1], strides = [1]} : vector<16xf32> to vector<1xf32>
        %parallel_loop3A_794 = vector.extract %parallel_loop3A_793[0] : f32 from vector<1xf32>
        %parallel_loop3A_795 = arith.index_cast %parallel_loop3A_792 : i32 to index
        %parallel_loop3A_796 = arith.constant 0 : index
        %parallel_loop3A_797 = tpu.vector_load %arg5[%parallel_loop3A_795, %parallel_loop3A_796] {strides = array<i32>} : memref<256x32xf32, #tpu.memory_space<vmem>>, vector<16xf32>,
        %parallel_loop3A_798 = vector.broadcast %parallel_loop3A_794 : f32 to vector<16xf32>
        %parallel_loop3A_799 = arith.minimumf %parallel_loop3A_797, %parallel_loop3A_798 : vector<16xf32>
        %parallel_loop3A_800 = arith.index_cast %parallel_loop3A_792 : i32 to index
        %parallel_loop3A_801 = arith.constant 16 : index
        %parallel_loop3A_802 = tpu.vector_load %arg5[%parallel_loop3A_800, %parallel_loop3A_801] {strides = array<i32>} : memref<256x32xf32, #tpu.memory_space<vmem>>, vector<16xf32>,
        %parallel_loop3A_803 = vector.broadcast %parallel_loop3A_794 : f32 to vector<16xf32>
        %parallel_loop3A_804 = arith.minimumf %parallel_loop3A_802, %parallel_loop3A_803 : vector<16xf32>
        %parallel_loop3A_805 = arith.cmpf ogt, %parallel_loop3A_799, %scan3A_314 : vector<16xf32>
        %parallel_loop3A_806 = arith.cmpf ogt, %parallel_loop3A_804, %scan3A_315 : vector<16xf32>
        %parallel_loop3A_807 = arith.addi %parallel_loop3A_782, %iota3A : vector<16xi32>
        tpu.vector_store_idx %arg9[%parallel_loop3A_807], %parallel_loop3A_799 masked %parallel_loop3A_805 : memref<57344xf32, #tpu.memory_space<vmem>>[vector<16xi32>], vector<16xf32>, vector<16xi1>
        %parallel_loop3A_808 = arith.addi %parallel_loop3A_788, %iota3A : vector<16xi32>
        %parallel_loop3A_809 = arith.constant 16 : i32
        %parallel_loop3A_810 = vector.broadcast %parallel_loop3A_809 : i32 to vector<16xi32>
        %parallel_loop3A_811 = arith.addi %parallel_loop3A_808, %parallel_loop3A_810 : vector<16xi32>
        tpu.vector_store_idx %arg9[%parallel_loop3A_811], %parallel_loop3A_804 masked %parallel_loop3A_806 : memref<57344xf32, #tpu.memory_space<vmem>>[vector<16xi32>], vector<16xf32>, vector<16xi1>
        %parallel_loop3A_812 = arith.constant 32 : i32
        %parallel_loop3A_813 = arith.constant 0 : i32
        %parallel_loop3A_814 = vector.broadcast %parallel_loop3A_812 : i32 to vector<16xi32>
        %parallel_loop3A_815 = vector.broadcast %parallel_loop3A_813 : i32 to vector<16xi32>
        %parallel_loop3A_816 = arith.select %parallel_loop3A_805, %parallel_loop3A_814, %parallel_loop3A_815 : vector<16xi1>, vector<16xi32>
        %parallel_loop3A_817 = arith.addi %parallel_loop3A_782, %parallel_loop3A_816 : vector<16xi32>
        %parallel_loop3A_818 = arith.constant 32 : i32
        %parallel_loop3A_819 = arith.constant 0 : i32
        %parallel_loop3A_820 = vector.broadcast %parallel_loop3A_818 : i32 to vector<16xi32>
        %parallel_loop3A_821 = vector.broadcast %parallel_loop3A_819 : i32 to vector<16xi32>
        %parallel_loop3A_822 = arith.select %parallel_loop3A_806, %parallel_loop3A_820, %parallel_loop3A_821 : vector<16xi1>, vector<16xi32>
        %parallel_loop3A_823 = arith.addi %parallel_loop3A_788, %parallel_loop3A_822 : vector<16xi32>
        %parallel_loop3A_824 = arith.constant 16 : i32
        %parallel_loop3A_825 = arith.muli %parallel_loop3A_527, %parallel_loop3A_824 : i32
        %parallel_loop3A_826 = arith.constant 8 : i32
        %parallel_loop3A_827 = arith.addi %parallel_loop3A_825, %parallel_loop3A_826 : i32
        %parallel_loop3A_828 = vector.extract_strided_slice %parallel_loop3A_534 {offsets = [8], sizes = [1], strides = [1]} : vector<16xf32> to vector<1xf32>
        %parallel_loop3A_829 = vector.extract %parallel_loop3A_828[0] : f32 from vector<1xf32>
        %parallel_loop3A_830 = arith.index_cast %parallel_loop3A_827 : i32 to index
        %parallel_loop3A_831 = arith.constant 0 : index
        %parallel_loop3A_832 = tpu.vector_load %arg5[%parallel_loop3A_830, %parallel_loop3A_831] {strides = array<i32>} : memref<256x32xf32, #tpu.memory_space<vmem>>, vector<16xf32>,
        %parallel_loop3A_833 = vector.broadcast %parallel_loop3A_829 : f32 to vector<16xf32>
        %parallel_loop3A_834 = arith.minimumf %parallel_loop3A_832, %parallel_loop3A_833 : vector<16xf32>
        %parallel_loop3A_835 = arith.index_cast %parallel_loop3A_827 : i32 to index
        %parallel_loop3A_836 = arith.constant 16 : index
        %parallel_loop3A_837 = tpu.vector_load %arg5[%parallel_loop3A_835, %parallel_loop3A_836] {strides = array<i32>} : memref<256x32xf32, #tpu.memory_space<vmem>>, vector<16xf32>,
        %parallel_loop3A_838 = vector.broadcast %parallel_loop3A_829 : f32 to vector<16xf32>
        %parallel_loop3A_839 = arith.minimumf %parallel_loop3A_837, %parallel_loop3A_838 : vector<16xf32>
        %parallel_loop3A_840 = arith.cmpf ogt, %parallel_loop3A_834, %scan3A_314 : vector<16xf32>
        %parallel_loop3A_841 = arith.cmpf ogt, %parallel_loop3A_839, %scan3A_315 : vector<16xf32>
        %parallel_loop3A_842 = arith.addi %parallel_loop3A_817, %iota3A : vector<16xi32>
        tpu.vector_store_idx %arg9[%parallel_loop3A_842], %parallel_loop3A_834 masked %parallel_loop3A_840 : memref<57344xf32, #tpu.memory_space<vmem>>[vector<16xi32>], vector<16xf32>, vector<16xi1>
        %parallel_loop3A_843 = arith.addi %parallel_loop3A_823, %iota3A : vector<16xi32>
        %parallel_loop3A_844 = arith.constant 16 : i32
        %parallel_loop3A_845 = vector.broadcast %parallel_loop3A_844 : i32 to vector<16xi32>
        %parallel_loop3A_846 = arith.addi %parallel_loop3A_843, %parallel_loop3A_845 : vector<16xi32>
        tpu.vector_store_idx %arg9[%parallel_loop3A_846], %parallel_loop3A_839 masked %parallel_loop3A_841 : memref<57344xf32, #tpu.memory_space<vmem>>[vector<16xi32>], vector<16xf32>, vector<16xi1>
        %parallel_loop3A_847 = arith.constant 32 : i32
        %parallel_loop3A_848 = arith.constant 0 : i32
        %parallel_loop3A_849 = vector.broadcast %parallel_loop3A_847 : i32 to vector<16xi32>
        %parallel_loop3A_850 = vector.broadcast %parallel_loop3A_848 : i32 to vector<16xi32>
        %parallel_loop3A_851 = arith.select %parallel_loop3A_840, %parallel_loop3A_849, %parallel_loop3A_850 : vector<16xi1>, vector<16xi32>
        %parallel_loop3A_852 = arith.addi %parallel_loop3A_817, %parallel_loop3A_851 : vector<16xi32>
        %parallel_loop3A_853 = arith.constant 32 : i32
        %parallel_loop3A_854 = arith.constant 0 : i32
        %parallel_loop3A_855 = vector.broadcast %parallel_loop3A_853 : i32 to vector<16xi32>
        %parallel_loop3A_856 = vector.broadcast %parallel_loop3A_854 : i32 to vector<16xi32>
        %parallel_loop3A_857 = arith.select %parallel_loop3A_841, %parallel_loop3A_855, %parallel_loop3A_856 : vector<16xi1>, vector<16xi32>
        %parallel_loop3A_858 = arith.addi %parallel_loop3A_823, %parallel_loop3A_857 : vector<16xi32>
        %parallel_loop3A_859 = arith.constant 16 : i32
        %parallel_loop3A_860 = arith.muli %parallel_loop3A_527, %parallel_loop3A_859 : i32
        %parallel_loop3A_861 = arith.constant 9 : i32
        %parallel_loop3A_862 = arith.addi %parallel_loop3A_860, %parallel_loop3A_861 : i32
        %parallel_loop3A_863 = vector.extract_strided_slice %parallel_loop3A_534 {offsets = [9], sizes = [1], strides = [1]} : vector<16xf32> to vector<1xf32>
        %parallel_loop3A_864 = vector.extract %parallel_loop3A_863[0] : f32 from vector<1xf32>
        %parallel_loop3A_865 = arith.index_cast %parallel_loop3A_862 : i32 to index
        %parallel_loop3A_866 = arith.constant 0 : index
        %parallel_loop3A_867 = tpu.vector_load %arg5[%parallel_loop3A_865, %parallel_loop3A_866] {strides = array<i32>} : memref<256x32xf32, #tpu.memory_space<vmem>>, vector<16xf32>,
        %parallel_loop3A_868 = vector.broadcast %parallel_loop3A_864 : f32 to vector<16xf32>
        %parallel_loop3A_869 = arith.minimumf %parallel_loop3A_867, %parallel_loop3A_868 : vector<16xf32>
        %parallel_loop3A_870 = arith.index_cast %parallel_loop3A_862 : i32 to index
        %parallel_loop3A_871 = arith.constant 16 : index
        %parallel_loop3A_872 = tpu.vector_load %arg5[%parallel_loop3A_870, %parallel_loop3A_871] {strides = array<i32>} : memref<256x32xf32, #tpu.memory_space<vmem>>, vector<16xf32>,
        %parallel_loop3A_873 = vector.broadcast %parallel_loop3A_864 : f32 to vector<16xf32>
        %parallel_loop3A_874 = arith.minimumf %parallel_loop3A_872, %parallel_loop3A_873 : vector<16xf32>
        %parallel_loop3A_875 = arith.cmpf ogt, %parallel_loop3A_869, %scan3A_314 : vector<16xf32>
        %parallel_loop3A_876 = arith.cmpf ogt, %parallel_loop3A_874, %scan3A_315 : vector<16xf32>
        %parallel_loop3A_877 = arith.addi %parallel_loop3A_852, %iota3A : vector<16xi32>
        tpu.vector_store_idx %arg9[%parallel_loop3A_877], %parallel_loop3A_869 masked %parallel_loop3A_875 : memref<57344xf32, #tpu.memory_space<vmem>>[vector<16xi32>], vector<16xf32>, vector<16xi1>
        %parallel_loop3A_878 = arith.addi %parallel_loop3A_858, %iota3A : vector<16xi32>
        %parallel_loop3A_879 = arith.constant 16 : i32
        %parallel_loop3A_880 = vector.broadcast %parallel_loop3A_879 : i32 to vector<16xi32>
        %parallel_loop3A_881 = arith.addi %parallel_loop3A_878, %parallel_loop3A_880 : vector<16xi32>
        tpu.vector_store_idx %arg9[%parallel_loop3A_881], %parallel_loop3A_874 masked %parallel_loop3A_876 : memref<57344xf32, #tpu.memory_space<vmem>>[vector<16xi32>], vector<16xf32>, vector<16xi1>
        %parallel_loop3A_882 = arith.constant 32 : i32
        %parallel_loop3A_883 = arith.constant 0 : i32
        %parallel_loop3A_884 = vector.broadcast %parallel_loop3A_882 : i32 to vector<16xi32>
        %parallel_loop3A_885 = vector.broadcast %parallel_loop3A_883 : i32 to vector<16xi32>
        %parallel_loop3A_886 = arith.select %parallel_loop3A_875, %parallel_loop3A_884, %parallel_loop3A_885 : vector<16xi1>, vector<16xi32>
        %parallel_loop3A_887 = arith.addi %parallel_loop3A_852, %parallel_loop3A_886 : vector<16xi32>
        %parallel_loop3A_888 = arith.constant 32 : i32
        %parallel_loop3A_889 = arith.constant 0 : i32
        %parallel_loop3A_890 = vector.broadcast %parallel_loop3A_888 : i32 to vector<16xi32>
        %parallel_loop3A_891 = vector.broadcast %parallel_loop3A_889 : i32 to vector<16xi32>
        %parallel_loop3A_892 = arith.select %parallel_loop3A_876, %parallel_loop3A_890, %parallel_loop3A_891 : vector<16xi1>, vector<16xi32>
        %parallel_loop3A_893 = arith.addi %parallel_loop3A_858, %parallel_loop3A_892 : vector<16xi32>
        %parallel_loop3A_894 = arith.constant 16 : i32
        %parallel_loop3A_895 = arith.muli %parallel_loop3A_527, %parallel_loop3A_894 : i32
        %parallel_loop3A_896 = arith.constant 10 : i32
        %parallel_loop3A_897 = arith.addi %parallel_loop3A_895, %parallel_loop3A_896 : i32
        %parallel_loop3A_898 = vector.extract_strided_slice %parallel_loop3A_534 {offsets = [10], sizes = [1], strides = [1]} : vector<16xf32> to vector<1xf32>
        %parallel_loop3A_899 = vector.extract %parallel_loop3A_898[0] : f32 from vector<1xf32>
        %parallel_loop3A_900 = arith.index_cast %parallel_loop3A_897 : i32 to index
        %parallel_loop3A_901 = arith.constant 0 : index
        %parallel_loop3A_902 = tpu.vector_load %arg5[%parallel_loop3A_900, %parallel_loop3A_901] {strides = array<i32>} : memref<256x32xf32, #tpu.memory_space<vmem>>, vector<16xf32>,
        %parallel_loop3A_903 = vector.broadcast %parallel_loop3A_899 : f32 to vector<16xf32>
        %parallel_loop3A_904 = arith.minimumf %parallel_loop3A_902, %parallel_loop3A_903 : vector<16xf32>
        %parallel_loop3A_905 = arith.index_cast %parallel_loop3A_897 : i32 to index
        %parallel_loop3A_906 = arith.constant 16 : index
        %parallel_loop3A_907 = tpu.vector_load %arg5[%parallel_loop3A_905, %parallel_loop3A_906] {strides = array<i32>} : memref<256x32xf32, #tpu.memory_space<vmem>>, vector<16xf32>,
        %parallel_loop3A_908 = vector.broadcast %parallel_loop3A_899 : f32 to vector<16xf32>
        %parallel_loop3A_909 = arith.minimumf %parallel_loop3A_907, %parallel_loop3A_908 : vector<16xf32>
        %parallel_loop3A_910 = arith.cmpf ogt, %parallel_loop3A_904, %scan3A_314 : vector<16xf32>
        %parallel_loop3A_911 = arith.cmpf ogt, %parallel_loop3A_909, %scan3A_315 : vector<16xf32>
        %parallel_loop3A_912 = arith.addi %parallel_loop3A_887, %iota3A : vector<16xi32>
        tpu.vector_store_idx %arg9[%parallel_loop3A_912], %parallel_loop3A_904 masked %parallel_loop3A_910 : memref<57344xf32, #tpu.memory_space<vmem>>[vector<16xi32>], vector<16xf32>, vector<16xi1>
        %parallel_loop3A_913 = arith.addi %parallel_loop3A_893, %iota3A : vector<16xi32>
        %parallel_loop3A_914 = arith.constant 16 : i32
        %parallel_loop3A_915 = vector.broadcast %parallel_loop3A_914 : i32 to vector<16xi32>
        %parallel_loop3A_916 = arith.addi %parallel_loop3A_913, %parallel_loop3A_915 : vector<16xi32>
        tpu.vector_store_idx %arg9[%parallel_loop3A_916], %parallel_loop3A_909 masked %parallel_loop3A_911 : memref<57344xf32, #tpu.memory_space<vmem>>[vector<16xi32>], vector<16xf32>, vector<16xi1>
        %parallel_loop3A_917 = arith.constant 32 : i32
        %parallel_loop3A_918 = arith.constant 0 : i32
        %parallel_loop3A_919 = vector.broadcast %parallel_loop3A_917 : i32 to vector<16xi32>
        %parallel_loop3A_920 = vector.broadcast %parallel_loop3A_918 : i32 to vector<16xi32>
        %parallel_loop3A_921 = arith.select %parallel_loop3A_910, %parallel_loop3A_919, %parallel_loop3A_920 : vector<16xi1>, vector<16xi32>
        %parallel_loop3A_922 = arith.addi %parallel_loop3A_887, %parallel_loop3A_921 : vector<16xi32>
        %parallel_loop3A_923 = arith.constant 32 : i32
        %parallel_loop3A_924 = arith.constant 0 : i32
        %parallel_loop3A_925 = vector.broadcast %parallel_loop3A_923 : i32 to vector<16xi32>
        %parallel_loop3A_926 = vector.broadcast %parallel_loop3A_924 : i32 to vector<16xi32>
        %parallel_loop3A_927 = arith.select %parallel_loop3A_911, %parallel_loop3A_925, %parallel_loop3A_926 : vector<16xi1>, vector<16xi32>
        %parallel_loop3A_928 = arith.addi %parallel_loop3A_893, %parallel_loop3A_927 : vector<16xi32>
        %parallel_loop3A_929 = arith.constant 16 : i32
        %parallel_loop3A_930 = arith.muli %parallel_loop3A_527, %parallel_loop3A_929 : i32
        %parallel_loop3A_931 = arith.constant 11 : i32
        %parallel_loop3A_932 = arith.addi %parallel_loop3A_930, %parallel_loop3A_931 : i32
        %parallel_loop3A_933 = vector.extract_strided_slice %parallel_loop3A_534 {offsets = [11], sizes = [1], strides = [1]} : vector<16xf32> to vector<1xf32>
        %parallel_loop3A_934 = vector.extract %parallel_loop3A_933[0] : f32 from vector<1xf32>
        %parallel_loop3A_935 = arith.index_cast %parallel_loop3A_932 : i32 to index
        %parallel_loop3A_936 = arith.constant 0 : index
        %parallel_loop3A_937 = tpu.vector_load %arg5[%parallel_loop3A_935, %parallel_loop3A_936] {strides = array<i32>} : memref<256x32xf32, #tpu.memory_space<vmem>>, vector<16xf32>,
        %parallel_loop3A_938 = vector.broadcast %parallel_loop3A_934 : f32 to vector<16xf32>
        %parallel_loop3A_939 = arith.minimumf %parallel_loop3A_937, %parallel_loop3A_938 : vector<16xf32>
        %parallel_loop3A_940 = arith.index_cast %parallel_loop3A_932 : i32 to index
        %parallel_loop3A_941 = arith.constant 16 : index
        %parallel_loop3A_942 = tpu.vector_load %arg5[%parallel_loop3A_940, %parallel_loop3A_941] {strides = array<i32>} : memref<256x32xf32, #tpu.memory_space<vmem>>, vector<16xf32>,
        %parallel_loop3A_943 = vector.broadcast %parallel_loop3A_934 : f32 to vector<16xf32>
        %parallel_loop3A_944 = arith.minimumf %parallel_loop3A_942, %parallel_loop3A_943 : vector<16xf32>
        %parallel_loop3A_945 = arith.cmpf ogt, %parallel_loop3A_939, %scan3A_314 : vector<16xf32>
        %parallel_loop3A_946 = arith.cmpf ogt, %parallel_loop3A_944, %scan3A_315 : vector<16xf32>
        %parallel_loop3A_947 = arith.addi %parallel_loop3A_922, %iota3A : vector<16xi32>
        tpu.vector_store_idx %arg9[%parallel_loop3A_947], %parallel_loop3A_939 masked %parallel_loop3A_945 : memref<57344xf32, #tpu.memory_space<vmem>>[vector<16xi32>], vector<16xf32>, vector<16xi1>
        %parallel_loop3A_948 = arith.addi %parallel_loop3A_928, %iota3A : vector<16xi32>
        %parallel_loop3A_949 = arith.constant 16 : i32
        %parallel_loop3A_950 = vector.broadcast %parallel_loop3A_949 : i32 to vector<16xi32>
        %parallel_loop3A_951 = arith.addi %parallel_loop3A_948, %parallel_loop3A_950 : vector<16xi32>
        tpu.vector_store_idx %arg9[%parallel_loop3A_951], %parallel_loop3A_944 masked %parallel_loop3A_946 : memref<57344xf32, #tpu.memory_space<vmem>>[vector<16xi32>], vector<16xf32>, vector<16xi1>
        %parallel_loop3A_952 = arith.constant 32 : i32
        %parallel_loop3A_953 = arith.constant 0 : i32
        %parallel_loop3A_954 = vector.broadcast %parallel_loop3A_952 : i32 to vector<16xi32>
        %parallel_loop3A_955 = vector.broadcast %parallel_loop3A_953 : i32 to vector<16xi32>
        %parallel_loop3A_956 = arith.select %parallel_loop3A_945, %parallel_loop3A_954, %parallel_loop3A_955 : vector<16xi1>, vector<16xi32>
        %parallel_loop3A_957 = arith.addi %parallel_loop3A_922, %parallel_loop3A_956 : vector<16xi32>
        %parallel_loop3A_958 = arith.constant 32 : i32
        %parallel_loop3A_959 = arith.constant 0 : i32
        %parallel_loop3A_960 = vector.broadcast %parallel_loop3A_958 : i32 to vector<16xi32>
        %parallel_loop3A_961 = vector.broadcast %parallel_loop3A_959 : i32 to vector<16xi32>
        %parallel_loop3A_962 = arith.select %parallel_loop3A_946, %parallel_loop3A_960, %parallel_loop3A_961 : vector<16xi1>, vector<16xi32>
        %parallel_loop3A_963 = arith.addi %parallel_loop3A_928, %parallel_loop3A_962 : vector<16xi32>
        %parallel_loop3A_964 = arith.constant 16 : i32
        %parallel_loop3A_965 = arith.muli %parallel_loop3A_527, %parallel_loop3A_964 : i32
        %parallel_loop3A_966 = arith.constant 12 : i32
        %parallel_loop3A_967 = arith.addi %parallel_loop3A_965, %parallel_loop3A_966 : i32
        %parallel_loop3A_968 = vector.extract_strided_slice %parallel_loop3A_534 {offsets = [12], sizes = [1], strides = [1]} : vector<16xf32> to vector<1xf32>
        %parallel_loop3A_969 = vector.extract %parallel_loop3A_968[0] : f32 from vector<1xf32>
        %parallel_loop3A_970 = arith.index_cast %parallel_loop3A_967 : i32 to index
        %parallel_loop3A_971 = arith.constant 0 : index
        %parallel_loop3A_972 = tpu.vector_load %arg5[%parallel_loop3A_970, %parallel_loop3A_971] {strides = array<i32>} : memref<256x32xf32, #tpu.memory_space<vmem>>, vector<16xf32>,
        %parallel_loop3A_973 = vector.broadcast %parallel_loop3A_969 : f32 to vector<16xf32>
        %parallel_loop3A_974 = arith.minimumf %parallel_loop3A_972, %parallel_loop3A_973 : vector<16xf32>
        %parallel_loop3A_975 = arith.index_cast %parallel_loop3A_967 : i32 to index
        %parallel_loop3A_976 = arith.constant 16 : index
        %parallel_loop3A_977 = tpu.vector_load %arg5[%parallel_loop3A_975, %parallel_loop3A_976] {strides = array<i32>} : memref<256x32xf32, #tpu.memory_space<vmem>>, vector<16xf32>,
        %parallel_loop3A_978 = vector.broadcast %parallel_loop3A_969 : f32 to vector<16xf32>
        %parallel_loop3A_979 = arith.minimumf %parallel_loop3A_977, %parallel_loop3A_978 : vector<16xf32>
        %parallel_loop3A_980 = arith.cmpf ogt, %parallel_loop3A_974, %scan3A_314 : vector<16xf32>
        %parallel_loop3A_981 = arith.cmpf ogt, %parallel_loop3A_979, %scan3A_315 : vector<16xf32>
        %parallel_loop3A_982 = arith.addi %parallel_loop3A_957, %iota3A : vector<16xi32>
        tpu.vector_store_idx %arg9[%parallel_loop3A_982], %parallel_loop3A_974 masked %parallel_loop3A_980 : memref<57344xf32, #tpu.memory_space<vmem>>[vector<16xi32>], vector<16xf32>, vector<16xi1>
        %parallel_loop3A_983 = arith.addi %parallel_loop3A_963, %iota3A : vector<16xi32>
        %parallel_loop3A_984 = arith.constant 16 : i32
        %parallel_loop3A_985 = vector.broadcast %parallel_loop3A_984 : i32 to vector<16xi32>
        %parallel_loop3A_986 = arith.addi %parallel_loop3A_983, %parallel_loop3A_985 : vector<16xi32>
        tpu.vector_store_idx %arg9[%parallel_loop3A_986], %parallel_loop3A_979 masked %parallel_loop3A_981 : memref<57344xf32, #tpu.memory_space<vmem>>[vector<16xi32>], vector<16xf32>, vector<16xi1>
        %parallel_loop3A_987 = arith.constant 32 : i32
        %parallel_loop3A_988 = arith.constant 0 : i32
        %parallel_loop3A_989 = vector.broadcast %parallel_loop3A_987 : i32 to vector<16xi32>
        %parallel_loop3A_990 = vector.broadcast %parallel_loop3A_988 : i32 to vector<16xi32>
        %parallel_loop3A_991 = arith.select %parallel_loop3A_980, %parallel_loop3A_989, %parallel_loop3A_990 : vector<16xi1>, vector<16xi32>
        %parallel_loop3A_992 = arith.addi %parallel_loop3A_957, %parallel_loop3A_991 : vector<16xi32>
        %parallel_loop3A_993 = arith.constant 32 : i32
        %parallel_loop3A_994 = arith.constant 0 : i32
        %parallel_loop3A_995 = vector.broadcast %parallel_loop3A_993 : i32 to vector<16xi32>
        %parallel_loop3A_996 = vector.broadcast %parallel_loop3A_994 : i32 to vector<16xi32>
        %parallel_loop3A_997 = arith.select %parallel_loop3A_981, %parallel_loop3A_995, %parallel_loop3A_996 : vector<16xi1>, vector<16xi32>
        %parallel_loop3A_998 = arith.addi %parallel_loop3A_963, %parallel_loop3A_997 : vector<16xi32>
        %parallel_loop3A_999 = arith.constant 16 : i32
        %parallel_loop3A_1000 = arith.muli %parallel_loop3A_527, %parallel_loop3A_999 : i32
        %parallel_loop3A_1001 = arith.constant 13 : i32
        %parallel_loop3A_1002 = arith.addi %parallel_loop3A_1000, %parallel_loop3A_1001 : i32
        %parallel_loop3A_1003 = vector.extract_strided_slice %parallel_loop3A_534 {offsets = [13], sizes = [1], strides = [1]} : vector<16xf32> to vector<1xf32>
        %parallel_loop3A_1004 = vector.extract %parallel_loop3A_1003[0] : f32 from vector<1xf32>
        %parallel_loop3A_1005 = arith.index_cast %parallel_loop3A_1002 : i32 to index
        %parallel_loop3A_1006 = arith.constant 0 : index
        %parallel_loop3A_1007 = tpu.vector_load %arg5[%parallel_loop3A_1005, %parallel_loop3A_1006] {strides = array<i32>} : memref<256x32xf32, #tpu.memory_space<vmem>>, vector<16xf32>,
        %parallel_loop3A_1008 = vector.broadcast %parallel_loop3A_1004 : f32 to vector<16xf32>
        %parallel_loop3A_1009 = arith.minimumf %parallel_loop3A_1007, %parallel_loop3A_1008 : vector<16xf32>
        %parallel_loop3A_1010 = arith.index_cast %parallel_loop3A_1002 : i32 to index
        %parallel_loop3A_1011 = arith.constant 16 : index
        %parallel_loop3A_1012 = tpu.vector_load %arg5[%parallel_loop3A_1010, %parallel_loop3A_1011] {strides = array<i32>} : memref<256x32xf32, #tpu.memory_space<vmem>>, vector<16xf32>,
        %parallel_loop3A_1013 = vector.broadcast %parallel_loop3A_1004 : f32 to vector<16xf32>
        %parallel_loop3A_1014 = arith.minimumf %parallel_loop3A_1012, %parallel_loop3A_1013 : vector<16xf32>
        %parallel_loop3A_1015 = arith.cmpf ogt, %parallel_loop3A_1009, %scan3A_314 : vector<16xf32>
        %parallel_loop3A_1016 = arith.cmpf ogt, %parallel_loop3A_1014, %scan3A_315 : vector<16xf32>
        %parallel_loop3A_1017 = arith.addi %parallel_loop3A_992, %iota3A : vector<16xi32>
        tpu.vector_store_idx %arg9[%parallel_loop3A_1017], %parallel_loop3A_1009 masked %parallel_loop3A_1015 : memref<57344xf32, #tpu.memory_space<vmem>>[vector<16xi32>], vector<16xf32>, vector<16xi1>
        %parallel_loop3A_1018 = arith.addi %parallel_loop3A_998, %iota3A : vector<16xi32>
        %parallel_loop3A_1019 = arith.constant 16 : i32
        %parallel_loop3A_1020 = vector.broadcast %parallel_loop3A_1019 : i32 to vector<16xi32>
        %parallel_loop3A_1021 = arith.addi %parallel_loop3A_1018, %parallel_loop3A_1020 : vector<16xi32>
        tpu.vector_store_idx %arg9[%parallel_loop3A_1021], %parallel_loop3A_1014 masked %parallel_loop3A_1016 : memref<57344xf32, #tpu.memory_space<vmem>>[vector<16xi32>], vector<16xf32>, vector<16xi1>
        %parallel_loop3A_1022 = arith.constant 32 : i32
        %parallel_loop3A_1023 = arith.constant 0 : i32
        %parallel_loop3A_1024 = vector.broadcast %parallel_loop3A_1022 : i32 to vector<16xi32>
        %parallel_loop3A_1025 = vector.broadcast %parallel_loop3A_1023 : i32 to vector<16xi32>
        %parallel_loop3A_1026 = arith.select %parallel_loop3A_1015, %parallel_loop3A_1024, %parallel_loop3A_1025 : vector<16xi1>, vector<16xi32>
        %parallel_loop3A_1027 = arith.addi %parallel_loop3A_992, %parallel_loop3A_1026 : vector<16xi32>
        %parallel_loop3A_1028 = arith.constant 32 : i32
        %parallel_loop3A_1029 = arith.constant 0 : i32
        %parallel_loop3A_1030 = vector.broadcast %parallel_loop3A_1028 : i32 to vector<16xi32>
        %parallel_loop3A_1031 = vector.broadcast %parallel_loop3A_1029 : i32 to vector<16xi32>
        %parallel_loop3A_1032 = arith.select %parallel_loop3A_1016, %parallel_loop3A_1030, %parallel_loop3A_1031 : vector<16xi1>, vector<16xi32>
        %parallel_loop3A_1033 = arith.addi %parallel_loop3A_998, %parallel_loop3A_1032 : vector<16xi32>
        %parallel_loop3A_1034 = arith.constant 16 : i32
        %parallel_loop3A_1035 = arith.muli %parallel_loop3A_527, %parallel_loop3A_1034 : i32
        %parallel_loop3A_1036 = arith.constant 14 : i32
        %parallel_loop3A_1037 = arith.addi %parallel_loop3A_1035, %parallel_loop3A_1036 : i32
        %parallel_loop3A_1038 = vector.extract_strided_slice %parallel_loop3A_534 {offsets = [14], sizes = [1], strides = [1]} : vector<16xf32> to vector<1xf32>
        %parallel_loop3A_1039 = vector.extract %parallel_loop3A_1038[0] : f32 from vector<1xf32>
        %parallel_loop3A_1040 = arith.index_cast %parallel_loop3A_1037 : i32 to index
        %parallel_loop3A_1041 = arith.constant 0 : index
        %parallel_loop3A_1042 = tpu.vector_load %arg5[%parallel_loop3A_1040, %parallel_loop3A_1041] {strides = array<i32>} : memref<256x32xf32, #tpu.memory_space<vmem>>, vector<16xf32>,
        %parallel_loop3A_1043 = vector.broadcast %parallel_loop3A_1039 : f32 to vector<16xf32>
        %parallel_loop3A_1044 = arith.minimumf %parallel_loop3A_1042, %parallel_loop3A_1043 : vector<16xf32>
        %parallel_loop3A_1045 = arith.index_cast %parallel_loop3A_1037 : i32 to index
        %parallel_loop3A_1046 = arith.constant 16 : index
        %parallel_loop3A_1047 = tpu.vector_load %arg5[%parallel_loop3A_1045, %parallel_loop3A_1046] {strides = array<i32>} : memref<256x32xf32, #tpu.memory_space<vmem>>, vector<16xf32>,
        %parallel_loop3A_1048 = vector.broadcast %parallel_loop3A_1039 : f32 to vector<16xf32>
        %parallel_loop3A_1049 = arith.minimumf %parallel_loop3A_1047, %parallel_loop3A_1048 : vector<16xf32>
        %parallel_loop3A_1050 = arith.cmpf ogt, %parallel_loop3A_1044, %scan3A_314 : vector<16xf32>
        %parallel_loop3A_1051 = arith.cmpf ogt, %parallel_loop3A_1049, %scan3A_315 : vector<16xf32>
        %parallel_loop3A_1052 = arith.addi %parallel_loop3A_1027, %iota3A : vector<16xi32>
        tpu.vector_store_idx %arg9[%parallel_loop3A_1052], %parallel_loop3A_1044 masked %parallel_loop3A_1050 : memref<57344xf32, #tpu.memory_space<vmem>>[vector<16xi32>], vector<16xf32>, vector<16xi1>
        %parallel_loop3A_1053 = arith.addi %parallel_loop3A_1033, %iota3A : vector<16xi32>
        %parallel_loop3A_1054 = arith.constant 16 : i32
        %parallel_loop3A_1055 = vector.broadcast %parallel_loop3A_1054 : i32 to vector<16xi32>
        %parallel_loop3A_1056 = arith.addi %parallel_loop3A_1053, %parallel_loop3A_1055 : vector<16xi32>
        tpu.vector_store_idx %arg9[%parallel_loop3A_1056], %parallel_loop3A_1049 masked %parallel_loop3A_1051 : memref<57344xf32, #tpu.memory_space<vmem>>[vector<16xi32>], vector<16xf32>, vector<16xi1>
        %parallel_loop3A_1057 = arith.constant 32 : i32
        %parallel_loop3A_1058 = arith.constant 0 : i32
        %parallel_loop3A_1059 = vector.broadcast %parallel_loop3A_1057 : i32 to vector<16xi32>
        %parallel_loop3A_1060 = vector.broadcast %parallel_loop3A_1058 : i32 to vector<16xi32>
        %parallel_loop3A_1061 = arith.select %parallel_loop3A_1050, %parallel_loop3A_1059, %parallel_loop3A_1060 : vector<16xi1>, vector<16xi32>
        %parallel_loop3A_1062 = arith.addi %parallel_loop3A_1027, %parallel_loop3A_1061 : vector<16xi32>
        %parallel_loop3A_1063 = arith.constant 32 : i32
        %parallel_loop3A_1064 = arith.constant 0 : i32
        %parallel_loop3A_1065 = vector.broadcast %parallel_loop3A_1063 : i32 to vector<16xi32>
        %parallel_loop3A_1066 = vector.broadcast %parallel_loop3A_1064 : i32 to vector<16xi32>
        %parallel_loop3A_1067 = arith.select %parallel_loop3A_1051, %parallel_loop3A_1065, %parallel_loop3A_1066 : vector<16xi1>, vector<16xi32>
        %parallel_loop3A_1068 = arith.addi %parallel_loop3A_1033, %parallel_loop3A_1067 : vector<16xi32>
        %parallel_loop3A_1069 = arith.constant 16 : i32
        %parallel_loop3A_1070 = arith.muli %parallel_loop3A_527, %parallel_loop3A_1069 : i32
        %parallel_loop3A_1071 = arith.constant 15 : i32
        %parallel_loop3A_1072 = arith.addi %parallel_loop3A_1070, %parallel_loop3A_1071 : i32
        %parallel_loop3A_1073 = vector.extract_strided_slice %parallel_loop3A_534 {offsets = [15], sizes = [1], strides = [1]} : vector<16xf32> to vector<1xf32>
        %parallel_loop3A_1074 = vector.extract %parallel_loop3A_1073[0] : f32 from vector<1xf32>
        %parallel_loop3A_1075 = arith.index_cast %parallel_loop3A_1072 : i32 to index
        %parallel_loop3A_1076 = arith.constant 0 : index
        %parallel_loop3A_1077 = tpu.vector_load %arg5[%parallel_loop3A_1075, %parallel_loop3A_1076] {strides = array<i32>} : memref<256x32xf32, #tpu.memory_space<vmem>>, vector<16xf32>,
        %parallel_loop3A_1078 = vector.broadcast %parallel_loop3A_1074 : f32 to vector<16xf32>
        %parallel_loop3A_1079 = arith.minimumf %parallel_loop3A_1077, %parallel_loop3A_1078 : vector<16xf32>
        %parallel_loop3A_1080 = arith.index_cast %parallel_loop3A_1072 : i32 to index
        %parallel_loop3A_1081 = arith.constant 16 : index
        %parallel_loop3A_1082 = tpu.vector_load %arg5[%parallel_loop3A_1080, %parallel_loop3A_1081] {strides = array<i32>} : memref<256x32xf32, #tpu.memory_space<vmem>>, vector<16xf32>,
        %parallel_loop3A_1083 = vector.broadcast %parallel_loop3A_1074 : f32 to vector<16xf32>
        %parallel_loop3A_1084 = arith.minimumf %parallel_loop3A_1082, %parallel_loop3A_1083 : vector<16xf32>
        %parallel_loop3A_1085 = arith.cmpf ogt, %parallel_loop3A_1079, %scan3A_314 : vector<16xf32>
        %parallel_loop3A_1086 = arith.cmpf ogt, %parallel_loop3A_1084, %scan3A_315 : vector<16xf32>
        %parallel_loop3A_1087 = arith.addi %parallel_loop3A_1062, %iota3A : vector<16xi32>
        tpu.vector_store_idx %arg9[%parallel_loop3A_1087], %parallel_loop3A_1079 masked %parallel_loop3A_1085 : memref<57344xf32, #tpu.memory_space<vmem>>[vector<16xi32>], vector<16xf32>, vector<16xi1>
        %parallel_loop3A_1088 = arith.addi %parallel_loop3A_1068, %iota3A : vector<16xi32>
        %parallel_loop3A_1089 = arith.constant 16 : i32
        %parallel_loop3A_1090 = vector.broadcast %parallel_loop3A_1089 : i32 to vector<16xi32>
        %parallel_loop3A_1091 = arith.addi %parallel_loop3A_1088, %parallel_loop3A_1090 : vector<16xi32>
        tpu.vector_store_idx %arg9[%parallel_loop3A_1091], %parallel_loop3A_1084 masked %parallel_loop3A_1086 : memref<57344xf32, #tpu.memory_space<vmem>>[vector<16xi32>], vector<16xf32>, vector<16xi1>
        %parallel_loop3A_1092 = arith.constant 32 : i32
        %parallel_loop3A_1093 = arith.constant 0 : i32
        %parallel_loop3A_1094 = vector.broadcast %parallel_loop3A_1092 : i32 to vector<16xi32>
        %parallel_loop3A_1095 = vector.broadcast %parallel_loop3A_1093 : i32 to vector<16xi32>
        %parallel_loop3A_1096 = arith.select %parallel_loop3A_1085, %parallel_loop3A_1094, %parallel_loop3A_1095 : vector<16xi1>, vector<16xi32>
        %parallel_loop3A_1097 = arith.addi %parallel_loop3A_1062, %parallel_loop3A_1096 : vector<16xi32>
        %parallel_loop3A_1098 = arith.constant 32 : i32
        %parallel_loop3A_1099 = arith.constant 0 : i32
        %parallel_loop3A_1100 = vector.broadcast %parallel_loop3A_1098 : i32 to vector<16xi32>
        %parallel_loop3A_1101 = vector.broadcast %parallel_loop3A_1099 : i32 to vector<16xi32>
        %parallel_loop3A_1102 = arith.select %parallel_loop3A_1086, %parallel_loop3A_1100, %parallel_loop3A_1101 : vector<16xi1>, vector<16xi32>
        %parallel_loop3A_1103 = arith.addi %parallel_loop3A_1068, %parallel_loop3A_1102 : vector<16xi32>
        %parallel_loop3A_1104 = arith.minsi %parallel_loop3A_1097, %broadcast_in_dim3A_7 : vector<16xi32>
        %parallel_loop3A_1105 = arith.minsi %parallel_loop3A_1103, %broadcast_in_dim3A_7 : vector<16xi32>
        scf.yield %parallel_loop3A_1104, %parallel_loop3A_1105, %parallel_loop3A_543 : vector<16xi32>, vector<16xi32>, vector<16xi32>
      } {sc.loop_unroll_factor = 1 : i64, sc.parallel_access}
      %add3A_337 = arith.constant 2 : i32
      %add3A_338 = arith.addi %mul3A_320, %add3A_337 : i32
      %lt3A_339 = arith.constant 128 : i32
      %lt3A_340 = arith.cmpi slt, %add3A_338, %lt3A_339 : i32
      %convert_element_type3A_341 = arith.extui %lt3A_340 : i1 to i32
      %cond3A = arith.constant 0 : i32
      %cond3A_342 = arith.cmpi ne, %convert_element_type3A_341, %cond3A : i32
      scf.if %cond3A_342 {
        %add3A_527 = arith.constant 2 : i32
        %add3A_528 = arith.addi %mul3A_320, %add3A_527 : i32
        %mul3A_529 = arith.constant 256 : i32
        %mul3A_530 = arith.muli %add3A_528, %mul3A_529 : i32
        %dma_start3A_531 = arith.constant 0 : i32
        %dma_start3A_532 = tpu.memref_slice %arg2[%add3A, %mul3A_530, %dma_start3A_531] : memref<32x32768x32xf32, #tpu.memory_space<hbm>> -> memref<1x256x32xf32, #tpu.memory_space<hbm>>
        %dma_start3A_533 = tpu.memref_squeeze %dma_start3A_532 : memref<1x256x32xf32, #tpu.memory_space<hbm>> -> memref<256x32xf32, #tpu.memory_space<hbm>>
        %dma_start3A_534 = arith.constant 0 : i32
        %dma_start3A_535 = tpu.memref_slice %arg2[%add3A, %mul3A_530, %dma_start3A_534] : memref<32x32768x32xf32, #tpu.memory_space<hbm>> -> memref<1x256x32xf32, #tpu.memory_space<hbm>>
        %dma_start3A_536 = tpu.memref_squeeze %dma_start3A_535 : memref<1x256x32xf32, #tpu.memory_space<hbm>> -> memref<256x32xf32, #tpu.memory_space<hbm>>
        tpu.enqueue_dma source(%dma_start3A_536 : memref<256x32xf32, #tpu.memory_space<hbm>>) target(%arg5 : memref<256x32xf32, #tpu.memory_space<vmem>>) target_semaphore(%arg11 : memref<!tpu.dma_semaphore, #tpu.memory_space<semaphore_mem>>)
        %mul3A_537 = arith.constant 256 : i32
        %mul3A_538 = arith.muli %add3A_528, %mul3A_537 : i32
        %dma_start3A_539 = tpu.memref_slice %arg3[%add3A, %mul3A_538] : memref<32x32768xf32, #tpu.memory_space<hbm>> -> memref<1x256xf32, #tpu.memory_space<hbm>>
        %dma_start3A_540 = tpu.memref_squeeze %dma_start3A_539 : memref<1x256xf32, #tpu.memory_space<hbm>> -> memref<256xf32, #tpu.memory_space<hbm>>
        %dma_start3A_541 = tpu.memref_slice %arg3[%add3A, %mul3A_538] : memref<32x32768xf32, #tpu.memory_space<hbm>> -> memref<1x256xf32, #tpu.memory_space<hbm>>
        %dma_start3A_542 = tpu.memref_squeeze %dma_start3A_541 : memref<1x256xf32, #tpu.memory_space<hbm>> -> memref<256xf32, #tpu.memory_space<hbm>>
        tpu.enqueue_dma source(%dma_start3A_542 : memref<256xf32, #tpu.memory_space<hbm>>) target(%arg7 : memref<256xf32, #tpu.memory_space<vmem>>) target_semaphore(%arg13 : memref<!tpu.dma_semaphore, #tpu.memory_space<semaphore_mem>>)
      } else {
      }
      %shift_right_arithmetic3A_343 = arith.constant 5 : i32
      %shift_right_arithmetic3A_344 = vector.broadcast %shift_right_arithmetic3A_343 : i32 to vector<16xi32>
      %shift_right_arithmetic3A_345 = arith.shrsi %parallel_loop3A_336#0, %shift_right_arithmetic3A_344 : vector<16xi32>
      %shift_right_arithmetic3A_346 = arith.constant 5 : i32
      %shift_right_arithmetic3A_347 = vector.broadcast %shift_right_arithmetic3A_346 : i32 to vector<16xi32>
      %shift_right_arithmetic3A_348 = arith.shrsi %parallel_loop3A_336#1, %shift_right_arithmetic3A_347 : vector<16xi32>
      %max3A_349 = arith.maxsi %shift_right_arithmetic3A_345, %shift_right_arithmetic3A_348 : vector<16xi32>
      %iota3A_350 = tpu.iota {dimensions = array<i32: 0>} : vector<16xi32>
      %xor3A_351 = arith.constant 8 : i32
      %xor3A_352 = vector.broadcast %xor3A_351 : i32 to vector<16xi32>
      %xor3A_353 = arith.xori %iota3A_350, %xor3A_352 : vector<16xi32>
      %lt3A_354 = arith.constant 0 : i32
      %lt3A_355 = vector.broadcast %lt3A_354 : i32 to vector<16xi32>
      %lt3A_356 = arith.cmpi slt, %xor3A_353, %lt3A_355 : vector<16xi32>
      %add3A_357 = arith.constant 16 : i32
      %add3A_358 = vector.broadcast %add3A_357 : i32 to vector<16xi32>
      %add3A_359 = arith.addi %xor3A_353, %add3A_358 : vector<16xi32>
      %select_n3A_360 = arith.select %lt3A_356, %add3A_359, %xor3A_353 : vector<16xi1>, vector<16xi32>
      %broadcast_in_dim3A_361 = vector.shape_cast %select_n3A_360 : vector<16xi32> to vector<16x1xi32>
      %gather3A_362 = vector.shape_cast %broadcast_in_dim3A_361 : vector<16x1xi32> to vector<16xi32>
      %gather3A_363 = tpu.dynamic_gather %max3A_349[%gather3A_362] in [0] : vector<16xi32>, vector<16xi32> -> vector<16xi32>
      %max3A_364 = arith.maxsi %max3A_349, %gather3A_363 : vector<16xi32>
      %xor3A_365 = arith.constant 4 : i32
      %xor3A_366 = vector.broadcast %xor3A_365 : i32 to vector<16xi32>
      %xor3A_367 = arith.xori %iota3A_350, %xor3A_366 : vector<16xi32>
      %lt3A_368 = arith.constant 0 : i32
      %lt3A_369 = vector.broadcast %lt3A_368 : i32 to vector<16xi32>
      %lt3A_370 = arith.cmpi slt, %xor3A_367, %lt3A_369 : vector<16xi32>
      %add3A_371 = arith.constant 16 : i32
      %add3A_372 = vector.broadcast %add3A_371 : i32 to vector<16xi32>
      %add3A_373 = arith.addi %xor3A_367, %add3A_372 : vector<16xi32>
      %select_n3A_374 = arith.select %lt3A_370, %add3A_373, %xor3A_367 : vector<16xi1>, vector<16xi32>
      %broadcast_in_dim3A_375 = vector.shape_cast %select_n3A_374 : vector<16xi32> to vector<16x1xi32>
      %gather3A_376 = vector.shape_cast %broadcast_in_dim3A_375 : vector<16x1xi32> to vector<16xi32>
      %gather3A_377 = tpu.dynamic_gather %max3A_364[%gather3A_376] in [0] : vector<16xi32>, vector<16xi32> -> vector<16xi32>
      %max3A_378 = arith.maxsi %max3A_364, %gather3A_377 : vector<16xi32>
      %xor3A_379 = arith.constant 2 : i32
      %xor3A_380 = vector.broadcast %xor3A_379 : i32 to vector<16xi32>
      %xor3A_381 = arith.xori %iota3A_350, %xor3A_380 : vector<16xi32>
      %lt3A_382 = arith.constant 0 : i32
      %lt3A_383 = vector.broadcast %lt3A_382 : i32 to vector<16xi32>
      %lt3A_384 = arith.cmpi slt, %xor3A_381, %lt3A_383 : vector<16xi32>
      %add3A_385 = arith.constant 16 : i32
      %add3A_386 = vector.broadcast %add3A_385 : i32 to vector<16xi32>
      %add3A_387 = arith.addi %xor3A_381, %add3A_386 : vector<16xi32>
      %select_n3A_388 = arith.select %lt3A_384, %add3A_387, %xor3A_381 : vector<16xi1>, vector<16xi32>
      %broadcast_in_dim3A_389 = vector.shape_cast %select_n3A_388 : vector<16xi32> to vector<16x1xi32>
      %gather3A_390 = vector.shape_cast %broadcast_in_dim3A_389 : vector<16x1xi32> to vector<16xi32>
      %gather3A_391 = tpu.dynamic_gather %max3A_378[%gather3A_390] in [0] : vector<16xi32>, vector<16xi32> -> vector<16xi32>
      %max3A_392 = arith.maxsi %max3A_378, %gather3A_391 : vector<16xi32>
      %xor3A_393 = arith.constant 1 : i32
      %xor3A_394 = vector.broadcast %xor3A_393 : i32 to vector<16xi32>
      %xor3A_395 = arith.xori %iota3A_350, %xor3A_394 : vector<16xi32>
      %lt3A_396 = arith.constant 0 : i32
      %lt3A_397 = vector.broadcast %lt3A_396 : i32 to vector<16xi32>
      %lt3A_398 = arith.cmpi slt, %xor3A_395, %lt3A_397 : vector<16xi32>
      %add3A_399 = arith.constant 16 : i32
      %add3A_400 = vector.broadcast %add3A_399 : i32 to vector<16xi32>
      %add3A_401 = arith.addi %xor3A_395, %add3A_400 : vector<16xi32>
      %select_n3A_402 = arith.select %lt3A_398, %add3A_401, %xor3A_395 : vector<16xi1>, vector<16xi32>
      %broadcast_in_dim3A_403 = vector.shape_cast %select_n3A_402 : vector<16xi32> to vector<16x1xi32>
      %gather3A_404 = vector.shape_cast %broadcast_in_dim3A_403 : vector<16x1xi32> to vector<16xi32>
      %gather3A_405 = tpu.dynamic_gather %max3A_392[%gather3A_404] in [0] : vector<16xi32>, vector<16xi32> -> vector<16xi32>
      %max3A_406 = arith.maxsi %max3A_392, %gather3A_405 : vector<16xi32>
      %slice3A_407 = vector.extract_strided_slice %max3A_406 {offsets = [0], sizes = [1], strides = [1]} : vector<16xi32> to vector<1xi32>
      %squeeze3A_408 = vector.extract %slice3A_407[0] : i32 from vector<1xi32>
      %gt3A = arith.constant 1516 : i32
      %gt3A_409 = arith.cmpi sgt, %squeeze3A_408, %gt3A : i32
      %convert_element_type3A_410 = arith.extui %gt3A_409 : i1 to i32
      %cond3A_411 = arith.constant 0 : i32
      %cond3A_412 = arith.cmpi ne, %convert_element_type3A_410, %cond3A_411 : i32
      %cond3A_413:4 = scf.if %cond3A_412 -> (vector<16xf32>, vector<16xf32>, vector<16xi32>, vector<16xi32>) {
        %scan3A_527 = arith.constant 0 : i32
        %scan3A_528 = arith.constant 64 : i32
        %scan3A_529 = arith.addi %scan3A_527, %scan3A_528 : i32
        %scan3A_530 = arith.constant 1 : i32
        %scan3A_531:2 = scf.for %scan3A_546 = %scan3A_527 to %scan3A_529 step %scan3A_530 iter_args(%scan3A_547 = %broadcast_in_dim3A_3, %scan3A_548 = %broadcast_in_dim3A_3) -> (vector<16xf32>, vector<16xf32>)  : i32 {
          %scan3A_549 = arith.constant 0 : i32
          %scan3A_550 = arith.constant 28 : i32
          %scan3A_551 = arith.addi %scan3A_549, %scan3A_550 : i32
          %scan3A_552 = arith.constant 1 : i32
          %scan3A_553:2 = scf.for %scan3A_557 = %scan3A_549 to %scan3A_551 step %scan3A_552 iter_args(%scan3A_558 = %broadcast_in_dim3A_1, %scan3A_559 = %broadcast_in_dim3A_1) -> (vector<16xf32>, vector<16xf32>)  : i32 {
            %mul3A_560 = arith.constant 64 : i32
            %mul3A_561 = arith.muli %scan3A_557, %mul3A_560 : i32
            %add3A_562 = arith.addi %mul3A_561, %scan3A_546 : i32
            %lt3A_563 = vector.broadcast %add3A_562 : i32 to vector<16xi32>
            %lt3A_564 = arith.cmpi slt, %lt3A_563, %shift_right_arithmetic3A_345 : vector<16xi32>
            %mul3A_565 = arith.constant 32 : i32
            %mul3A_566 = arith.muli %add3A_562, %mul3A_565 : i32
            %get3A = arith.index_cast %mul3A_566 : i32 to index
            %get3A_567 = tpu.vector_load %arg9[%get3A] {strides = array<i32>} : memref<57344xf32, #tpu.memory_space<vmem>>, vector<16xf32>,
            %select_n3A_568 = arith.select %lt3A_564, %get3A_567, %broadcast_in_dim3A_1 : vector<16xi1>, vector<16xf32>
            %lt3A_569 = vector.broadcast %add3A_562 : i32 to vector<16xi32>
            %lt3A_570 = arith.cmpi slt, %lt3A_569, %shift_right_arithmetic3A_348 : vector<16xi32>
            %mul3A_571 = arith.constant 32 : i32
            %mul3A_572 = arith.muli %add3A_562, %mul3A_571 : i32
            %add3A_573 = arith.constant 16 : i32
            %add3A_574 = arith.addi %mul3A_572, %add3A_573 : i32
            %get3A_575 = arith.index_cast %add3A_574 : i32 to index
            %get3A_576 = tpu.vector_load %arg9[%get3A_575] {strides = array<i32>} : memref<57344xf32, #tpu.memory_space<vmem>>, vector<16xf32>,
            %select_n3A_577 = arith.select %lt3A_570, %get3A_576, %broadcast_in_dim3A_1 : vector<16xi1>, vector<16xf32>
            %max3A_578 = arith.maximumf %scan3A_558, %select_n3A_568 : vector<16xf32>
            %max3A_579 = arith.maximumf %scan3A_559, %select_n3A_577 : vector<16xf32>
            scf.yield %max3A_578, %max3A_579 : vector<16xf32>, vector<16xf32>
          }
          %scan3A_554 = arith.constant 28 : i32
          %min3A_555 = arith.minimumf %scan3A_547, %scan3A_553#0 : vector<16xf32>
          %min3A_556 = arith.minimumf %scan3A_548, %scan3A_553#1 : vector<16xf32>
          scf.yield %min3A_555, %min3A_556 : vector<16xf32>, vector<16xf32>
        }
        %scan3A_532 = arith.constant 64 : i32
        %while3A_533 = arith.constant 0 : i32
        %while3A_534 = arith.subi %squeeze3A_408, %while3A_533 : i32
        %while3A_535 = arith.addi %while3A_533, %while3A_534 : i32
        %while3A_536 = arith.constant 1 : i32
        %while3A_537 = arith.divsi %while3A_534, %while3A_536 : i32
        %while3A_538 = arith.muli %while3A_537, %while3A_536 : i32
        %while3A_539 = arith.addi %while3A_533, %while3A_538 : i32
        %while3A_540 = arith.constant 1 : i32
        %while3A_541:4 = scf.for %while3A_546 = %while3A_533 to %while3A_539 step %while3A_540 iter_args(%while3A_547 = %broadcast_in_dim3A_5, %while3A_548 = %broadcast_in_dim3A_5, %while3A_549 = %broadcast_in_dim3A_5, %while3A_550 = %broadcast_in_dim3A_5) -> (vector<16xi32>, vector<16xi32>, vector<16xi32>, vector<16xi32>)  : i32 {
          %mul3A_551 = arith.constant 32 : i32
          %mul3A_552 = arith.muli %while3A_546, %mul3A_551 : i32
          %get3A = arith.index_cast %mul3A_552 : i32 to index
          %get3A_553 = tpu.vector_load %arg9[%get3A] {strides = array<i32>} : memref<57344xf32, #tpu.memory_space<vmem>>, vector<16xf32>,
          %mul3A_554 = arith.constant 32 : i32
          %mul3A_555 = arith.muli %while3A_546, %mul3A_554 : i32
          %add3A_556 = arith.constant 16 : i32
          %add3A_557 = arith.addi %mul3A_555, %add3A_556 : i32
          %get3A_558 = arith.index_cast %add3A_557 : i32 to index
          %get3A_559 = tpu.vector_load %arg9[%get3A_558] {strides = array<i32>} : memref<57344xf32, #tpu.memory_space<vmem>>, vector<16xf32>,
          %lt3A_560 = vector.broadcast %while3A_546 : i32 to vector<16xi32>
          %lt3A_561 = arith.cmpi slt, %lt3A_560, %shift_right_arithmetic3A_345 : vector<16xi32>
          %lt3A_562 = vector.broadcast %while3A_546 : i32 to vector<16xi32>
          %lt3A_563 = arith.cmpi slt, %lt3A_562, %shift_right_arithmetic3A_348 : vector<16xi32>
          %eq3A_564 = arith.cmpf oeq, %get3A_553, %scan3A_531#0 : vector<16xf32>
          %and3A_565 = arith.andi %lt3A_561, %eq3A_564 : vector<16xi1>
          %lt3A_566 = arith.constant 64 : i32
          %lt3A_567 = vector.broadcast %lt3A_566 : i32 to vector<16xi32>
          %lt3A_568 = arith.cmpi slt, %while3A_549, %lt3A_567 : vector<16xi32>
          %and3A_569 = arith.andi %and3A_565, %lt3A_568 : vector<16xi1>
          %eq3A_570 = arith.cmpf oeq, %get3A_559, %scan3A_531#1 : vector<16xf32>
          %and3A_571 = arith.andi %lt3A_563, %eq3A_570 : vector<16xi1>
          %lt3A_572 = arith.constant 64 : i32
          %lt3A_573 = vector.broadcast %lt3A_572 : i32 to vector<16xi32>
          %lt3A_574 = arith.cmpi slt, %while3A_550, %lt3A_573 : vector<16xi32>
          %and3A_575 = arith.andi %and3A_571, %lt3A_574 : vector<16xi1>
          %gt3A_576 = arith.cmpf ogt, %get3A_553, %scan3A_531#0 : vector<16xf32>
          %and3A_577 = arith.andi %lt3A_561, %gt3A_576 : vector<16xi1>
          %or3A = arith.ori %and3A_577, %and3A_569 : vector<16xi1>
          %gt3A_578 = arith.cmpf ogt, %get3A_559, %scan3A_531#1 : vector<16xf32>
          %and3A_579 = arith.andi %lt3A_563, %gt3A_578 : vector<16xi1>
          %or3A_580 = arith.ori %and3A_579, %and3A_575 : vector<16xi1>
          %mul3A_581 = arith.constant 32 : i32
          %mul3A_582 = vector.broadcast %mul3A_581 : i32 to vector<16xi32>
          %mul3A_583 = arith.muli %while3A_547, %mul3A_582 : vector<16xi32>
          %add3A_584 = arith.addi %mul3A_583, %iota3A : vector<16xi32>
          tpu.vector_store_idx %arg9[%add3A_584], %get3A_553 masked %or3A : memref<57344xf32, #tpu.memory_space<vmem>>[vector<16xi32>], vector<16xf32>, vector<16xi1>
          %mul3A_585 = arith.constant 32 : i32
          %mul3A_586 = vector.broadcast %mul3A_585 : i32 to vector<16xi32>
          %mul3A_587 = arith.muli %while3A_548, %mul3A_586 : vector<16xi32>
          %add3A_588 = arith.addi %mul3A_587, %iota3A : vector<16xi32>
          %add3A_589 = arith.constant 16 : i32
          %add3A_590 = vector.broadcast %add3A_589 : i32 to vector<16xi32>
          %add3A_591 = arith.addi %add3A_588, %add3A_590 : vector<16xi32>
          tpu.vector_store_idx %arg9[%add3A_591], %get3A_559 masked %or3A_580 : memref<57344xf32, #tpu.memory_space<vmem>>[vector<16xi32>], vector<16xf32>, vector<16xi1>
          %jit3A_592 = arith.constant 1 : i32
          %jit3A_593 = arith.constant 0 : i32
          %broadcast_in_dim3A_594 = vector.broadcast %jit3A_592 : i32 to vector<16xi32>
          %broadcast_in_dim3A_595 = vector.broadcast %jit3A_593 : i32 to vector<16xi32>
          %select_n3A_596 = arith.select %or3A, %broadcast_in_dim3A_594, %broadcast_in_dim3A_595 : vector<16xi1>, vector<16xi32>
          %add3A_597 = arith.addi %while3A_547, %select_n3A_596 : vector<16xi32>
          %jit3A_598 = arith.constant 1 : i32
          %jit3A_599 = arith.constant 0 : i32
          %broadcast_in_dim3A_600 = vector.broadcast %jit3A_598 : i32 to vector<16xi32>
          %broadcast_in_dim3A_601 = vector.broadcast %jit3A_599 : i32 to vector<16xi32>
          %select_n3A_602 = arith.select %or3A_580, %broadcast_in_dim3A_600, %broadcast_in_dim3A_601 : vector<16xi1>, vector<16xi32>
          %add3A_603 = arith.addi %while3A_548, %select_n3A_602 : vector<16xi32>
          %jit3A_604 = arith.constant 1 : i32
          %jit3A_605 = arith.constant 0 : i32
          %broadcast_in_dim3A_606 = vector.broadcast %jit3A_604 : i32 to vector<16xi32>
          %broadcast_in_dim3A_607 = vector.broadcast %jit3A_605 : i32 to vector<16xi32>
          %select_n3A_608 = arith.select %and3A_569, %broadcast_in_dim3A_606, %broadcast_in_dim3A_607 : vector<16xi1>, vector<16xi32>
          %add3A_609 = arith.addi %while3A_549, %select_n3A_608 : vector<16xi32>
          %jit3A_610 = arith.constant 1 : i32
          %jit3A_611 = arith.constant 0 : i32
          %broadcast_in_dim3A_612 = vector.broadcast %jit3A_610 : i32 to vector<16xi32>
          %broadcast_in_dim3A_613 = vector.broadcast %jit3A_611 : i32 to vector<16xi32>
          %select_n3A_614 = arith.select %and3A_575, %broadcast_in_dim3A_612, %broadcast_in_dim3A_613 : vector<16xi1>, vector<16xi32>
          %add3A_615 = arith.addi %while3A_550, %select_n3A_614 : vector<16xi32>
          scf.yield %add3A_597, %add3A_603, %add3A_609, %add3A_615 : vector<16xi32>, vector<16xi32>, vector<16xi32>, vector<16xi32>
        }
        %while3A_542 = arith.constant 1 : i32
        %while3A_543:4 = scf.for %while3A_546 = %while3A_539 to %while3A_535 step %while3A_542 iter_args(%while3A_547 = %while3A_541#0, %while3A_548 = %while3A_541#1, %while3A_549 = %while3A_541#2, %while3A_550 = %while3A_541#3) -> (vector<16xi32>, vector<16xi32>, vector<16xi32>, vector<16xi32>)  : i32 {
          %mul3A_551 = arith.constant 32 : i32
          %mul3A_552 = arith.muli %while3A_546, %mul3A_551 : i32
          %get3A = arith.index_cast %mul3A_552 : i32 to index
          %get3A_553 = tpu.vector_load %arg9[%get3A] {strides = array<i32>} : memref<57344xf32, #tpu.memory_space<vmem>>, vector<16xf32>,
          %mul3A_554 = arith.constant 32 : i32
          %mul3A_555 = arith.muli %while3A_546, %mul3A_554 : i32
          %add3A_556 = arith.constant 16 : i32
          %add3A_557 = arith.addi %mul3A_555, %add3A_556 : i32
          %get3A_558 = arith.index_cast %add3A_557 : i32 to index
          %get3A_559 = tpu.vector_load %arg9[%get3A_558] {strides = array<i32>} : memref<57344xf32, #tpu.memory_space<vmem>>, vector<16xf32>,
          %lt3A_560 = vector.broadcast %while3A_546 : i32 to vector<16xi32>
          %lt3A_561 = arith.cmpi slt, %lt3A_560, %shift_right_arithmetic3A_345 : vector<16xi32>
          %lt3A_562 = vector.broadcast %while3A_546 : i32 to vector<16xi32>
          %lt3A_563 = arith.cmpi slt, %lt3A_562, %shift_right_arithmetic3A_348 : vector<16xi32>
          %eq3A_564 = arith.cmpf oeq, %get3A_553, %scan3A_531#0 : vector<16xf32>
          %and3A_565 = arith.andi %lt3A_561, %eq3A_564 : vector<16xi1>
          %lt3A_566 = arith.constant 64 : i32
          %lt3A_567 = vector.broadcast %lt3A_566 : i32 to vector<16xi32>
          %lt3A_568 = arith.cmpi slt, %while3A_549, %lt3A_567 : vector<16xi32>
          %and3A_569 = arith.andi %and3A_565, %lt3A_568 : vector<16xi1>
          %eq3A_570 = arith.cmpf oeq, %get3A_559, %scan3A_531#1 : vector<16xf32>
          %and3A_571 = arith.andi %lt3A_563, %eq3A_570 : vector<16xi1>
          %lt3A_572 = arith.constant 64 : i32
          %lt3A_573 = vector.broadcast %lt3A_572 : i32 to vector<16xi32>
          %lt3A_574 = arith.cmpi slt, %while3A_550, %lt3A_573 : vector<16xi32>
          %and3A_575 = arith.andi %and3A_571, %lt3A_574 : vector<16xi1>
          %gt3A_576 = arith.cmpf ogt, %get3A_553, %scan3A_531#0 : vector<16xf32>
          %and3A_577 = arith.andi %lt3A_561, %gt3A_576 : vector<16xi1>
          %or3A = arith.ori %and3A_577, %and3A_569 : vector<16xi1>
          %gt3A_578 = arith.cmpf ogt, %get3A_559, %scan3A_531#1 : vector<16xf32>
          %and3A_579 = arith.andi %lt3A_563, %gt3A_578 : vector<16xi1>
          %or3A_580 = arith.ori %and3A_579, %and3A_575 : vector<16xi1>
          %mul3A_581 = arith.constant 32 : i32
          %mul3A_582 = vector.broadcast %mul3A_581 : i32 to vector<16xi32>
          %mul3A_583 = arith.muli %while3A_547, %mul3A_582 : vector<16xi32>
          %add3A_584 = arith.addi %mul3A_583, %iota3A : vector<16xi32>
          tpu.vector_store_idx %arg9[%add3A_584], %get3A_553 masked %or3A : memref<57344xf32, #tpu.memory_space<vmem>>[vector<16xi32>], vector<16xf32>, vector<16xi1>
          %mul3A_585 = arith.constant 32 : i32
          %mul3A_586 = vector.broadcast %mul3A_585 : i32 to vector<16xi32>
          %mul3A_587 = arith.muli %while3A_548, %mul3A_586 : vector<16xi32>
          %add3A_588 = arith.addi %mul3A_587, %iota3A : vector<16xi32>
          %add3A_589 = arith.constant 16 : i32
          %add3A_590 = vector.broadcast %add3A_589 : i32 to vector<16xi32>
          %add3A_591 = arith.addi %add3A_588, %add3A_590 : vector<16xi32>
          tpu.vector_store_idx %arg9[%add3A_591], %get3A_559 masked %or3A_580 : memref<57344xf32, #tpu.memory_space<vmem>>[vector<16xi32>], vector<16xf32>, vector<16xi1>
          %jit3A_592 = arith.constant 1 : i32
          %jit3A_593 = arith.constant 0 : i32
          %broadcast_in_dim3A_594 = vector.broadcast %jit3A_592 : i32 to vector<16xi32>
          %broadcast_in_dim3A_595 = vector.broadcast %jit3A_593 : i32 to vector<16xi32>
          %select_n3A_596 = arith.select %or3A, %broadcast_in_dim3A_594, %broadcast_in_dim3A_595 : vector<16xi1>, vector<16xi32>
          %add3A_597 = arith.addi %while3A_547, %select_n3A_596 : vector<16xi32>
          %jit3A_598 = arith.constant 1 : i32
          %jit3A_599 = arith.constant 0 : i32
          %broadcast_in_dim3A_600 = vector.broadcast %jit3A_598 : i32 to vector<16xi32>
          %broadcast_in_dim3A_601 = vector.broadcast %jit3A_599 : i32 to vector<16xi32>
          %select_n3A_602 = arith.select %or3A_580, %broadcast_in_dim3A_600, %broadcast_in_dim3A_601 : vector<16xi1>, vector<16xi32>
          %add3A_603 = arith.addi %while3A_548, %select_n3A_602 : vector<16xi32>
          %jit3A_604 = arith.constant 1 : i32
          %jit3A_605 = arith.constant 0 : i32
          %broadcast_in_dim3A_606 = vector.broadcast %jit3A_604 : i32 to vector<16xi32>
          %broadcast_in_dim3A_607 = vector.broadcast %jit3A_605 : i32 to vector<16xi32>
          %select_n3A_608 = arith.select %and3A_569, %broadcast_in_dim3A_606, %broadcast_in_dim3A_607 : vector<16xi1>, vector<16xi32>
          %add3A_609 = arith.addi %while3A_549, %select_n3A_608 : vector<16xi32>
          %jit3A_610 = arith.constant 1 : i32
          %jit3A_611 = arith.constant 0 : i32
          %broadcast_in_dim3A_612 = vector.broadcast %jit3A_610 : i32 to vector<16xi32>
          %broadcast_in_dim3A_613 = vector.broadcast %jit3A_611 : i32 to vector<16xi32>
          %select_n3A_614 = arith.select %and3A_575, %broadcast_in_dim3A_612, %broadcast_in_dim3A_613 : vector<16xi1>, vector<16xi32>
          %add3A_615 = arith.addi %while3A_550, %select_n3A_614 : vector<16xi32>
          scf.yield %add3A_597, %add3A_603, %add3A_609, %add3A_615 : vector<16xi32>, vector<16xi32>, vector<16xi32>, vector<16xi32>
        }
        %max3A_544 = arith.maximumf %scan3A_314, %scan3A_531#0 : vector<16xf32>
        %max3A_545 = arith.maximumf %scan3A_315, %scan3A_531#1 : vector<16xf32>
        scf.yield %max3A_544, %max3A_545, %while3A_543#0, %while3A_543#1 : vector<16xf32>, vector<16xf32>, vector<16xi32>, vector<16xi32>
      } else {
        scf.yield %scan3A_314, %scan3A_315, %shift_right_arithmetic3A_345, %shift_right_arithmetic3A_348 : vector<16xf32>, vector<16xf32>, vector<16xi32>, vector<16xi32>
      }
      %mul3A_414 = arith.constant 32 : i32
      %mul3A_415 = vector.broadcast %mul3A_414 : i32 to vector<16xi32>
      %mul3A_416 = arith.muli %cond3A_413#2, %mul3A_415 : vector<16xi32>
      %mul3A_417 = arith.constant 32 : i32
      %mul3A_418 = vector.broadcast %mul3A_417 : i32 to vector<16xi32>
      %mul3A_419 = arith.muli %cond3A_413#3, %mul3A_418 : vector<16xi32>
      %mul3A_420 = arith.constant 2 : i32
      %mul3A_421 = arith.muli %scan3A_313, %mul3A_420 : i32
      %add3A_422 = arith.constant 1 : i32
      %add3A_423 = arith.addi %mul3A_421, %add3A_422 : i32
      %dma_wait3A_424 = arith.constant 0 : i32
      %dma_wait3A_425 = arith.constant 0 : i32
      %dma_wait3A_426 = tpu.memref_slice %arg2[%add3A, %dma_wait3A_424, %dma_wait3A_425] : memref<32x32768x32xf32, #tpu.memory_space<hbm>> -> memref<1x256x32xf32, #tpu.memory_space<hbm>>
      %dma_wait3A_427 = tpu.memref_squeeze %dma_wait3A_426 : memref<1x256x32xf32, #tpu.memory_space<hbm>> -> memref<256x32xf32, #tpu.memory_space<hbm>>
      %dma_wait3A_428 = arith.constant 0 : i32
      %dma_wait3A_429 = arith.constant 0 : i32
      %dma_wait3A_430 = tpu.memref_slice %arg2[%add3A, %dma_wait3A_428, %dma_wait3A_429] : memref<32x32768x32xf32, #tpu.memory_space<hbm>> -> memref<1x256x32xf32, #tpu.memory_space<hbm>>
      %dma_wait3A_431 = tpu.memref_squeeze %dma_wait3A_430 : memref<1x256x32xf32, #tpu.memory_space<hbm>> -> memref<256x32xf32, #tpu.memory_space<hbm>>
      tpu.wait_dma2 semaphore(%arg12 : memref<!tpu.dma_semaphore, #tpu.memory_space<semaphore_mem>>) src(%dma_wait3A_431 : memref<256x32xf32, #tpu.memory_space<hbm>>) dst(%arg6 : memref<256x32xf32, #tpu.memory_space<vmem>>)
      %dma_wait3A_432 = arith.constant 0 : i32
      %dma_wait3A_433 = tpu.memref_slice %arg3[%add3A, %dma_wait3A_432] : memref<32x32768xf32, #tpu.memory_space<hbm>> -> memref<1x256xf32, #tpu.memory_space<hbm>>
      %dma_wait3A_434 = tpu.memref_squeeze %dma_wait3A_433 : memref<1x256xf32, #tpu.memory_space<hbm>> -> memref<256xf32, #tpu.memory_space<hbm>>
      %dma_wait3A_435 = arith.constant 0 : i32
      %dma_wait3A_436 = tpu.memref_slice %arg3[%add3A, %dma_wait3A_435] : memref<32x32768xf32, #tpu.memory_space<hbm>> -> memref<1x256xf32, #tpu.memory_space<hbm>>
      %dma_wait3A_437 = tpu.memref_squeeze %dma_wait3A_436 : memref<1x256xf32, #tpu.memory_space<hbm>> -> memref<256xf32, #tpu.memory_space<hbm>>
      tpu.wait_dma2 semaphore(%arg14 : memref<!tpu.dma_semaphore, #tpu.memory_space<semaphore_mem>>) src(%dma_wait3A_437 : memref<256xf32, #tpu.memory_space<hbm>>) dst(%arg8 : memref<256xf32, #tpu.memory_space<vmem>>)
      %parallel_loop3A_438 = arith.constant 0 : i32
      %parallel_loop3A_439 = arith.constant 16 : i32
      %parallel_loop3A_440 = arith.constant 1 : i32
      %parallel_loop3A_441:3 = scf.for %parallel_loop3A_527 = %parallel_loop3A_438 to %parallel_loop3A_439 step %parallel_loop3A_440 iter_args(%parallel_loop3A_528 = %mul3A_416, %parallel_loop3A_529 = %mul3A_419, %parallel_loop3A_530 = %parallel_loop3A_336#2) -> (vector<16xi32>, vector<16xi32>, vector<16xi32>)  : i32 {
        %parallel_loop3A_531 = arith.constant 16 : i32
        %parallel_loop3A_532 = arith.muli %parallel_loop3A_527, %parallel_loop3A_531 : i32
        %parallel_loop3A_533 = arith.index_cast %parallel_loop3A_532 : i32 to index
        %parallel_loop3A_534 = tpu.vector_load %arg8[%parallel_loop3A_533] {strides = array<i32>} : memref<256xf32, #tpu.memory_space<vmem>>, vector<16xf32>,
        %parallel_loop3A_535 = arith.constant 0.000000e+00 : f32
        %parallel_loop3A_536 = vector.broadcast %parallel_loop3A_535 : f32 to vector<16xf32>
        %parallel_loop3A_537 = arith.cmpf ogt, %parallel_loop3A_534, %parallel_loop3A_536 : vector<16xf32>
        %parallel_loop3A_538 = arith.constant 1 : i32
        %parallel_loop3A_539 = arith.constant 0 : i32
        %parallel_loop3A_540 = vector.broadcast %parallel_loop3A_538 : i32 to vector<16xi32>
        %parallel_loop3A_541 = vector.broadcast %parallel_loop3A_539 : i32 to vector<16xi32>
        %parallel_loop3A_542 = arith.select %parallel_loop3A_537, %parallel_loop3A_540, %parallel_loop3A_541 : vector<16xi1>, vector<16xi32>
        %parallel_loop3A_543 = arith.addi %parallel_loop3A_530, %parallel_loop3A_542 : vector<16xi32>
        %parallel_loop3A_544 = arith.constant 16 : i32
        %parallel_loop3A_545 = arith.muli %parallel_loop3A_527, %parallel_loop3A_544 : i32
        %parallel_loop3A_546 = arith.constant 0 : i32
        %parallel_loop3A_547 = arith.addi %parallel_loop3A_545, %parallel_loop3A_546 : i32
        %parallel_loop3A_548 = vector.extract_strided_slice %parallel_loop3A_534 {offsets = [0], sizes = [1], strides = [1]} : vector<16xf32> to vector<1xf32>
        %parallel_loop3A_549 = vector.extract %parallel_loop3A_548[0] : f32 from vector<1xf32>
        %parallel_loop3A_550 = arith.index_cast %parallel_loop3A_547 : i32 to index
        %parallel_loop3A_551 = arith.constant 0 : index
        %parallel_loop3A_552 = tpu.vector_load %arg6[%parallel_loop3A_550, %parallel_loop3A_551] {strides = array<i32>} : memref<256x32xf32, #tpu.memory_space<vmem>>, vector<16xf32>,
        %parallel_loop3A_553 = vector.broadcast %parallel_loop3A_549 : f32 to vector<16xf32>
        %parallel_loop3A_554 = arith.minimumf %parallel_loop3A_552, %parallel_loop3A_553 : vector<16xf32>
        %parallel_loop3A_555 = arith.index_cast %parallel_loop3A_547 : i32 to index
        %parallel_loop3A_556 = arith.constant 16 : index
        %parallel_loop3A_557 = tpu.vector_load %arg6[%parallel_loop3A_555, %parallel_loop3A_556] {strides = array<i32>} : memref<256x32xf32, #tpu.memory_space<vmem>>, vector<16xf32>,
        %parallel_loop3A_558 = vector.broadcast %parallel_loop3A_549 : f32 to vector<16xf32>
        %parallel_loop3A_559 = arith.minimumf %parallel_loop3A_557, %parallel_loop3A_558 : vector<16xf32>
        %parallel_loop3A_560 = arith.cmpf ogt, %parallel_loop3A_554, %cond3A_413#0 : vector<16xf32>
        %parallel_loop3A_561 = arith.cmpf ogt, %parallel_loop3A_559, %cond3A_413#1 : vector<16xf32>
        %parallel_loop3A_562 = arith.addi %parallel_loop3A_528, %iota3A : vector<16xi32>
        tpu.vector_store_idx %arg9[%parallel_loop3A_562], %parallel_loop3A_554 masked %parallel_loop3A_560 : memref<57344xf32, #tpu.memory_space<vmem>>[vector<16xi32>], vector<16xf32>, vector<16xi1>
        %parallel_loop3A_563 = arith.addi %parallel_loop3A_529, %iota3A : vector<16xi32>
        %parallel_loop3A_564 = arith.constant 16 : i32
        %parallel_loop3A_565 = vector.broadcast %parallel_loop3A_564 : i32 to vector<16xi32>
        %parallel_loop3A_566 = arith.addi %parallel_loop3A_563, %parallel_loop3A_565 : vector<16xi32>
        tpu.vector_store_idx %arg9[%parallel_loop3A_566], %parallel_loop3A_559 masked %parallel_loop3A_561 : memref<57344xf32, #tpu.memory_space<vmem>>[vector<16xi32>], vector<16xf32>, vector<16xi1>
        %parallel_loop3A_567 = arith.constant 32 : i32
        %parallel_loop3A_568 = arith.constant 0 : i32
        %parallel_loop3A_569 = vector.broadcast %parallel_loop3A_567 : i32 to vector<16xi32>
        %parallel_loop3A_570 = vector.broadcast %parallel_loop3A_568 : i32 to vector<16xi32>
        %parallel_loop3A_571 = arith.select %parallel_loop3A_560, %parallel_loop3A_569, %parallel_loop3A_570 : vector<16xi1>, vector<16xi32>
        %parallel_loop3A_572 = arith.addi %parallel_loop3A_528, %parallel_loop3A_571 : vector<16xi32>
        %parallel_loop3A_573 = arith.constant 32 : i32
        %parallel_loop3A_574 = arith.constant 0 : i32
        %parallel_loop3A_575 = vector.broadcast %parallel_loop3A_573 : i32 to vector<16xi32>
        %parallel_loop3A_576 = vector.broadcast %parallel_loop3A_574 : i32 to vector<16xi32>
        %parallel_loop3A_577 = arith.select %parallel_loop3A_561, %parallel_loop3A_575, %parallel_loop3A_576 : vector<16xi1>, vector<16xi32>
        %parallel_loop3A_578 = arith.addi %parallel_loop3A_529, %parallel_loop3A_577 : vector<16xi32>
        %parallel_loop3A_579 = arith.constant 16 : i32
        %parallel_loop3A_580 = arith.muli %parallel_loop3A_527, %parallel_loop3A_579 : i32
        %parallel_loop3A_581 = arith.constant 1 : i32
        %parallel_loop3A_582 = arith.addi %parallel_loop3A_580, %parallel_loop3A_581 : i32
        %parallel_loop3A_583 = vector.extract_strided_slice %parallel_loop3A_534 {offsets = [1], sizes = [1], strides = [1]} : vector<16xf32> to vector<1xf32>
        %parallel_loop3A_584 = vector.extract %parallel_loop3A_583[0] : f32 from vector<1xf32>
        %parallel_loop3A_585 = arith.index_cast %parallel_loop3A_582 : i32 to index
        %parallel_loop3A_586 = arith.constant 0 : index
        %parallel_loop3A_587 = tpu.vector_load %arg6[%parallel_loop3A_585, %parallel_loop3A_586] {strides = array<i32>} : memref<256x32xf32, #tpu.memory_space<vmem>>, vector<16xf32>,
        %parallel_loop3A_588 = vector.broadcast %parallel_loop3A_584 : f32 to vector<16xf32>
        %parallel_loop3A_589 = arith.minimumf %parallel_loop3A_587, %parallel_loop3A_588 : vector<16xf32>
        %parallel_loop3A_590 = arith.index_cast %parallel_loop3A_582 : i32 to index
        %parallel_loop3A_591 = arith.constant 16 : index
        %parallel_loop3A_592 = tpu.vector_load %arg6[%parallel_loop3A_590, %parallel_loop3A_591] {strides = array<i32>} : memref<256x32xf32, #tpu.memory_space<vmem>>, vector<16xf32>,
        %parallel_loop3A_593 = vector.broadcast %parallel_loop3A_584 : f32 to vector<16xf32>
        %parallel_loop3A_594 = arith.minimumf %parallel_loop3A_592, %parallel_loop3A_593 : vector<16xf32>
        %parallel_loop3A_595 = arith.cmpf ogt, %parallel_loop3A_589, %cond3A_413#0 : vector<16xf32>
        %parallel_loop3A_596 = arith.cmpf ogt, %parallel_loop3A_594, %cond3A_413#1 : vector<16xf32>
        %parallel_loop3A_597 = arith.addi %parallel_loop3A_572, %iota3A : vector<16xi32>
        tpu.vector_store_idx %arg9[%parallel_loop3A_597], %parallel_loop3A_589 masked %parallel_loop3A_595 : memref<57344xf32, #tpu.memory_space<vmem>>[vector<16xi32>], vector<16xf32>, vector<16xi1>
        %parallel_loop3A_598 = arith.addi %parallel_loop3A_578, %iota3A : vector<16xi32>
        %parallel_loop3A_599 = arith.constant 16 : i32
        %parallel_loop3A_600 = vector.broadcast %parallel_loop3A_599 : i32 to vector<16xi32>
        %parallel_loop3A_601 = arith.addi %parallel_loop3A_598, %parallel_loop3A_600 : vector<16xi32>
        tpu.vector_store_idx %arg9[%parallel_loop3A_601], %parallel_loop3A_594 masked %parallel_loop3A_596 : memref<57344xf32, #tpu.memory_space<vmem>>[vector<16xi32>], vector<16xf32>, vector<16xi1>
        %parallel_loop3A_602 = arith.constant 32 : i32
        %parallel_loop3A_603 = arith.constant 0 : i32
        %parallel_loop3A_604 = vector.broadcast %parallel_loop3A_602 : i32 to vector<16xi32>
        %parallel_loop3A_605 = vector.broadcast %parallel_loop3A_603 : i32 to vector<16xi32>
        %parallel_loop3A_606 = arith.select %parallel_loop3A_595, %parallel_loop3A_604, %parallel_loop3A_605 : vector<16xi1>, vector<16xi32>
        %parallel_loop3A_607 = arith.addi %parallel_loop3A_572, %parallel_loop3A_606 : vector<16xi32>
        %parallel_loop3A_608 = arith.constant 32 : i32
        %parallel_loop3A_609 = arith.constant 0 : i32
        %parallel_loop3A_610 = vector.broadcast %parallel_loop3A_608 : i32 to vector<16xi32>
        %parallel_loop3A_611 = vector.broadcast %parallel_loop3A_609 : i32 to vector<16xi32>
        %parallel_loop3A_612 = arith.select %parallel_loop3A_596, %parallel_loop3A_610, %parallel_loop3A_611 : vector<16xi1>, vector<16xi32>
        %parallel_loop3A_613 = arith.addi %parallel_loop3A_578, %parallel_loop3A_612 : vector<16xi32>
        %parallel_loop3A_614 = arith.constant 16 : i32
        %parallel_loop3A_615 = arith.muli %parallel_loop3A_527, %parallel_loop3A_614 : i32
        %parallel_loop3A_616 = arith.constant 2 : i32
        %parallel_loop3A_617 = arith.addi %parallel_loop3A_615, %parallel_loop3A_616 : i32
        %parallel_loop3A_618 = vector.extract_strided_slice %parallel_loop3A_534 {offsets = [2], sizes = [1], strides = [1]} : vector<16xf32> to vector<1xf32>
        %parallel_loop3A_619 = vector.extract %parallel_loop3A_618[0] : f32 from vector<1xf32>
        %parallel_loop3A_620 = arith.index_cast %parallel_loop3A_617 : i32 to index
        %parallel_loop3A_621 = arith.constant 0 : index
        %parallel_loop3A_622 = tpu.vector_load %arg6[%parallel_loop3A_620, %parallel_loop3A_621] {strides = array<i32>} : memref<256x32xf32, #tpu.memory_space<vmem>>, vector<16xf32>,
        %parallel_loop3A_623 = vector.broadcast %parallel_loop3A_619 : f32 to vector<16xf32>
        %parallel_loop3A_624 = arith.minimumf %parallel_loop3A_622, %parallel_loop3A_623 : vector<16xf32>
        %parallel_loop3A_625 = arith.index_cast %parallel_loop3A_617 : i32 to index
        %parallel_loop3A_626 = arith.constant 16 : index
        %parallel_loop3A_627 = tpu.vector_load %arg6[%parallel_loop3A_625, %parallel_loop3A_626] {strides = array<i32>} : memref<256x32xf32, #tpu.memory_space<vmem>>, vector<16xf32>,
        %parallel_loop3A_628 = vector.broadcast %parallel_loop3A_619 : f32 to vector<16xf32>
        %parallel_loop3A_629 = arith.minimumf %parallel_loop3A_627, %parallel_loop3A_628 : vector<16xf32>
        %parallel_loop3A_630 = arith.cmpf ogt, %parallel_loop3A_624, %cond3A_413#0 : vector<16xf32>
        %parallel_loop3A_631 = arith.cmpf ogt, %parallel_loop3A_629, %cond3A_413#1 : vector<16xf32>
        %parallel_loop3A_632 = arith.addi %parallel_loop3A_607, %iota3A : vector<16xi32>
        tpu.vector_store_idx %arg9[%parallel_loop3A_632], %parallel_loop3A_624 masked %parallel_loop3A_630 : memref<57344xf32, #tpu.memory_space<vmem>>[vector<16xi32>], vector<16xf32>, vector<16xi1>
        %parallel_loop3A_633 = arith.addi %parallel_loop3A_613, %iota3A : vector<16xi32>
        %parallel_loop3A_634 = arith.constant 16 : i32
        %parallel_loop3A_635 = vector.broadcast %parallel_loop3A_634 : i32 to vector<16xi32>
        %parallel_loop3A_636 = arith.addi %parallel_loop3A_633, %parallel_loop3A_635 : vector<16xi32>
        tpu.vector_store_idx %arg9[%parallel_loop3A_636], %parallel_loop3A_629 masked %parallel_loop3A_631 : memref<57344xf32, #tpu.memory_space<vmem>>[vector<16xi32>], vector<16xf32>, vector<16xi1>
        %parallel_loop3A_637 = arith.constant 32 : i32
        %parallel_loop3A_638 = arith.constant 0 : i32
        %parallel_loop3A_639 = vector.broadcast %parallel_loop3A_637 : i32 to vector<16xi32>
        %parallel_loop3A_640 = vector.broadcast %parallel_loop3A_638 : i32 to vector<16xi32>
        %parallel_loop3A_641 = arith.select %parallel_loop3A_630, %parallel_loop3A_639, %parallel_loop3A_640 : vector<16xi1>, vector<16xi32>
        %parallel_loop3A_642 = arith.addi %parallel_loop3A_607, %parallel_loop3A_641 : vector<16xi32>
        %parallel_loop3A_643 = arith.constant 32 : i32
        %parallel_loop3A_644 = arith.constant 0 : i32
        %parallel_loop3A_645 = vector.broadcast %parallel_loop3A_643 : i32 to vector<16xi32>
        %parallel_loop3A_646 = vector.broadcast %parallel_loop3A_644 : i32 to vector<16xi32>
        %parallel_loop3A_647 = arith.select %parallel_loop3A_631, %parallel_loop3A_645, %parallel_loop3A_646 : vector<16xi1>, vector<16xi32>
        %parallel_loop3A_648 = arith.addi %parallel_loop3A_613, %parallel_loop3A_647 : vector<16xi32>
        %parallel_loop3A_649 = arith.constant 16 : i32
        %parallel_loop3A_650 = arith.muli %parallel_loop3A_527, %parallel_loop3A_649 : i32
        %parallel_loop3A_651 = arith.constant 3 : i32
        %parallel_loop3A_652 = arith.addi %parallel_loop3A_650, %parallel_loop3A_651 : i32
        %parallel_loop3A_653 = vector.extract_strided_slice %parallel_loop3A_534 {offsets = [3], sizes = [1], strides = [1]} : vector<16xf32> to vector<1xf32>
        %parallel_loop3A_654 = vector.extract %parallel_loop3A_653[0] : f32 from vector<1xf32>
        %parallel_loop3A_655 = arith.index_cast %parallel_loop3A_652 : i32 to index
        %parallel_loop3A_656 = arith.constant 0 : index
        %parallel_loop3A_657 = tpu.vector_load %arg6[%parallel_loop3A_655, %parallel_loop3A_656] {strides = array<i32>} : memref<256x32xf32, #tpu.memory_space<vmem>>, vector<16xf32>,
        %parallel_loop3A_658 = vector.broadcast %parallel_loop3A_654 : f32 to vector<16xf32>
        %parallel_loop3A_659 = arith.minimumf %parallel_loop3A_657, %parallel_loop3A_658 : vector<16xf32>
        %parallel_loop3A_660 = arith.index_cast %parallel_loop3A_652 : i32 to index
        %parallel_loop3A_661 = arith.constant 16 : index
        %parallel_loop3A_662 = tpu.vector_load %arg6[%parallel_loop3A_660, %parallel_loop3A_661] {strides = array<i32>} : memref<256x32xf32, #tpu.memory_space<vmem>>, vector<16xf32>,
        %parallel_loop3A_663 = vector.broadcast %parallel_loop3A_654 : f32 to vector<16xf32>
        %parallel_loop3A_664 = arith.minimumf %parallel_loop3A_662, %parallel_loop3A_663 : vector<16xf32>
        %parallel_loop3A_665 = arith.cmpf ogt, %parallel_loop3A_659, %cond3A_413#0 : vector<16xf32>
        %parallel_loop3A_666 = arith.cmpf ogt, %parallel_loop3A_664, %cond3A_413#1 : vector<16xf32>
        %parallel_loop3A_667 = arith.addi %parallel_loop3A_642, %iota3A : vector<16xi32>
        tpu.vector_store_idx %arg9[%parallel_loop3A_667], %parallel_loop3A_659 masked %parallel_loop3A_665 : memref<57344xf32, #tpu.memory_space<vmem>>[vector<16xi32>], vector<16xf32>, vector<16xi1>
        %parallel_loop3A_668 = arith.addi %parallel_loop3A_648, %iota3A : vector<16xi32>
        %parallel_loop3A_669 = arith.constant 16 : i32
        %parallel_loop3A_670 = vector.broadcast %parallel_loop3A_669 : i32 to vector<16xi32>
        %parallel_loop3A_671 = arith.addi %parallel_loop3A_668, %parallel_loop3A_670 : vector<16xi32>
        tpu.vector_store_idx %arg9[%parallel_loop3A_671], %parallel_loop3A_664 masked %parallel_loop3A_666 : memref<57344xf32, #tpu.memory_space<vmem>>[vector<16xi32>], vector<16xf32>, vector<16xi1>
        %parallel_loop3A_672 = arith.constant 32 : i32
        %parallel_loop3A_673 = arith.constant 0 : i32
        %parallel_loop3A_674 = vector.broadcast %parallel_loop3A_672 : i32 to vector<16xi32>
        %parallel_loop3A_675 = vector.broadcast %parallel_loop3A_673 : i32 to vector<16xi32>
        %parallel_loop3A_676 = arith.select %parallel_loop3A_665, %parallel_loop3A_674, %parallel_loop3A_675 : vector<16xi1>, vector<16xi32>
        %parallel_loop3A_677 = arith.addi %parallel_loop3A_642, %parallel_loop3A_676 : vector<16xi32>
        %parallel_loop3A_678 = arith.constant 32 : i32
        %parallel_loop3A_679 = arith.constant 0 : i32
        %parallel_loop3A_680 = vector.broadcast %parallel_loop3A_678 : i32 to vector<16xi32>
        %parallel_loop3A_681 = vector.broadcast %parallel_loop3A_679 : i32 to vector<16xi32>
        %parallel_loop3A_682 = arith.select %parallel_loop3A_666, %parallel_loop3A_680, %parallel_loop3A_681 : vector<16xi1>, vector<16xi32>
        %parallel_loop3A_683 = arith.addi %parallel_loop3A_648, %parallel_loop3A_682 : vector<16xi32>
        %parallel_loop3A_684 = arith.constant 16 : i32
        %parallel_loop3A_685 = arith.muli %parallel_loop3A_527, %parallel_loop3A_684 : i32
        %parallel_loop3A_686 = arith.constant 4 : i32
        %parallel_loop3A_687 = arith.addi %parallel_loop3A_685, %parallel_loop3A_686 : i32
        %parallel_loop3A_688 = vector.extract_strided_slice %parallel_loop3A_534 {offsets = [4], sizes = [1], strides = [1]} : vector<16xf32> to vector<1xf32>
        %parallel_loop3A_689 = vector.extract %parallel_loop3A_688[0] : f32 from vector<1xf32>
        %parallel_loop3A_690 = arith.index_cast %parallel_loop3A_687 : i32 to index
        %parallel_loop3A_691 = arith.constant 0 : index
        %parallel_loop3A_692 = tpu.vector_load %arg6[%parallel_loop3A_690, %parallel_loop3A_691] {strides = array<i32>} : memref<256x32xf32, #tpu.memory_space<vmem>>, vector<16xf32>,
        %parallel_loop3A_693 = vector.broadcast %parallel_loop3A_689 : f32 to vector<16xf32>
        %parallel_loop3A_694 = arith.minimumf %parallel_loop3A_692, %parallel_loop3A_693 : vector<16xf32>
        %parallel_loop3A_695 = arith.index_cast %parallel_loop3A_687 : i32 to index
        %parallel_loop3A_696 = arith.constant 16 : index
        %parallel_loop3A_697 = tpu.vector_load %arg6[%parallel_loop3A_695, %parallel_loop3A_696] {strides = array<i32>} : memref<256x32xf32, #tpu.memory_space<vmem>>, vector<16xf32>,
        %parallel_loop3A_698 = vector.broadcast %parallel_loop3A_689 : f32 to vector<16xf32>
        %parallel_loop3A_699 = arith.minimumf %parallel_loop3A_697, %parallel_loop3A_698 : vector<16xf32>
        %parallel_loop3A_700 = arith.cmpf ogt, %parallel_loop3A_694, %cond3A_413#0 : vector<16xf32>
        %parallel_loop3A_701 = arith.cmpf ogt, %parallel_loop3A_699, %cond3A_413#1 : vector<16xf32>
        %parallel_loop3A_702 = arith.addi %parallel_loop3A_677, %iota3A : vector<16xi32>
        tpu.vector_store_idx %arg9[%parallel_loop3A_702], %parallel_loop3A_694 masked %parallel_loop3A_700 : memref<57344xf32, #tpu.memory_space<vmem>>[vector<16xi32>], vector<16xf32>, vector<16xi1>
        %parallel_loop3A_703 = arith.addi %parallel_loop3A_683, %iota3A : vector<16xi32>
        %parallel_loop3A_704 = arith.constant 16 : i32
        %parallel_loop3A_705 = vector.broadcast %parallel_loop3A_704 : i32 to vector<16xi32>
        %parallel_loop3A_706 = arith.addi %parallel_loop3A_703, %parallel_loop3A_705 : vector<16xi32>
        tpu.vector_store_idx %arg9[%parallel_loop3A_706], %parallel_loop3A_699 masked %parallel_loop3A_701 : memref<57344xf32, #tpu.memory_space<vmem>>[vector<16xi32>], vector<16xf32>, vector<16xi1>
        %parallel_loop3A_707 = arith.constant 32 : i32
        %parallel_loop3A_708 = arith.constant 0 : i32
        %parallel_loop3A_709 = vector.broadcast %parallel_loop3A_707 : i32 to vector<16xi32>
        %parallel_loop3A_710 = vector.broadcast %parallel_loop3A_708 : i32 to vector<16xi32>
        %parallel_loop3A_711 = arith.select %parallel_loop3A_700, %parallel_loop3A_709, %parallel_loop3A_710 : vector<16xi1>, vector<16xi32>
        %parallel_loop3A_712 = arith.addi %parallel_loop3A_677, %parallel_loop3A_711 : vector<16xi32>
        %parallel_loop3A_713 = arith.constant 32 : i32
        %parallel_loop3A_714 = arith.constant 0 : i32
        %parallel_loop3A_715 = vector.broadcast %parallel_loop3A_713 : i32 to vector<16xi32>
        %parallel_loop3A_716 = vector.broadcast %parallel_loop3A_714 : i32 to vector<16xi32>
        %parallel_loop3A_717 = arith.select %parallel_loop3A_701, %parallel_loop3A_715, %parallel_loop3A_716 : vector<16xi1>, vector<16xi32>
        %parallel_loop3A_718 = arith.addi %parallel_loop3A_683, %parallel_loop3A_717 : vector<16xi32>
        %parallel_loop3A_719 = arith.constant 16 : i32
        %parallel_loop3A_720 = arith.muli %parallel_loop3A_527, %parallel_loop3A_719 : i32
        %parallel_loop3A_721 = arith.constant 5 : i32
        %parallel_loop3A_722 = arith.addi %parallel_loop3A_720, %parallel_loop3A_721 : i32
        %parallel_loop3A_723 = vector.extract_strided_slice %parallel_loop3A_534 {offsets = [5], sizes = [1], strides = [1]} : vector<16xf32> to vector<1xf32>
        %parallel_loop3A_724 = vector.extract %parallel_loop3A_723[0] : f32 from vector<1xf32>
        %parallel_loop3A_725 = arith.index_cast %parallel_loop3A_722 : i32 to index
        %parallel_loop3A_726 = arith.constant 0 : index
        %parallel_loop3A_727 = tpu.vector_load %arg6[%parallel_loop3A_725, %parallel_loop3A_726] {strides = array<i32>} : memref<256x32xf32, #tpu.memory_space<vmem>>, vector<16xf32>,
        %parallel_loop3A_728 = vector.broadcast %parallel_loop3A_724 : f32 to vector<16xf32>
        %parallel_loop3A_729 = arith.minimumf %parallel_loop3A_727, %parallel_loop3A_728 : vector<16xf32>
        %parallel_loop3A_730 = arith.index_cast %parallel_loop3A_722 : i32 to index
        %parallel_loop3A_731 = arith.constant 16 : index
        %parallel_loop3A_732 = tpu.vector_load %arg6[%parallel_loop3A_730, %parallel_loop3A_731] {strides = array<i32>} : memref<256x32xf32, #tpu.memory_space<vmem>>, vector<16xf32>,
        %parallel_loop3A_733 = vector.broadcast %parallel_loop3A_724 : f32 to vector<16xf32>
        %parallel_loop3A_734 = arith.minimumf %parallel_loop3A_732, %parallel_loop3A_733 : vector<16xf32>
        %parallel_loop3A_735 = arith.cmpf ogt, %parallel_loop3A_729, %cond3A_413#0 : vector<16xf32>
        %parallel_loop3A_736 = arith.cmpf ogt, %parallel_loop3A_734, %cond3A_413#1 : vector<16xf32>
        %parallel_loop3A_737 = arith.addi %parallel_loop3A_712, %iota3A : vector<16xi32>
        tpu.vector_store_idx %arg9[%parallel_loop3A_737], %parallel_loop3A_729 masked %parallel_loop3A_735 : memref<57344xf32, #tpu.memory_space<vmem>>[vector<16xi32>], vector<16xf32>, vector<16xi1>
        %parallel_loop3A_738 = arith.addi %parallel_loop3A_718, %iota3A : vector<16xi32>
        %parallel_loop3A_739 = arith.constant 16 : i32
        %parallel_loop3A_740 = vector.broadcast %parallel_loop3A_739 : i32 to vector<16xi32>
        %parallel_loop3A_741 = arith.addi %parallel_loop3A_738, %parallel_loop3A_740 : vector<16xi32>
        tpu.vector_store_idx %arg9[%parallel_loop3A_741], %parallel_loop3A_734 masked %parallel_loop3A_736 : memref<57344xf32, #tpu.memory_space<vmem>>[vector<16xi32>], vector<16xf32>, vector<16xi1>
        %parallel_loop3A_742 = arith.constant 32 : i32
        %parallel_loop3A_743 = arith.constant 0 : i32
        %parallel_loop3A_744 = vector.broadcast %parallel_loop3A_742 : i32 to vector<16xi32>
        %parallel_loop3A_745 = vector.broadcast %parallel_loop3A_743 : i32 to vector<16xi32>
        %parallel_loop3A_746 = arith.select %parallel_loop3A_735, %parallel_loop3A_744, %parallel_loop3A_745 : vector<16xi1>, vector<16xi32>
        %parallel_loop3A_747 = arith.addi %parallel_loop3A_712, %parallel_loop3A_746 : vector<16xi32>
        %parallel_loop3A_748 = arith.constant 32 : i32
        %parallel_loop3A_749 = arith.constant 0 : i32
        %parallel_loop3A_750 = vector.broadcast %parallel_loop3A_748 : i32 to vector<16xi32>
        %parallel_loop3A_751 = vector.broadcast %parallel_loop3A_749 : i32 to vector<16xi32>
        %parallel_loop3A_752 = arith.select %parallel_loop3A_736, %parallel_loop3A_750, %parallel_loop3A_751 : vector<16xi1>, vector<16xi32>
        %parallel_loop3A_753 = arith.addi %parallel_loop3A_718, %parallel_loop3A_752 : vector<16xi32>
        %parallel_loop3A_754 = arith.constant 16 : i32
        %parallel_loop3A_755 = arith.muli %parallel_loop3A_527, %parallel_loop3A_754 : i32
        %parallel_loop3A_756 = arith.constant 6 : i32
        %parallel_loop3A_757 = arith.addi %parallel_loop3A_755, %parallel_loop3A_756 : i32
        %parallel_loop3A_758 = vector.extract_strided_slice %parallel_loop3A_534 {offsets = [6], sizes = [1], strides = [1]} : vector<16xf32> to vector<1xf32>
        %parallel_loop3A_759 = vector.extract %parallel_loop3A_758[0] : f32 from vector<1xf32>
        %parallel_loop3A_760 = arith.index_cast %parallel_loop3A_757 : i32 to index
        %parallel_loop3A_761 = arith.constant 0 : index
        %parallel_loop3A_762 = tpu.vector_load %arg6[%parallel_loop3A_760, %parallel_loop3A_761] {strides = array<i32>} : memref<256x32xf32, #tpu.memory_space<vmem>>, vector<16xf32>,
        %parallel_loop3A_763 = vector.broadcast %parallel_loop3A_759 : f32 to vector<16xf32>
        %parallel_loop3A_764 = arith.minimumf %parallel_loop3A_762, %parallel_loop3A_763 : vector<16xf32>
        %parallel_loop3A_765 = arith.index_cast %parallel_loop3A_757 : i32 to index
        %parallel_loop3A_766 = arith.constant 16 : index
        %parallel_loop3A_767 = tpu.vector_load %arg6[%parallel_loop3A_765, %parallel_loop3A_766] {strides = array<i32>} : memref<256x32xf32, #tpu.memory_space<vmem>>, vector<16xf32>,
        %parallel_loop3A_768 = vector.broadcast %parallel_loop3A_759 : f32 to vector<16xf32>
        %parallel_loop3A_769 = arith.minimumf %parallel_loop3A_767, %parallel_loop3A_768 : vector<16xf32>
        %parallel_loop3A_770 = arith.cmpf ogt, %parallel_loop3A_764, %cond3A_413#0 : vector<16xf32>
        %parallel_loop3A_771 = arith.cmpf ogt, %parallel_loop3A_769, %cond3A_413#1 : vector<16xf32>
        %parallel_loop3A_772 = arith.addi %parallel_loop3A_747, %iota3A : vector<16xi32>
        tpu.vector_store_idx %arg9[%parallel_loop3A_772], %parallel_loop3A_764 masked %parallel_loop3A_770 : memref<57344xf32, #tpu.memory_space<vmem>>[vector<16xi32>], vector<16xf32>, vector<16xi1>
        %parallel_loop3A_773 = arith.addi %parallel_loop3A_753, %iota3A : vector<16xi32>
        %parallel_loop3A_774 = arith.constant 16 : i32
        %parallel_loop3A_775 = vector.broadcast %parallel_loop3A_774 : i32 to vector<16xi32>
        %parallel_loop3A_776 = arith.addi %parallel_loop3A_773, %parallel_loop3A_775 : vector<16xi32>
        tpu.vector_store_idx %arg9[%parallel_loop3A_776], %parallel_loop3A_769 masked %parallel_loop3A_771 : memref<57344xf32, #tpu.memory_space<vmem>>[vector<16xi32>], vector<16xf32>, vector<16xi1>
        %parallel_loop3A_777 = arith.constant 32 : i32
        %parallel_loop3A_778 = arith.constant 0 : i32
        %parallel_loop3A_779 = vector.broadcast %parallel_loop3A_777 : i32 to vector<16xi32>
        %parallel_loop3A_780 = vector.broadcast %parallel_loop3A_778 : i32 to vector<16xi32>
        %parallel_loop3A_781 = arith.select %parallel_loop3A_770, %parallel_loop3A_779, %parallel_loop3A_780 : vector<16xi1>, vector<16xi32>
        %parallel_loop3A_782 = arith.addi %parallel_loop3A_747, %parallel_loop3A_781 : vector<16xi32>
        %parallel_loop3A_783 = arith.constant 32 : i32
        %parallel_loop3A_784 = arith.constant 0 : i32
        %parallel_loop3A_785 = vector.broadcast %parallel_loop3A_783 : i32 to vector<16xi32>
        %parallel_loop3A_786 = vector.broadcast %parallel_loop3A_784 : i32 to vector<16xi32>
        %parallel_loop3A_787 = arith.select %parallel_loop3A_771, %parallel_loop3A_785, %parallel_loop3A_786 : vector<16xi1>, vector<16xi32>
        %parallel_loop3A_788 = arith.addi %parallel_loop3A_753, %parallel_loop3A_787 : vector<16xi32>
        %parallel_loop3A_789 = arith.constant 16 : i32
        %parallel_loop3A_790 = arith.muli %parallel_loop3A_527, %parallel_loop3A_789 : i32
        %parallel_loop3A_791 = arith.constant 7 : i32
        %parallel_loop3A_792 = arith.addi %parallel_loop3A_790, %parallel_loop3A_791 : i32
        %parallel_loop3A_793 = vector.extract_strided_slice %parallel_loop3A_534 {offsets = [7], sizes = [1], strides = [1]} : vector<16xf32> to vector<1xf32>
        %parallel_loop3A_794 = vector.extract %parallel_loop3A_793[0] : f32 from vector<1xf32>
        %parallel_loop3A_795 = arith.index_cast %parallel_loop3A_792 : i32 to index
        %parallel_loop3A_796 = arith.constant 0 : index
        %parallel_loop3A_797 = tpu.vector_load %arg6[%parallel_loop3A_795, %parallel_loop3A_796] {strides = array<i32>} : memref<256x32xf32, #tpu.memory_space<vmem>>, vector<16xf32>,
        %parallel_loop3A_798 = vector.broadcast %parallel_loop3A_794 : f32 to vector<16xf32>
        %parallel_loop3A_799 = arith.minimumf %parallel_loop3A_797, %parallel_loop3A_798 : vector<16xf32>
        %parallel_loop3A_800 = arith.index_cast %parallel_loop3A_792 : i32 to index
        %parallel_loop3A_801 = arith.constant 16 : index
        %parallel_loop3A_802 = tpu.vector_load %arg6[%parallel_loop3A_800, %parallel_loop3A_801] {strides = array<i32>} : memref<256x32xf32, #tpu.memory_space<vmem>>, vector<16xf32>,
        %parallel_loop3A_803 = vector.broadcast %parallel_loop3A_794 : f32 to vector<16xf32>
        %parallel_loop3A_804 = arith.minimumf %parallel_loop3A_802, %parallel_loop3A_803 : vector<16xf32>
        %parallel_loop3A_805 = arith.cmpf ogt, %parallel_loop3A_799, %cond3A_413#0 : vector<16xf32>
        %parallel_loop3A_806 = arith.cmpf ogt, %parallel_loop3A_804, %cond3A_413#1 : vector<16xf32>
        %parallel_loop3A_807 = arith.addi %parallel_loop3A_782, %iota3A : vector<16xi32>
        tpu.vector_store_idx %arg9[%parallel_loop3A_807], %parallel_loop3A_799 masked %parallel_loop3A_805 : memref<57344xf32, #tpu.memory_space<vmem>>[vector<16xi32>], vector<16xf32>, vector<16xi1>
        %parallel_loop3A_808 = arith.addi %parallel_loop3A_788, %iota3A : vector<16xi32>
        %parallel_loop3A_809 = arith.constant 16 : i32
        %parallel_loop3A_810 = vector.broadcast %parallel_loop3A_809 : i32 to vector<16xi32>
        %parallel_loop3A_811 = arith.addi %parallel_loop3A_808, %parallel_loop3A_810 : vector<16xi32>
        tpu.vector_store_idx %arg9[%parallel_loop3A_811], %parallel_loop3A_804 masked %parallel_loop3A_806 : memref<57344xf32, #tpu.memory_space<vmem>>[vector<16xi32>], vector<16xf32>, vector<16xi1>
        %parallel_loop3A_812 = arith.constant 32 : i32
        %parallel_loop3A_813 = arith.constant 0 : i32
        %parallel_loop3A_814 = vector.broadcast %parallel_loop3A_812 : i32 to vector<16xi32>
        %parallel_loop3A_815 = vector.broadcast %parallel_loop3A_813 : i32 to vector<16xi32>
        %parallel_loop3A_816 = arith.select %parallel_loop3A_805, %parallel_loop3A_814, %parallel_loop3A_815 : vector<16xi1>, vector<16xi32>
        %parallel_loop3A_817 = arith.addi %parallel_loop3A_782, %parallel_loop3A_816 : vector<16xi32>
        %parallel_loop3A_818 = arith.constant 32 : i32
        %parallel_loop3A_819 = arith.constant 0 : i32
        %parallel_loop3A_820 = vector.broadcast %parallel_loop3A_818 : i32 to vector<16xi32>
        %parallel_loop3A_821 = vector.broadcast %parallel_loop3A_819 : i32 to vector<16xi32>
        %parallel_loop3A_822 = arith.select %parallel_loop3A_806, %parallel_loop3A_820, %parallel_loop3A_821 : vector<16xi1>, vector<16xi32>
        %parallel_loop3A_823 = arith.addi %parallel_loop3A_788, %parallel_loop3A_822 : vector<16xi32>
        %parallel_loop3A_824 = arith.constant 16 : i32
        %parallel_loop3A_825 = arith.muli %parallel_loop3A_527, %parallel_loop3A_824 : i32
        %parallel_loop3A_826 = arith.constant 8 : i32
        %parallel_loop3A_827 = arith.addi %parallel_loop3A_825, %parallel_loop3A_826 : i32
        %parallel_loop3A_828 = vector.extract_strided_slice %parallel_loop3A_534 {offsets = [8], sizes = [1], strides = [1]} : vector<16xf32> to vector<1xf32>
        %parallel_loop3A_829 = vector.extract %parallel_loop3A_828[0] : f32 from vector<1xf32>
        %parallel_loop3A_830 = arith.index_cast %parallel_loop3A_827 : i32 to index
        %parallel_loop3A_831 = arith.constant 0 : index
        %parallel_loop3A_832 = tpu.vector_load %arg6[%parallel_loop3A_830, %parallel_loop3A_831] {strides = array<i32>} : memref<256x32xf32, #tpu.memory_space<vmem>>, vector<16xf32>,
        %parallel_loop3A_833 = vector.broadcast %parallel_loop3A_829 : f32 to vector<16xf32>
        %parallel_loop3A_834 = arith.minimumf %parallel_loop3A_832, %parallel_loop3A_833 : vector<16xf32>
        %parallel_loop3A_835 = arith.index_cast %parallel_loop3A_827 : i32 to index
        %parallel_loop3A_836 = arith.constant 16 : index
        %parallel_loop3A_837 = tpu.vector_load %arg6[%parallel_loop3A_835, %parallel_loop3A_836] {strides = array<i32>} : memref<256x32xf32, #tpu.memory_space<vmem>>, vector<16xf32>,
        %parallel_loop3A_838 = vector.broadcast %parallel_loop3A_829 : f32 to vector<16xf32>
        %parallel_loop3A_839 = arith.minimumf %parallel_loop3A_837, %parallel_loop3A_838 : vector<16xf32>
        %parallel_loop3A_840 = arith.cmpf ogt, %parallel_loop3A_834, %cond3A_413#0 : vector<16xf32>
        %parallel_loop3A_841 = arith.cmpf ogt, %parallel_loop3A_839, %cond3A_413#1 : vector<16xf32>
        %parallel_loop3A_842 = arith.addi %parallel_loop3A_817, %iota3A : vector<16xi32>
        tpu.vector_store_idx %arg9[%parallel_loop3A_842], %parallel_loop3A_834 masked %parallel_loop3A_840 : memref<57344xf32, #tpu.memory_space<vmem>>[vector<16xi32>], vector<16xf32>, vector<16xi1>
        %parallel_loop3A_843 = arith.addi %parallel_loop3A_823, %iota3A : vector<16xi32>
        %parallel_loop3A_844 = arith.constant 16 : i32
        %parallel_loop3A_845 = vector.broadcast %parallel_loop3A_844 : i32 to vector<16xi32>
        %parallel_loop3A_846 = arith.addi %parallel_loop3A_843, %parallel_loop3A_845 : vector<16xi32>
        tpu.vector_store_idx %arg9[%parallel_loop3A_846], %parallel_loop3A_839 masked %parallel_loop3A_841 : memref<57344xf32, #tpu.memory_space<vmem>>[vector<16xi32>], vector<16xf32>, vector<16xi1>
        %parallel_loop3A_847 = arith.constant 32 : i32
        %parallel_loop3A_848 = arith.constant 0 : i32
        %parallel_loop3A_849 = vector.broadcast %parallel_loop3A_847 : i32 to vector<16xi32>
        %parallel_loop3A_850 = vector.broadcast %parallel_loop3A_848 : i32 to vector<16xi32>
        %parallel_loop3A_851 = arith.select %parallel_loop3A_840, %parallel_loop3A_849, %parallel_loop3A_850 : vector<16xi1>, vector<16xi32>
        %parallel_loop3A_852 = arith.addi %parallel_loop3A_817, %parallel_loop3A_851 : vector<16xi32>
        %parallel_loop3A_853 = arith.constant 32 : i32
        %parallel_loop3A_854 = arith.constant 0 : i32
        %parallel_loop3A_855 = vector.broadcast %parallel_loop3A_853 : i32 to vector<16xi32>
        %parallel_loop3A_856 = vector.broadcast %parallel_loop3A_854 : i32 to vector<16xi32>
        %parallel_loop3A_857 = arith.select %parallel_loop3A_841, %parallel_loop3A_855, %parallel_loop3A_856 : vector<16xi1>, vector<16xi32>
        %parallel_loop3A_858 = arith.addi %parallel_loop3A_823, %parallel_loop3A_857 : vector<16xi32>
        %parallel_loop3A_859 = arith.constant 16 : i32
        %parallel_loop3A_860 = arith.muli %parallel_loop3A_527, %parallel_loop3A_859 : i32
        %parallel_loop3A_861 = arith.constant 9 : i32
        %parallel_loop3A_862 = arith.addi %parallel_loop3A_860, %parallel_loop3A_861 : i32
        %parallel_loop3A_863 = vector.extract_strided_slice %parallel_loop3A_534 {offsets = [9], sizes = [1], strides = [1]} : vector<16xf32> to vector<1xf32>
        %parallel_loop3A_864 = vector.extract %parallel_loop3A_863[0] : f32 from vector<1xf32>
        %parallel_loop3A_865 = arith.index_cast %parallel_loop3A_862 : i32 to index
        %parallel_loop3A_866 = arith.constant 0 : index
        %parallel_loop3A_867 = tpu.vector_load %arg6[%parallel_loop3A_865, %parallel_loop3A_866] {strides = array<i32>} : memref<256x32xf32, #tpu.memory_space<vmem>>, vector<16xf32>,
        %parallel_loop3A_868 = vector.broadcast %parallel_loop3A_864 : f32 to vector<16xf32>
        %parallel_loop3A_869 = arith.minimumf %parallel_loop3A_867, %parallel_loop3A_868 : vector<16xf32>
        %parallel_loop3A_870 = arith.index_cast %parallel_loop3A_862 : i32 to index
        %parallel_loop3A_871 = arith.constant 16 : index
        %parallel_loop3A_872 = tpu.vector_load %arg6[%parallel_loop3A_870, %parallel_loop3A_871] {strides = array<i32>} : memref<256x32xf32, #tpu.memory_space<vmem>>, vector<16xf32>,
        %parallel_loop3A_873 = vector.broadcast %parallel_loop3A_864 : f32 to vector<16xf32>
        %parallel_loop3A_874 = arith.minimumf %parallel_loop3A_872, %parallel_loop3A_873 : vector<16xf32>
        %parallel_loop3A_875 = arith.cmpf ogt, %parallel_loop3A_869, %cond3A_413#0 : vector<16xf32>
        %parallel_loop3A_876 = arith.cmpf ogt, %parallel_loop3A_874, %cond3A_413#1 : vector<16xf32>
        %parallel_loop3A_877 = arith.addi %parallel_loop3A_852, %iota3A : vector<16xi32>
        tpu.vector_store_idx %arg9[%parallel_loop3A_877], %parallel_loop3A_869 masked %parallel_loop3A_875 : memref<57344xf32, #tpu.memory_space<vmem>>[vector<16xi32>], vector<16xf32>, vector<16xi1>
        %parallel_loop3A_878 = arith.addi %parallel_loop3A_858, %iota3A : vector<16xi32>
        %parallel_loop3A_879 = arith.constant 16 : i32
        %parallel_loop3A_880 = vector.broadcast %parallel_loop3A_879 : i32 to vector<16xi32>
        %parallel_loop3A_881 = arith.addi %parallel_loop3A_878, %parallel_loop3A_880 : vector<16xi32>
        tpu.vector_store_idx %arg9[%parallel_loop3A_881], %parallel_loop3A_874 masked %parallel_loop3A_876 : memref<57344xf32, #tpu.memory_space<vmem>>[vector<16xi32>], vector<16xf32>, vector<16xi1>
        %parallel_loop3A_882 = arith.constant 32 : i32
        %parallel_loop3A_883 = arith.constant 0 : i32
        %parallel_loop3A_884 = vector.broadcast %parallel_loop3A_882 : i32 to vector<16xi32>
        %parallel_loop3A_885 = vector.broadcast %parallel_loop3A_883 : i32 to vector<16xi32>
        %parallel_loop3A_886 = arith.select %parallel_loop3A_875, %parallel_loop3A_884, %parallel_loop3A_885 : vector<16xi1>, vector<16xi32>
        %parallel_loop3A_887 = arith.addi %parallel_loop3A_852, %parallel_loop3A_886 : vector<16xi32>
        %parallel_loop3A_888 = arith.constant 32 : i32
        %parallel_loop3A_889 = arith.constant 0 : i32
        %parallel_loop3A_890 = vector.broadcast %parallel_loop3A_888 : i32 to vector<16xi32>
        %parallel_loop3A_891 = vector.broadcast %parallel_loop3A_889 : i32 to vector<16xi32>
        %parallel_loop3A_892 = arith.select %parallel_loop3A_876, %parallel_loop3A_890, %parallel_loop3A_891 : vector<16xi1>, vector<16xi32>
        %parallel_loop3A_893 = arith.addi %parallel_loop3A_858, %parallel_loop3A_892 : vector<16xi32>
        %parallel_loop3A_894 = arith.constant 16 : i32
        %parallel_loop3A_895 = arith.muli %parallel_loop3A_527, %parallel_loop3A_894 : i32
        %parallel_loop3A_896 = arith.constant 10 : i32
        %parallel_loop3A_897 = arith.addi %parallel_loop3A_895, %parallel_loop3A_896 : i32
        %parallel_loop3A_898 = vector.extract_strided_slice %parallel_loop3A_534 {offsets = [10], sizes = [1], strides = [1]} : vector<16xf32> to vector<1xf32>
        %parallel_loop3A_899 = vector.extract %parallel_loop3A_898[0] : f32 from vector<1xf32>
        %parallel_loop3A_900 = arith.index_cast %parallel_loop3A_897 : i32 to index
        %parallel_loop3A_901 = arith.constant 0 : index
        %parallel_loop3A_902 = tpu.vector_load %arg6[%parallel_loop3A_900, %parallel_loop3A_901] {strides = array<i32>} : memref<256x32xf32, #tpu.memory_space<vmem>>, vector<16xf32>,
        %parallel_loop3A_903 = vector.broadcast %parallel_loop3A_899 : f32 to vector<16xf32>
        %parallel_loop3A_904 = arith.minimumf %parallel_loop3A_902, %parallel_loop3A_903 : vector<16xf32>
        %parallel_loop3A_905 = arith.index_cast %parallel_loop3A_897 : i32 to index
        %parallel_loop3A_906 = arith.constant 16 : index
        %parallel_loop3A_907 = tpu.vector_load %arg6[%parallel_loop3A_905, %parallel_loop3A_906] {strides = array<i32>} : memref<256x32xf32, #tpu.memory_space<vmem>>, vector<16xf32>,
        %parallel_loop3A_908 = vector.broadcast %parallel_loop3A_899 : f32 to vector<16xf32>
        %parallel_loop3A_909 = arith.minimumf %parallel_loop3A_907, %parallel_loop3A_908 : vector<16xf32>
        %parallel_loop3A_910 = arith.cmpf ogt, %parallel_loop3A_904, %cond3A_413#0 : vector<16xf32>
        %parallel_loop3A_911 = arith.cmpf ogt, %parallel_loop3A_909, %cond3A_413#1 : vector<16xf32>
        %parallel_loop3A_912 = arith.addi %parallel_loop3A_887, %iota3A : vector<16xi32>
        tpu.vector_store_idx %arg9[%parallel_loop3A_912], %parallel_loop3A_904 masked %parallel_loop3A_910 : memref<57344xf32, #tpu.memory_space<vmem>>[vector<16xi32>], vector<16xf32>, vector<16xi1>
        %parallel_loop3A_913 = arith.addi %parallel_loop3A_893, %iota3A : vector<16xi32>
        %parallel_loop3A_914 = arith.constant 16 : i32
        %parallel_loop3A_915 = vector.broadcast %parallel_loop3A_914 : i32 to vector<16xi32>
        %parallel_loop3A_916 = arith.addi %parallel_loop3A_913, %parallel_loop3A_915 : vector<16xi32>
        tpu.vector_store_idx %arg9[%parallel_loop3A_916], %parallel_loop3A_909 masked %parallel_loop3A_911 : memref<57344xf32, #tpu.memory_space<vmem>>[vector<16xi32>], vector<16xf32>, vector<16xi1>
        %parallel_loop3A_917 = arith.constant 32 : i32
        %parallel_loop3A_918 = arith.constant 0 : i32
        %parallel_loop3A_919 = vector.broadcast %parallel_loop3A_917 : i32 to vector<16xi32>
        %parallel_loop3A_920 = vector.broadcast %parallel_loop3A_918 : i32 to vector<16xi32>
        %parallel_loop3A_921 = arith.select %parallel_loop3A_910, %parallel_loop3A_919, %parallel_loop3A_920 : vector<16xi1>, vector<16xi32>
        %parallel_loop3A_922 = arith.addi %parallel_loop3A_887, %parallel_loop3A_921 : vector<16xi32>
        %parallel_loop3A_923 = arith.constant 32 : i32
        %parallel_loop3A_924 = arith.constant 0 : i32
        %parallel_loop3A_925 = vector.broadcast %parallel_loop3A_923 : i32 to vector<16xi32>
        %parallel_loop3A_926 = vector.broadcast %parallel_loop3A_924 : i32 to vector<16xi32>
        %parallel_loop3A_927 = arith.select %parallel_loop3A_911, %parallel_loop3A_925, %parallel_loop3A_926 : vector<16xi1>, vector<16xi32>
        %parallel_loop3A_928 = arith.addi %parallel_loop3A_893, %parallel_loop3A_927 : vector<16xi32>
        %parallel_loop3A_929 = arith.constant 16 : i32
        %parallel_loop3A_930 = arith.muli %parallel_loop3A_527, %parallel_loop3A_929 : i32
        %parallel_loop3A_931 = arith.constant 11 : i32
        %parallel_loop3A_932 = arith.addi %parallel_loop3A_930, %parallel_loop3A_931 : i32
        %parallel_loop3A_933 = vector.extract_strided_slice %parallel_loop3A_534 {offsets = [11], sizes = [1], strides = [1]} : vector<16xf32> to vector<1xf32>
        %parallel_loop3A_934 = vector.extract %parallel_loop3A_933[0] : f32 from vector<1xf32>
        %parallel_loop3A_935 = arith.index_cast %parallel_loop3A_932 : i32 to index
        %parallel_loop3A_936 = arith.constant 0 : index
        %parallel_loop3A_937 = tpu.vector_load %arg6[%parallel_loop3A_935, %parallel_loop3A_936] {strides = array<i32>} : memref<256x32xf32, #tpu.memory_space<vmem>>, vector<16xf32>,
        %parallel_loop3A_938 = vector.broadcast %parallel_loop3A_934 : f32 to vector<16xf32>
        %parallel_loop3A_939 = arith.minimumf %parallel_loop3A_937, %parallel_loop3A_938 : vector<16xf32>
        %parallel_loop3A_940 = arith.index_cast %parallel_loop3A_932 : i32 to index
        %parallel_loop3A_941 = arith.constant 16 : index
        %parallel_loop3A_942 = tpu.vector_load %arg6[%parallel_loop3A_940, %parallel_loop3A_941] {strides = array<i32>} : memref<256x32xf32, #tpu.memory_space<vmem>>, vector<16xf32>,
        %parallel_loop3A_943 = vector.broadcast %parallel_loop3A_934 : f32 to vector<16xf32>
        %parallel_loop3A_944 = arith.minimumf %parallel_loop3A_942, %parallel_loop3A_943 : vector<16xf32>
        %parallel_loop3A_945 = arith.cmpf ogt, %parallel_loop3A_939, %cond3A_413#0 : vector<16xf32>
        %parallel_loop3A_946 = arith.cmpf ogt, %parallel_loop3A_944, %cond3A_413#1 : vector<16xf32>
        %parallel_loop3A_947 = arith.addi %parallel_loop3A_922, %iota3A : vector<16xi32>
        tpu.vector_store_idx %arg9[%parallel_loop3A_947], %parallel_loop3A_939 masked %parallel_loop3A_945 : memref<57344xf32, #tpu.memory_space<vmem>>[vector<16xi32>], vector<16xf32>, vector<16xi1>
        %parallel_loop3A_948 = arith.addi %parallel_loop3A_928, %iota3A : vector<16xi32>
        %parallel_loop3A_949 = arith.constant 16 : i32
        %parallel_loop3A_950 = vector.broadcast %parallel_loop3A_949 : i32 to vector<16xi32>
        %parallel_loop3A_951 = arith.addi %parallel_loop3A_948, %parallel_loop3A_950 : vector<16xi32>
        tpu.vector_store_idx %arg9[%parallel_loop3A_951], %parallel_loop3A_944 masked %parallel_loop3A_946 : memref<57344xf32, #tpu.memory_space<vmem>>[vector<16xi32>], vector<16xf32>, vector<16xi1>
        %parallel_loop3A_952 = arith.constant 32 : i32
        %parallel_loop3A_953 = arith.constant 0 : i32
        %parallel_loop3A_954 = vector.broadcast %parallel_loop3A_952 : i32 to vector<16xi32>
        %parallel_loop3A_955 = vector.broadcast %parallel_loop3A_953 : i32 to vector<16xi32>
        %parallel_loop3A_956 = arith.select %parallel_loop3A_945, %parallel_loop3A_954, %parallel_loop3A_955 : vector<16xi1>, vector<16xi32>
        %parallel_loop3A_957 = arith.addi %parallel_loop3A_922, %parallel_loop3A_956 : vector<16xi32>
        %parallel_loop3A_958 = arith.constant 32 : i32
        %parallel_loop3A_959 = arith.constant 0 : i32
        %parallel_loop3A_960 = vector.broadcast %parallel_loop3A_958 : i32 to vector<16xi32>
        %parallel_loop3A_961 = vector.broadcast %parallel_loop3A_959 : i32 to vector<16xi32>
        %parallel_loop3A_962 = arith.select %parallel_loop3A_946, %parallel_loop3A_960, %parallel_loop3A_961 : vector<16xi1>, vector<16xi32>
        %parallel_loop3A_963 = arith.addi %parallel_loop3A_928, %parallel_loop3A_962 : vector<16xi32>
        %parallel_loop3A_964 = arith.constant 16 : i32
        %parallel_loop3A_965 = arith.muli %parallel_loop3A_527, %parallel_loop3A_964 : i32
        %parallel_loop3A_966 = arith.constant 12 : i32
        %parallel_loop3A_967 = arith.addi %parallel_loop3A_965, %parallel_loop3A_966 : i32
        %parallel_loop3A_968 = vector.extract_strided_slice %parallel_loop3A_534 {offsets = [12], sizes = [1], strides = [1]} : vector<16xf32> to vector<1xf32>
        %parallel_loop3A_969 = vector.extract %parallel_loop3A_968[0] : f32 from vector<1xf32>
        %parallel_loop3A_970 = arith.index_cast %parallel_loop3A_967 : i32 to index
        %parallel_loop3A_971 = arith.constant 0 : index
        %parallel_loop3A_972 = tpu.vector_load %arg6[%parallel_loop3A_970, %parallel_loop3A_971] {strides = array<i32>} : memref<256x32xf32, #tpu.memory_space<vmem>>, vector<16xf32>,
        %parallel_loop3A_973 = vector.broadcast %parallel_loop3A_969 : f32 to vector<16xf32>
        %parallel_loop3A_974 = arith.minimumf %parallel_loop3A_972, %parallel_loop3A_973 : vector<16xf32>
        %parallel_loop3A_975 = arith.index_cast %parallel_loop3A_967 : i32 to index
        %parallel_loop3A_976 = arith.constant 16 : index
        %parallel_loop3A_977 = tpu.vector_load %arg6[%parallel_loop3A_975, %parallel_loop3A_976] {strides = array<i32>} : memref<256x32xf32, #tpu.memory_space<vmem>>, vector<16xf32>,
        %parallel_loop3A_978 = vector.broadcast %parallel_loop3A_969 : f32 to vector<16xf32>
        %parallel_loop3A_979 = arith.minimumf %parallel_loop3A_977, %parallel_loop3A_978 : vector<16xf32>
        %parallel_loop3A_980 = arith.cmpf ogt, %parallel_loop3A_974, %cond3A_413#0 : vector<16xf32>
        %parallel_loop3A_981 = arith.cmpf ogt, %parallel_loop3A_979, %cond3A_413#1 : vector<16xf32>
        %parallel_loop3A_982 = arith.addi %parallel_loop3A_957, %iota3A : vector<16xi32>
        tpu.vector_store_idx %arg9[%parallel_loop3A_982], %parallel_loop3A_974 masked %parallel_loop3A_980 : memref<57344xf32, #tpu.memory_space<vmem>>[vector<16xi32>], vector<16xf32>, vector<16xi1>
        %parallel_loop3A_983 = arith.addi %parallel_loop3A_963, %iota3A : vector<16xi32>
        %parallel_loop3A_984 = arith.constant 16 : i32
        %parallel_loop3A_985 = vector.broadcast %parallel_loop3A_984 : i32 to vector<16xi32>
        %parallel_loop3A_986 = arith.addi %parallel_loop3A_983, %parallel_loop3A_985 : vector<16xi32>
        tpu.vector_store_idx %arg9[%parallel_loop3A_986], %parallel_loop3A_979 masked %parallel_loop3A_981 : memref<57344xf32, #tpu.memory_space<vmem>>[vector<16xi32>], vector<16xf32>, vector<16xi1>
        %parallel_loop3A_987 = arith.constant 32 : i32
        %parallel_loop3A_988 = arith.constant 0 : i32
        %parallel_loop3A_989 = vector.broadcast %parallel_loop3A_987 : i32 to vector<16xi32>
        %parallel_loop3A_990 = vector.broadcast %parallel_loop3A_988 : i32 to vector<16xi32>
        %parallel_loop3A_991 = arith.select %parallel_loop3A_980, %parallel_loop3A_989, %parallel_loop3A_990 : vector<16xi1>, vector<16xi32>
        %parallel_loop3A_992 = arith.addi %parallel_loop3A_957, %parallel_loop3A_991 : vector<16xi32>
        %parallel_loop3A_993 = arith.constant 32 : i32
        %parallel_loop3A_994 = arith.constant 0 : i32
        %parallel_loop3A_995 = vector.broadcast %parallel_loop3A_993 : i32 to vector<16xi32>
        %parallel_loop3A_996 = vector.broadcast %parallel_loop3A_994 : i32 to vector<16xi32>
        %parallel_loop3A_997 = arith.select %parallel_loop3A_981, %parallel_loop3A_995, %parallel_loop3A_996 : vector<16xi1>, vector<16xi32>
        %parallel_loop3A_998 = arith.addi %parallel_loop3A_963, %parallel_loop3A_997 : vector<16xi32>
        %parallel_loop3A_999 = arith.constant 16 : i32
        %parallel_loop3A_1000 = arith.muli %parallel_loop3A_527, %parallel_loop3A_999 : i32
        %parallel_loop3A_1001 = arith.constant 13 : i32
        %parallel_loop3A_1002 = arith.addi %parallel_loop3A_1000, %parallel_loop3A_1001 : i32
        %parallel_loop3A_1003 = vector.extract_strided_slice %parallel_loop3A_534 {offsets = [13], sizes = [1], strides = [1]} : vector<16xf32> to vector<1xf32>
        %parallel_loop3A_1004 = vector.extract %parallel_loop3A_1003[0] : f32 from vector<1xf32>
        %parallel_loop3A_1005 = arith.index_cast %parallel_loop3A_1002 : i32 to index
        %parallel_loop3A_1006 = arith.constant 0 : index
        %parallel_loop3A_1007 = tpu.vector_load %arg6[%parallel_loop3A_1005, %parallel_loop3A_1006] {strides = array<i32>} : memref<256x32xf32, #tpu.memory_space<vmem>>, vector<16xf32>,
        %parallel_loop3A_1008 = vector.broadcast %parallel_loop3A_1004 : f32 to vector<16xf32>
        %parallel_loop3A_1009 = arith.minimumf %parallel_loop3A_1007, %parallel_loop3A_1008 : vector<16xf32>
        %parallel_loop3A_1010 = arith.index_cast %parallel_loop3A_1002 : i32 to index
        %parallel_loop3A_1011 = arith.constant 16 : index
        %parallel_loop3A_1012 = tpu.vector_load %arg6[%parallel_loop3A_1010, %parallel_loop3A_1011] {strides = array<i32>} : memref<256x32xf32, #tpu.memory_space<vmem>>, vector<16xf32>,
        %parallel_loop3A_1013 = vector.broadcast %parallel_loop3A_1004 : f32 to vector<16xf32>
        %parallel_loop3A_1014 = arith.minimumf %parallel_loop3A_1012, %parallel_loop3A_1013 : vector<16xf32>
        %parallel_loop3A_1015 = arith.cmpf ogt, %parallel_loop3A_1009, %cond3A_413#0 : vector<16xf32>
        %parallel_loop3A_1016 = arith.cmpf ogt, %parallel_loop3A_1014, %cond3A_413#1 : vector<16xf32>
        %parallel_loop3A_1017 = arith.addi %parallel_loop3A_992, %iota3A : vector<16xi32>
        tpu.vector_store_idx %arg9[%parallel_loop3A_1017], %parallel_loop3A_1009 masked %parallel_loop3A_1015 : memref<57344xf32, #tpu.memory_space<vmem>>[vector<16xi32>], vector<16xf32>, vector<16xi1>
        %parallel_loop3A_1018 = arith.addi %parallel_loop3A_998, %iota3A : vector<16xi32>
        %parallel_loop3A_1019 = arith.constant 16 : i32
        %parallel_loop3A_1020 = vector.broadcast %parallel_loop3A_1019 : i32 to vector<16xi32>
        %parallel_loop3A_1021 = arith.addi %parallel_loop3A_1018, %parallel_loop3A_1020 : vector<16xi32>
        tpu.vector_store_idx %arg9[%parallel_loop3A_1021], %parallel_loop3A_1014 masked %parallel_loop3A_1016 : memref<57344xf32, #tpu.memory_space<vmem>>[vector<16xi32>], vector<16xf32>, vector<16xi1>
        %parallel_loop3A_1022 = arith.constant 32 : i32
        %parallel_loop3A_1023 = arith.constant 0 : i32
        %parallel_loop3A_1024 = vector.broadcast %parallel_loop3A_1022 : i32 to vector<16xi32>
        %parallel_loop3A_1025 = vector.broadcast %parallel_loop3A_1023 : i32 to vector<16xi32>
        %parallel_loop3A_1026 = arith.select %parallel_loop3A_1015, %parallel_loop3A_1024, %parallel_loop3A_1025 : vector<16xi1>, vector<16xi32>
        %parallel_loop3A_1027 = arith.addi %parallel_loop3A_992, %parallel_loop3A_1026 : vector<16xi32>
        %parallel_loop3A_1028 = arith.constant 32 : i32
        %parallel_loop3A_1029 = arith.constant 0 : i32
        %parallel_loop3A_1030 = vector.broadcast %parallel_loop3A_1028 : i32 to vector<16xi32>
        %parallel_loop3A_1031 = vector.broadcast %parallel_loop3A_1029 : i32 to vector<16xi32>
        %parallel_loop3A_1032 = arith.select %parallel_loop3A_1016, %parallel_loop3A_1030, %parallel_loop3A_1031 : vector<16xi1>, vector<16xi32>
        %parallel_loop3A_1033 = arith.addi %parallel_loop3A_998, %parallel_loop3A_1032 : vector<16xi32>
        %parallel_loop3A_1034 = arith.constant 16 : i32
        %parallel_loop3A_1035 = arith.muli %parallel_loop3A_527, %parallel_loop3A_1034 : i32
        %parallel_loop3A_1036 = arith.constant 14 : i32
        %parallel_loop3A_1037 = arith.addi %parallel_loop3A_1035, %parallel_loop3A_1036 : i32
        %parallel_loop3A_1038 = vector.extract_strided_slice %parallel_loop3A_534 {offsets = [14], sizes = [1], strides = [1]} : vector<16xf32> to vector<1xf32>
        %parallel_loop3A_1039 = vector.extract %parallel_loop3A_1038[0] : f32 from vector<1xf32>
        %parallel_loop3A_1040 = arith.index_cast %parallel_loop3A_1037 : i32 to index
        %parallel_loop3A_1041 = arith.constant 0 : index
        %parallel_loop3A_1042 = tpu.vector_load %arg6[%parallel_loop3A_1040, %parallel_loop3A_1041] {strides = array<i32>} : memref<256x32xf32, #tpu.memory_space<vmem>>, vector<16xf32>,
        %parallel_loop3A_1043 = vector.broadcast %parallel_loop3A_1039 : f32 to vector<16xf32>
        %parallel_loop3A_1044 = arith.minimumf %parallel_loop3A_1042, %parallel_loop3A_1043 : vector<16xf32>
        %parallel_loop3A_1045 = arith.index_cast %parallel_loop3A_1037 : i32 to index
        %parallel_loop3A_1046 = arith.constant 16 : index
        %parallel_loop3A_1047 = tpu.vector_load %arg6[%parallel_loop3A_1045, %parallel_loop3A_1046] {strides = array<i32>} : memref<256x32xf32, #tpu.memory_space<vmem>>, vector<16xf32>,
        %parallel_loop3A_1048 = vector.broadcast %parallel_loop3A_1039 : f32 to vector<16xf32>
        %parallel_loop3A_1049 = arith.minimumf %parallel_loop3A_1047, %parallel_loop3A_1048 : vector<16xf32>
        %parallel_loop3A_1050 = arith.cmpf ogt, %parallel_loop3A_1044, %cond3A_413#0 : vector<16xf32>
        %parallel_loop3A_1051 = arith.cmpf ogt, %parallel_loop3A_1049, %cond3A_413#1 : vector<16xf32>
        %parallel_loop3A_1052 = arith.addi %parallel_loop3A_1027, %iota3A : vector<16xi32>
        tpu.vector_store_idx %arg9[%parallel_loop3A_1052], %parallel_loop3A_1044 masked %parallel_loop3A_1050 : memref<57344xf32, #tpu.memory_space<vmem>>[vector<16xi32>], vector<16xf32>, vector<16xi1>
        %parallel_loop3A_1053 = arith.addi %parallel_loop3A_1033, %iota3A : vector<16xi32>
        %parallel_loop3A_1054 = arith.constant 16 : i32
        %parallel_loop3A_1055 = vector.broadcast %parallel_loop3A_1054 : i32 to vector<16xi32>
        %parallel_loop3A_1056 = arith.addi %parallel_loop3A_1053, %parallel_loop3A_1055 : vector<16xi32>
        tpu.vector_store_idx %arg9[%parallel_loop3A_1056], %parallel_loop3A_1049 masked %parallel_loop3A_1051 : memref<57344xf32, #tpu.memory_space<vmem>>[vector<16xi32>], vector<16xf32>, vector<16xi1>
        %parallel_loop3A_1057 = arith.constant 32 : i32
        %parallel_loop3A_1058 = arith.constant 0 : i32
        %parallel_loop3A_1059 = vector.broadcast %parallel_loop3A_1057 : i32 to vector<16xi32>
        %parallel_loop3A_1060 = vector.broadcast %parallel_loop3A_1058 : i32 to vector<16xi32>
        %parallel_loop3A_1061 = arith.select %parallel_loop3A_1050, %parallel_loop3A_1059, %parallel_loop3A_1060 : vector<16xi1>, vector<16xi32>
        %parallel_loop3A_1062 = arith.addi %parallel_loop3A_1027, %parallel_loop3A_1061 : vector<16xi32>
        %parallel_loop3A_1063 = arith.constant 32 : i32
        %parallel_loop3A_1064 = arith.constant 0 : i32
        %parallel_loop3A_1065 = vector.broadcast %parallel_loop3A_1063 : i32 to vector<16xi32>
        %parallel_loop3A_1066 = vector.broadcast %parallel_loop3A_1064 : i32 to vector<16xi32>
        %parallel_loop3A_1067 = arith.select %parallel_loop3A_1051, %parallel_loop3A_1065, %parallel_loop3A_1066 : vector<16xi1>, vector<16xi32>
        %parallel_loop3A_1068 = arith.addi %parallel_loop3A_1033, %parallel_loop3A_1067 : vector<16xi32>
        %parallel_loop3A_1069 = arith.constant 16 : i32
        %parallel_loop3A_1070 = arith.muli %parallel_loop3A_527, %parallel_loop3A_1069 : i32
        %parallel_loop3A_1071 = arith.constant 15 : i32
        %parallel_loop3A_1072 = arith.addi %parallel_loop3A_1070, %parallel_loop3A_1071 : i32
        %parallel_loop3A_1073 = vector.extract_strided_slice %parallel_loop3A_534 {offsets = [15], sizes = [1], strides = [1]} : vector<16xf32> to vector<1xf32>
        %parallel_loop3A_1074 = vector.extract %parallel_loop3A_1073[0] : f32 from vector<1xf32>
        %parallel_loop3A_1075 = arith.index_cast %parallel_loop3A_1072 : i32 to index
        %parallel_loop3A_1076 = arith.constant 0 : index
        %parallel_loop3A_1077 = tpu.vector_load %arg6[%parallel_loop3A_1075, %parallel_loop3A_1076] {strides = array<i32>} : memref<256x32xf32, #tpu.memory_space<vmem>>, vector<16xf32>,
        %parallel_loop3A_1078 = vector.broadcast %parallel_loop3A_1074 : f32 to vector<16xf32>
        %parallel_loop3A_1079 = arith.minimumf %parallel_loop3A_1077, %parallel_loop3A_1078 : vector<16xf32>
        %parallel_loop3A_1080 = arith.index_cast %parallel_loop3A_1072 : i32 to index
        %parallel_loop3A_1081 = arith.constant 16 : index
        %parallel_loop3A_1082 = tpu.vector_load %arg6[%parallel_loop3A_1080, %parallel_loop3A_1081] {strides = array<i32>} : memref<256x32xf32, #tpu.memory_space<vmem>>, vector<16xf32>,
        %parallel_loop3A_1083 = vector.broadcast %parallel_loop3A_1074 : f32 to vector<16xf32>
        %parallel_loop3A_1084 = arith.minimumf %parallel_loop3A_1082, %parallel_loop3A_1083 : vector<16xf32>
        %parallel_loop3A_1085 = arith.cmpf ogt, %parallel_loop3A_1079, %cond3A_413#0 : vector<16xf32>
        %parallel_loop3A_1086 = arith.cmpf ogt, %parallel_loop3A_1084, %cond3A_413#1 : vector<16xf32>
        %parallel_loop3A_1087 = arith.addi %parallel_loop3A_1062, %iota3A : vector<16xi32>
        tpu.vector_store_idx %arg9[%parallel_loop3A_1087], %parallel_loop3A_1079 masked %parallel_loop3A_1085 : memref<57344xf32, #tpu.memory_space<vmem>>[vector<16xi32>], vector<16xf32>, vector<16xi1>
        %parallel_loop3A_1088 = arith.addi %parallel_loop3A_1068, %iota3A : vector<16xi32>
        %parallel_loop3A_1089 = arith.constant 16 : i32
        %parallel_loop3A_1090 = vector.broadcast %parallel_loop3A_1089 : i32 to vector<16xi32>
        %parallel_loop3A_1091 = arith.addi %parallel_loop3A_1088, %parallel_loop3A_1090 : vector<16xi32>
        tpu.vector_store_idx %arg9[%parallel_loop3A_1091], %parallel_loop3A_1084 masked %parallel_loop3A_1086 : memref<57344xf32, #tpu.memory_space<vmem>>[vector<16xi32>], vector<16xf32>, vector<16xi1>
        %parallel_loop3A_1092 = arith.constant 32 : i32
        %parallel_loop3A_1093 = arith.constant 0 : i32
        %parallel_loop3A_1094 = vector.broadcast %parallel_loop3A_1092 : i32 to vector<16xi32>
        %parallel_loop3A_1095 = vector.broadcast %parallel_loop3A_1093 : i32 to vector<16xi32>
        %parallel_loop3A_1096 = arith.select %parallel_loop3A_1085, %parallel_loop3A_1094, %parallel_loop3A_1095 : vector<16xi1>, vector<16xi32>
        %parallel_loop3A_1097 = arith.addi %parallel_loop3A_1062, %parallel_loop3A_1096 : vector<16xi32>
        %parallel_loop3A_1098 = arith.constant 32 : i32
        %parallel_loop3A_1099 = arith.constant 0 : i32
        %parallel_loop3A_1100 = vector.broadcast %parallel_loop3A_1098 : i32 to vector<16xi32>
        %parallel_loop3A_1101 = vector.broadcast %parallel_loop3A_1099 : i32 to vector<16xi32>
        %parallel_loop3A_1102 = arith.select %parallel_loop3A_1086, %parallel_loop3A_1100, %parallel_loop3A_1101 : vector<16xi1>, vector<16xi32>
        %parallel_loop3A_1103 = arith.addi %parallel_loop3A_1068, %parallel_loop3A_1102 : vector<16xi32>
        %parallel_loop3A_1104 = arith.minsi %parallel_loop3A_1097, %broadcast_in_dim3A_7 : vector<16xi32>
        %parallel_loop3A_1105 = arith.minsi %parallel_loop3A_1103, %broadcast_in_dim3A_7 : vector<16xi32>
        scf.yield %parallel_loop3A_1104, %parallel_loop3A_1105, %parallel_loop3A_543 : vector<16xi32>, vector<16xi32>, vector<16xi32>
      } {sc.loop_unroll_factor = 1 : i64, sc.parallel_access}
      %add3A_442 = arith.constant 2 : i32
      %add3A_443 = arith.addi %add3A_423, %add3A_442 : i32
      %lt3A_444 = arith.constant 128 : i32
      %lt3A_445 = arith.cmpi slt, %add3A_443, %lt3A_444 : i32
      %convert_element_type3A_446 = arith.extui %lt3A_445 : i1 to i32
      %cond3A_447 = arith.constant 0 : i32
      %cond3A_448 = arith.cmpi ne, %convert_element_type3A_446, %cond3A_447 : i32
      scf.if %cond3A_448 {
        %add3A_527 = arith.constant 2 : i32
        %add3A_528 = arith.addi %add3A_423, %add3A_527 : i32
        %mul3A_529 = arith.constant 256 : i32
        %mul3A_530 = arith.muli %add3A_528, %mul3A_529 : i32
        %dma_start3A_531 = arith.constant 0 : i32
        %dma_start3A_532 = tpu.memref_slice %arg2[%add3A, %mul3A_530, %dma_start3A_531] : memref<32x32768x32xf32, #tpu.memory_space<hbm>> -> memref<1x256x32xf32, #tpu.memory_space<hbm>>
        %dma_start3A_533 = tpu.memref_squeeze %dma_start3A_532 : memref<1x256x32xf32, #tpu.memory_space<hbm>> -> memref<256x32xf32, #tpu.memory_space<hbm>>
        %dma_start3A_534 = arith.constant 0 : i32
        %dma_start3A_535 = tpu.memref_slice %arg2[%add3A, %mul3A_530, %dma_start3A_534] : memref<32x32768x32xf32, #tpu.memory_space<hbm>> -> memref<1x256x32xf32, #tpu.memory_space<hbm>>
        %dma_start3A_536 = tpu.memref_squeeze %dma_start3A_535 : memref<1x256x32xf32, #tpu.memory_space<hbm>> -> memref<256x32xf32, #tpu.memory_space<hbm>>
        tpu.enqueue_dma source(%dma_start3A_536 : memref<256x32xf32, #tpu.memory_space<hbm>>) target(%arg6 : memref<256x32xf32, #tpu.memory_space<vmem>>) target_semaphore(%arg12 : memref<!tpu.dma_semaphore, #tpu.memory_space<semaphore_mem>>)
        %mul3A_537 = arith.constant 256 : i32
        %mul3A_538 = arith.muli %add3A_528, %mul3A_537 : i32
        %dma_start3A_539 = tpu.memref_slice %arg3[%add3A, %mul3A_538] : memref<32x32768xf32, #tpu.memory_space<hbm>> -> memref<1x256xf32, #tpu.memory_space<hbm>>
        %dma_start3A_540 = tpu.memref_squeeze %dma_start3A_539 : memref<1x256xf32, #tpu.memory_space<hbm>> -> memref<256xf32, #tpu.memory_space<hbm>>
        %dma_start3A_541 = tpu.memref_slice %arg3[%add3A, %mul3A_538] : memref<32x32768xf32, #tpu.memory_space<hbm>> -> memref<1x256xf32, #tpu.memory_space<hbm>>
        %dma_start3A_542 = tpu.memref_squeeze %dma_start3A_541 : memref<1x256xf32, #tpu.memory_space<hbm>> -> memref<256xf32, #tpu.memory_space<hbm>>
        tpu.enqueue_dma source(%dma_start3A_542 : memref<256xf32, #tpu.memory_space<hbm>>) target(%arg8 : memref<256xf32, #tpu.memory_space<vmem>>) target_semaphore(%arg14 : memref<!tpu.dma_semaphore, #tpu.memory_space<semaphore_mem>>)
      } else {
      }
      %shift_right_arithmetic3A_449 = arith.constant 5 : i32
      %shift_right_arithmetic3A_450 = vector.broadcast %shift_right_arithmetic3A_449 : i32 to vector<16xi32>
      %shift_right_arithmetic3A_451 = arith.shrsi %parallel_loop3A_441#0, %shift_right_arithmetic3A_450 : vector<16xi32>
      %shift_right_arithmetic3A_452 = arith.constant 5 : i32
      %shift_right_arithmetic3A_453 = vector.broadcast %shift_right_arithmetic3A_452 : i32 to vector<16xi32>
      %shift_right_arithmetic3A_454 = arith.shrsi %parallel_loop3A_441#1, %shift_right_arithmetic3A_453 : vector<16xi32>
      %max3A_455 = arith.maxsi %shift_right_arithmetic3A_451, %shift_right_arithmetic3A_454 : vector<16xi32>
      %iota3A_456 = tpu.iota {dimensions = array<i32: 0>} : vector<16xi32>
      %xor3A_457 = arith.constant 8 : i32
      %xor3A_458 = vector.broadcast %xor3A_457 : i32 to vector<16xi32>
      %xor3A_459 = arith.xori %iota3A_456, %xor3A_458 : vector<16xi32>
      %lt3A_460 = arith.constant 0 : i32
      %lt3A_461 = vector.broadcast %lt3A_460 : i32 to vector<16xi32>
      %lt3A_462 = arith.cmpi slt, %xor3A_459, %lt3A_461 : vector<16xi32>
      %add3A_463 = arith.constant 16 : i32
      %add3A_464 = vector.broadcast %add3A_463 : i32 to vector<16xi32>
      %add3A_465 = arith.addi %xor3A_459, %add3A_464 : vector<16xi32>
      %select_n3A_466 = arith.select %lt3A_462, %add3A_465, %xor3A_459 : vector<16xi1>, vector<16xi32>
      %broadcast_in_dim3A_467 = vector.shape_cast %select_n3A_466 : vector<16xi32> to vector<16x1xi32>
      %gather3A_468 = vector.shape_cast %broadcast_in_dim3A_467 : vector<16x1xi32> to vector<16xi32>
      %gather3A_469 = tpu.dynamic_gather %max3A_455[%gather3A_468] in [0] : vector<16xi32>, vector<16xi32> -> vector<16xi32>
      %max3A_470 = arith.maxsi %max3A_455, %gather3A_469 : vector<16xi32>
      %xor3A_471 = arith.constant 4 : i32
      %xor3A_472 = vector.broadcast %xor3A_471 : i32 to vector<16xi32>
      %xor3A_473 = arith.xori %iota3A_456, %xor3A_472 : vector<16xi32>
      %lt3A_474 = arith.constant 0 : i32
      %lt3A_475 = vector.broadcast %lt3A_474 : i32 to vector<16xi32>
      %lt3A_476 = arith.cmpi slt, %xor3A_473, %lt3A_475 : vector<16xi32>
      %add3A_477 = arith.constant 16 : i32
      %add3A_478 = vector.broadcast %add3A_477 : i32 to vector<16xi32>
      %add3A_479 = arith.addi %xor3A_473, %add3A_478 : vector<16xi32>
      %select_n3A_480 = arith.select %lt3A_476, %add3A_479, %xor3A_473 : vector<16xi1>, vector<16xi32>
      %broadcast_in_dim3A_481 = vector.shape_cast %select_n3A_480 : vector<16xi32> to vector<16x1xi32>
      %gather3A_482 = vector.shape_cast %broadcast_in_dim3A_481 : vector<16x1xi32> to vector<16xi32>
      %gather3A_483 = tpu.dynamic_gather %max3A_470[%gather3A_482] in [0] : vector<16xi32>, vector<16xi32> -> vector<16xi32>
      %max3A_484 = arith.maxsi %max3A_470, %gather3A_483 : vector<16xi32>
      %xor3A_485 = arith.constant 2 : i32
      %xor3A_486 = vector.broadcast %xor3A_485 : i32 to vector<16xi32>
      %xor3A_487 = arith.xori %iota3A_456, %xor3A_486 : vector<16xi32>
      %lt3A_488 = arith.constant 0 : i32
      %lt3A_489 = vector.broadcast %lt3A_488 : i32 to vector<16xi32>
      %lt3A_490 = arith.cmpi slt, %xor3A_487, %lt3A_489 : vector<16xi32>
      %add3A_491 = arith.constant 16 : i32
      %add3A_492 = vector.broadcast %add3A_491 : i32 to vector<16xi32>
      %add3A_493 = arith.addi %xor3A_487, %add3A_492 : vector<16xi32>
      %select_n3A_494 = arith.select %lt3A_490, %add3A_493, %xor3A_487 : vector<16xi1>, vector<16xi32>
      %broadcast_in_dim3A_495 = vector.shape_cast %select_n3A_494 : vector<16xi32> to vector<16x1xi32>
      %gather3A_496 = vector.shape_cast %broadcast_in_dim3A_495 : vector<16x1xi32> to vector<16xi32>
      %gather3A_497 = tpu.dynamic_gather %max3A_484[%gather3A_496] in [0] : vector<16xi32>, vector<16xi32> -> vector<16xi32>
      %max3A_498 = arith.maxsi %max3A_484, %gather3A_497 : vector<16xi32>
      %xor3A_499 = arith.constant 1 : i32
      %xor3A_500 = vector.broadcast %xor3A_499 : i32 to vector<16xi32>
      %xor3A_501 = arith.xori %iota3A_456, %xor3A_500 : vector<16xi32>
      %lt3A_502 = arith.constant 0 : i32
      %lt3A_503 = vector.broadcast %lt3A_502 : i32 to vector<16xi32>
      %lt3A_504 = arith.cmpi slt, %xor3A_501, %lt3A_503 : vector<16xi32>
      %add3A_505 = arith.constant 16 : i32
      %add3A_506 = vector.broadcast %add3A_505 : i32 to vector<16xi32>
      %add3A_507 = arith.addi %xor3A_501, %add3A_506 : vector<16xi32>
      %select_n3A_508 = arith.select %lt3A_504, %add3A_507, %xor3A_501 : vector<16xi1>, vector<16xi32>
      %broadcast_in_dim3A_509 = vector.shape_cast %select_n3A_508 : vector<16xi32> to vector<16x1xi32>
      %gather3A_510 = vector.shape_cast %broadcast_in_dim3A_509 : vector<16x1xi32> to vector<16xi32>
      %gather3A_511 = tpu.dynamic_gather %max3A_498[%gather3A_510] in [0] : vector<16xi32>, vector<16xi32> -> vector<16xi32>
      %max3A_512 = arith.maxsi %max3A_498, %gather3A_511 : vector<16xi32>
      %slice3A_513 = vector.extract_strided_slice %max3A_512 {offsets = [0], sizes = [1], strides = [1]} : vector<16xi32> to vector<1xi32>
      %squeeze3A_514 = vector.extract %slice3A_513[0] : i32 from vector<1xi32>
      %gt3A_515 = arith.constant 1516 : i32
      %gt3A_516 = arith.cmpi sgt, %squeeze3A_514, %gt3A_515 : i32
      %convert_element_type3A_517 = arith.extui %gt3A_516 : i1 to i32
      %cond3A_518 = arith.constant 0 : i32
      %cond3A_519 = arith.cmpi ne, %convert_element_type3A_517, %cond3A_518 : i32
      %cond3A_520:4 = scf.if %cond3A_519 -> (vector<16xf32>, vector<16xf32>, vector<16xi32>, vector<16xi32>) {
        %scan3A_527 = arith.constant 0 : i32
        %scan3A_528 = arith.constant 64 : i32
        %scan3A_529 = arith.addi %scan3A_527, %scan3A_528 : i32
        %scan3A_530 = arith.constant 1 : i32
        %scan3A_531:2 = scf.for %scan3A_546 = %scan3A_527 to %scan3A_529 step %scan3A_530 iter_args(%scan3A_547 = %broadcast_in_dim3A_3, %scan3A_548 = %broadcast_in_dim3A_3) -> (vector<16xf32>, vector<16xf32>)  : i32 {
          %scan3A_549 = arith.constant 0 : i32
          %scan3A_550 = arith.constant 28 : i32
          %scan3A_551 = arith.addi %scan3A_549, %scan3A_550 : i32
          %scan3A_552 = arith.constant 1 : i32
          %scan3A_553:2 = scf.for %scan3A_557 = %scan3A_549 to %scan3A_551 step %scan3A_552 iter_args(%scan3A_558 = %broadcast_in_dim3A_1, %scan3A_559 = %broadcast_in_dim3A_1) -> (vector<16xf32>, vector<16xf32>)  : i32 {
            %mul3A_560 = arith.constant 64 : i32
            %mul3A_561 = arith.muli %scan3A_557, %mul3A_560 : i32
            %add3A_562 = arith.addi %mul3A_561, %scan3A_546 : i32
            %lt3A_563 = vector.broadcast %add3A_562 : i32 to vector<16xi32>
            %lt3A_564 = arith.cmpi slt, %lt3A_563, %shift_right_arithmetic3A_451 : vector<16xi32>
            %mul3A_565 = arith.constant 32 : i32
            %mul3A_566 = arith.muli %add3A_562, %mul3A_565 : i32
            %get3A = arith.index_cast %mul3A_566 : i32 to index
            %get3A_567 = tpu.vector_load %arg9[%get3A] {strides = array<i32>} : memref<57344xf32, #tpu.memory_space<vmem>>, vector<16xf32>,
            %select_n3A_568 = arith.select %lt3A_564, %get3A_567, %broadcast_in_dim3A_1 : vector<16xi1>, vector<16xf32>
            %lt3A_569 = vector.broadcast %add3A_562 : i32 to vector<16xi32>
            %lt3A_570 = arith.cmpi slt, %lt3A_569, %shift_right_arithmetic3A_454 : vector<16xi32>
            %mul3A_571 = arith.constant 32 : i32
            %mul3A_572 = arith.muli %add3A_562, %mul3A_571 : i32
            %add3A_573 = arith.constant 16 : i32
            %add3A_574 = arith.addi %mul3A_572, %add3A_573 : i32
            %get3A_575 = arith.index_cast %add3A_574 : i32 to index
            %get3A_576 = tpu.vector_load %arg9[%get3A_575] {strides = array<i32>} : memref<57344xf32, #tpu.memory_space<vmem>>, vector<16xf32>,
            %select_n3A_577 = arith.select %lt3A_570, %get3A_576, %broadcast_in_dim3A_1 : vector<16xi1>, vector<16xf32>
            %max3A_578 = arith.maximumf %scan3A_558, %select_n3A_568 : vector<16xf32>
            %max3A_579 = arith.maximumf %scan3A_559, %select_n3A_577 : vector<16xf32>
            scf.yield %max3A_578, %max3A_579 : vector<16xf32>, vector<16xf32>
          }
          %scan3A_554 = arith.constant 28 : i32
          %min3A_555 = arith.minimumf %scan3A_547, %scan3A_553#0 : vector<16xf32>
          %min3A_556 = arith.minimumf %scan3A_548, %scan3A_553#1 : vector<16xf32>
          scf.yield %min3A_555, %min3A_556 : vector<16xf32>, vector<16xf32>
        }
        %scan3A_532 = arith.constant 64 : i32
        %while3A_533 = arith.constant 0 : i32
        %while3A_534 = arith.subi %squeeze3A_514, %while3A_533 : i32
        %while3A_535 = arith.addi %while3A_533, %while3A_534 : i32
        %while3A_536 = arith.constant 1 : i32
        %while3A_537 = arith.divsi %while3A_534, %while3A_536 : i32
        %while3A_538 = arith.muli %while3A_537, %while3A_536 : i32
        %while3A_539 = arith.addi %while3A_533, %while3A_538 : i32
        %while3A_540 = arith.constant 1 : i32
        %while3A_541:4 = scf.for %while3A_546 = %while3A_533 to %while3A_539 step %while3A_540 iter_args(%while3A_547 = %broadcast_in_dim3A_5, %while3A_548 = %broadcast_in_dim3A_5, %while3A_549 = %broadcast_in_dim3A_5, %while3A_550 = %broadcast_in_dim3A_5) -> (vector<16xi32>, vector<16xi32>, vector<16xi32>, vector<16xi32>)  : i32 {
          %mul3A_551 = arith.constant 32 : i32
          %mul3A_552 = arith.muli %while3A_546, %mul3A_551 : i32
          %get3A = arith.index_cast %mul3A_552 : i32 to index
          %get3A_553 = tpu.vector_load %arg9[%get3A] {strides = array<i32>} : memref<57344xf32, #tpu.memory_space<vmem>>, vector<16xf32>,
          %mul3A_554 = arith.constant 32 : i32
          %mul3A_555 = arith.muli %while3A_546, %mul3A_554 : i32
          %add3A_556 = arith.constant 16 : i32
          %add3A_557 = arith.addi %mul3A_555, %add3A_556 : i32
          %get3A_558 = arith.index_cast %add3A_557 : i32 to index
          %get3A_559 = tpu.vector_load %arg9[%get3A_558] {strides = array<i32>} : memref<57344xf32, #tpu.memory_space<vmem>>, vector<16xf32>,
          %lt3A_560 = vector.broadcast %while3A_546 : i32 to vector<16xi32>
          %lt3A_561 = arith.cmpi slt, %lt3A_560, %shift_right_arithmetic3A_451 : vector<16xi32>
          %lt3A_562 = vector.broadcast %while3A_546 : i32 to vector<16xi32>
          %lt3A_563 = arith.cmpi slt, %lt3A_562, %shift_right_arithmetic3A_454 : vector<16xi32>
          %eq3A_564 = arith.cmpf oeq, %get3A_553, %scan3A_531#0 : vector<16xf32>
          %and3A_565 = arith.andi %lt3A_561, %eq3A_564 : vector<16xi1>
          %lt3A_566 = arith.constant 64 : i32
          %lt3A_567 = vector.broadcast %lt3A_566 : i32 to vector<16xi32>
          %lt3A_568 = arith.cmpi slt, %while3A_549, %lt3A_567 : vector<16xi32>
          %and3A_569 = arith.andi %and3A_565, %lt3A_568 : vector<16xi1>
          %eq3A_570 = arith.cmpf oeq, %get3A_559, %scan3A_531#1 : vector<16xf32>
          %and3A_571 = arith.andi %lt3A_563, %eq3A_570 : vector<16xi1>
          %lt3A_572 = arith.constant 64 : i32
          %lt3A_573 = vector.broadcast %lt3A_572 : i32 to vector<16xi32>
          %lt3A_574 = arith.cmpi slt, %while3A_550, %lt3A_573 : vector<16xi32>
          %and3A_575 = arith.andi %and3A_571, %lt3A_574 : vector<16xi1>
          %gt3A_576 = arith.cmpf ogt, %get3A_553, %scan3A_531#0 : vector<16xf32>
          %and3A_577 = arith.andi %lt3A_561, %gt3A_576 : vector<16xi1>
          %or3A = arith.ori %and3A_577, %and3A_569 : vector<16xi1>
          %gt3A_578 = arith.cmpf ogt, %get3A_559, %scan3A_531#1 : vector<16xf32>
          %and3A_579 = arith.andi %lt3A_563, %gt3A_578 : vector<16xi1>
          %or3A_580 = arith.ori %and3A_579, %and3A_575 : vector<16xi1>
          %mul3A_581 = arith.constant 32 : i32
          %mul3A_582 = vector.broadcast %mul3A_581 : i32 to vector<16xi32>
          %mul3A_583 = arith.muli %while3A_547, %mul3A_582 : vector<16xi32>
          %add3A_584 = arith.addi %mul3A_583, %iota3A : vector<16xi32>
          tpu.vector_store_idx %arg9[%add3A_584], %get3A_553 masked %or3A : memref<57344xf32, #tpu.memory_space<vmem>>[vector<16xi32>], vector<16xf32>, vector<16xi1>
          %mul3A_585 = arith.constant 32 : i32
          %mul3A_586 = vector.broadcast %mul3A_585 : i32 to vector<16xi32>
          %mul3A_587 = arith.muli %while3A_548, %mul3A_586 : vector<16xi32>
          %add3A_588 = arith.addi %mul3A_587, %iota3A : vector<16xi32>
          %add3A_589 = arith.constant 16 : i32
          %add3A_590 = vector.broadcast %add3A_589 : i32 to vector<16xi32>
          %add3A_591 = arith.addi %add3A_588, %add3A_590 : vector<16xi32>
          tpu.vector_store_idx %arg9[%add3A_591], %get3A_559 masked %or3A_580 : memref<57344xf32, #tpu.memory_space<vmem>>[vector<16xi32>], vector<16xf32>, vector<16xi1>
          %jit3A_592 = arith.constant 1 : i32
          %jit3A_593 = arith.constant 0 : i32
          %broadcast_in_dim3A_594 = vector.broadcast %jit3A_592 : i32 to vector<16xi32>
          %broadcast_in_dim3A_595 = vector.broadcast %jit3A_593 : i32 to vector<16xi32>
          %select_n3A_596 = arith.select %or3A, %broadcast_in_dim3A_594, %broadcast_in_dim3A_595 : vector<16xi1>, vector<16xi32>
          %add3A_597 = arith.addi %while3A_547, %select_n3A_596 : vector<16xi32>
          %jit3A_598 = arith.constant 1 : i32
          %jit3A_599 = arith.constant 0 : i32
          %broadcast_in_dim3A_600 = vector.broadcast %jit3A_598 : i32 to vector<16xi32>
          %broadcast_in_dim3A_601 = vector.broadcast %jit3A_599 : i32 to vector<16xi32>
          %select_n3A_602 = arith.select %or3A_580, %broadcast_in_dim3A_600, %broadcast_in_dim3A_601 : vector<16xi1>, vector<16xi32>
          %add3A_603 = arith.addi %while3A_548, %select_n3A_602 : vector<16xi32>
          %jit3A_604 = arith.constant 1 : i32
          %jit3A_605 = arith.constant 0 : i32
          %broadcast_in_dim3A_606 = vector.broadcast %jit3A_604 : i32 to vector<16xi32>
          %broadcast_in_dim3A_607 = vector.broadcast %jit3A_605 : i32 to vector<16xi32>
          %select_n3A_608 = arith.select %and3A_569, %broadcast_in_dim3A_606, %broadcast_in_dim3A_607 : vector<16xi1>, vector<16xi32>
          %add3A_609 = arith.addi %while3A_549, %select_n3A_608 : vector<16xi32>
          %jit3A_610 = arith.constant 1 : i32
          %jit3A_611 = arith.constant 0 : i32
          %broadcast_in_dim3A_612 = vector.broadcast %jit3A_610 : i32 to vector<16xi32>
          %broadcast_in_dim3A_613 = vector.broadcast %jit3A_611 : i32 to vector<16xi32>
          %select_n3A_614 = arith.select %and3A_575, %broadcast_in_dim3A_612, %broadcast_in_dim3A_613 : vector<16xi1>, vector<16xi32>
          %add3A_615 = arith.addi %while3A_550, %select_n3A_614 : vector<16xi32>
          scf.yield %add3A_597, %add3A_603, %add3A_609, %add3A_615 : vector<16xi32>, vector<16xi32>, vector<16xi32>, vector<16xi32>
        }
        %while3A_542 = arith.constant 1 : i32
        %while3A_543:4 = scf.for %while3A_546 = %while3A_539 to %while3A_535 step %while3A_542 iter_args(%while3A_547 = %while3A_541#0, %while3A_548 = %while3A_541#1, %while3A_549 = %while3A_541#2, %while3A_550 = %while3A_541#3) -> (vector<16xi32>, vector<16xi32>, vector<16xi32>, vector<16xi32>)  : i32 {
          %mul3A_551 = arith.constant 32 : i32
          %mul3A_552 = arith.muli %while3A_546, %mul3A_551 : i32
          %get3A = arith.index_cast %mul3A_552 : i32 to index
          %get3A_553 = tpu.vector_load %arg9[%get3A] {strides = array<i32>} : memref<57344xf32, #tpu.memory_space<vmem>>, vector<16xf32>,
          %mul3A_554 = arith.constant 32 : i32
          %mul3A_555 = arith.muli %while3A_546, %mul3A_554 : i32
          %add3A_556 = arith.constant 16 : i32
          %add3A_557 = arith.addi %mul3A_555, %add3A_556 : i32
          %get3A_558 = arith.index_cast %add3A_557 : i32 to index
          %get3A_559 = tpu.vector_load %arg9[%get3A_558] {strides = array<i32>} : memref<57344xf32, #tpu.memory_space<vmem>>, vector<16xf32>,
          %lt3A_560 = vector.broadcast %while3A_546 : i32 to vector<16xi32>
          %lt3A_561 = arith.cmpi slt, %lt3A_560, %shift_right_arithmetic3A_451 : vector<16xi32>
          %lt3A_562 = vector.broadcast %while3A_546 : i32 to vector<16xi32>
          %lt3A_563 = arith.cmpi slt, %lt3A_562, %shift_right_arithmetic3A_454 : vector<16xi32>
          %eq3A_564 = arith.cmpf oeq, %get3A_553, %scan3A_531#0 : vector<16xf32>
          %and3A_565 = arith.andi %lt3A_561, %eq3A_564 : vector<16xi1>
          %lt3A_566 = arith.constant 64 : i32
          %lt3A_567 = vector.broadcast %lt3A_566 : i32 to vector<16xi32>
          %lt3A_568 = arith.cmpi slt, %while3A_549, %lt3A_567 : vector<16xi32>
          %and3A_569 = arith.andi %and3A_565, %lt3A_568 : vector<16xi1>
          %eq3A_570 = arith.cmpf oeq, %get3A_559, %scan3A_531#1 : vector<16xf32>
          %and3A_571 = arith.andi %lt3A_563, %eq3A_570 : vector<16xi1>
          %lt3A_572 = arith.constant 64 : i32
          %lt3A_573 = vector.broadcast %lt3A_572 : i32 to vector<16xi32>
          %lt3A_574 = arith.cmpi slt, %while3A_550, %lt3A_573 : vector<16xi32>
          %and3A_575 = arith.andi %and3A_571, %lt3A_574 : vector<16xi1>
          %gt3A_576 = arith.cmpf ogt, %get3A_553, %scan3A_531#0 : vector<16xf32>
          %and3A_577 = arith.andi %lt3A_561, %gt3A_576 : vector<16xi1>
          %or3A = arith.ori %and3A_577, %and3A_569 : vector<16xi1>
          %gt3A_578 = arith.cmpf ogt, %get3A_559, %scan3A_531#1 : vector<16xf32>
          %and3A_579 = arith.andi %lt3A_563, %gt3A_578 : vector<16xi1>
          %or3A_580 = arith.ori %and3A_579, %and3A_575 : vector<16xi1>
          %mul3A_581 = arith.constant 32 : i32
          %mul3A_582 = vector.broadcast %mul3A_581 : i32 to vector<16xi32>
          %mul3A_583 = arith.muli %while3A_547, %mul3A_582 : vector<16xi32>
          %add3A_584 = arith.addi %mul3A_583, %iota3A : vector<16xi32>
          tpu.vector_store_idx %arg9[%add3A_584], %get3A_553 masked %or3A : memref<57344xf32, #tpu.memory_space<vmem>>[vector<16xi32>], vector<16xf32>, vector<16xi1>
          %mul3A_585 = arith.constant 32 : i32
          %mul3A_586 = vector.broadcast %mul3A_585 : i32 to vector<16xi32>
          %mul3A_587 = arith.muli %while3A_548, %mul3A_586 : vector<16xi32>
          %add3A_588 = arith.addi %mul3A_587, %iota3A : vector<16xi32>
          %add3A_589 = arith.constant 16 : i32
          %add3A_590 = vector.broadcast %add3A_589 : i32 to vector<16xi32>
          %add3A_591 = arith.addi %add3A_588, %add3A_590 : vector<16xi32>
          tpu.vector_store_idx %arg9[%add3A_591], %get3A_559 masked %or3A_580 : memref<57344xf32, #tpu.memory_space<vmem>>[vector<16xi32>], vector<16xf32>, vector<16xi1>
          %jit3A_592 = arith.constant 1 : i32
          %jit3A_593 = arith.constant 0 : i32
          %broadcast_in_dim3A_594 = vector.broadcast %jit3A_592 : i32 to vector<16xi32>
          %broadcast_in_dim3A_595 = vector.broadcast %jit3A_593 : i32 to vector<16xi32>
          %select_n3A_596 = arith.select %or3A, %broadcast_in_dim3A_594, %broadcast_in_dim3A_595 : vector<16xi1>, vector<16xi32>
          %add3A_597 = arith.addi %while3A_547, %select_n3A_596 : vector<16xi32>
          %jit3A_598 = arith.constant 1 : i32
          %jit3A_599 = arith.constant 0 : i32
          %broadcast_in_dim3A_600 = vector.broadcast %jit3A_598 : i32 to vector<16xi32>
          %broadcast_in_dim3A_601 = vector.broadcast %jit3A_599 : i32 to vector<16xi32>
          %select_n3A_602 = arith.select %or3A_580, %broadcast_in_dim3A_600, %broadcast_in_dim3A_601 : vector<16xi1>, vector<16xi32>
          %add3A_603 = arith.addi %while3A_548, %select_n3A_602 : vector<16xi32>
          %jit3A_604 = arith.constant 1 : i32
          %jit3A_605 = arith.constant 0 : i32
          %broadcast_in_dim3A_606 = vector.broadcast %jit3A_604 : i32 to vector<16xi32>
          %broadcast_in_dim3A_607 = vector.broadcast %jit3A_605 : i32 to vector<16xi32>
          %select_n3A_608 = arith.select %and3A_569, %broadcast_in_dim3A_606, %broadcast_in_dim3A_607 : vector<16xi1>, vector<16xi32>
          %add3A_609 = arith.addi %while3A_549, %select_n3A_608 : vector<16xi32>
          %jit3A_610 = arith.constant 1 : i32
          %jit3A_611 = arith.constant 0 : i32
          %broadcast_in_dim3A_612 = vector.broadcast %jit3A_610 : i32 to vector<16xi32>
          %broadcast_in_dim3A_613 = vector.broadcast %jit3A_611 : i32 to vector<16xi32>
          %select_n3A_614 = arith.select %and3A_575, %broadcast_in_dim3A_612, %broadcast_in_dim3A_613 : vector<16xi1>, vector<16xi32>
          %add3A_615 = arith.addi %while3A_550, %select_n3A_614 : vector<16xi32>
          scf.yield %add3A_597, %add3A_603, %add3A_609, %add3A_615 : vector<16xi32>, vector<16xi32>, vector<16xi32>, vector<16xi32>
        }
        %max3A_544 = arith.maximumf %cond3A_413#0, %scan3A_531#0 : vector<16xf32>
        %max3A_545 = arith.maximumf %cond3A_413#1, %scan3A_531#1 : vector<16xf32>
        scf.yield %max3A_544, %max3A_545, %while3A_543#0, %while3A_543#1 : vector<16xf32>, vector<16xf32>, vector<16xi32>, vector<16xi32>
      } else {
        scf.yield %cond3A_413#0, %cond3A_413#1, %shift_right_arithmetic3A_451, %shift_right_arithmetic3A_454 : vector<16xf32>, vector<16xf32>, vector<16xi32>, vector<16xi32>
      }
      %mul3A_521 = arith.constant 32 : i32
      %mul3A_522 = vector.broadcast %mul3A_521 : i32 to vector<16xi32>
      %mul3A_523 = arith.muli %cond3A_520#2, %mul3A_522 : vector<16xi32>
      %mul3A_524 = arith.constant 32 : i32
      %mul3A_525 = vector.broadcast %mul3A_524 : i32 to vector<16xi32>
      %mul3A_526 = arith.muli %cond3A_520#3, %mul3A_525 : vector<16xi32>
      scf.yield %cond3A_520#0, %cond3A_520#1, %mul3A_523, %mul3A_526, %parallel_loop3A_441#2 : vector<16xf32>, vector<16xf32>, vector<16xi32>, vector<16xi32>, vector<16xi32>
    }
    %scan3A_41 = arith.constant 64 : i32
    %shift_right_arithmetic3A = arith.constant 5 : i32
    %shift_right_arithmetic3A_42 = vector.broadcast %shift_right_arithmetic3A : i32 to vector<16xi32>
    %shift_right_arithmetic3A_43 = arith.shrsi %scan3A_40#2, %shift_right_arithmetic3A_42 : vector<16xi32>
    %shift_right_arithmetic3A_44 = arith.constant 5 : i32
    %shift_right_arithmetic3A_45 = vector.broadcast %shift_right_arithmetic3A_44 : i32 to vector<16xi32>
    %shift_right_arithmetic3A_46 = arith.shrsi %scan3A_40#3, %shift_right_arithmetic3A_45 : vector<16xi32>
    %max3A = arith.maxsi %shift_right_arithmetic3A_43, %shift_right_arithmetic3A_46 : vector<16xi32>
    %iota3A_47 = tpu.iota {dimensions = array<i32: 0>} : vector<16xi32>
    %xor3A = arith.constant 8 : i32
    %xor3A_48 = vector.broadcast %xor3A : i32 to vector<16xi32>
    %xor3A_49 = arith.xori %iota3A_47, %xor3A_48 : vector<16xi32>
    %lt3A = arith.constant 0 : i32
    %lt3A_50 = vector.broadcast %lt3A : i32 to vector<16xi32>
    %lt3A_51 = arith.cmpi slt, %xor3A_49, %lt3A_50 : vector<16xi32>
    %add3A_52 = arith.constant 16 : i32
    %add3A_53 = vector.broadcast %add3A_52 : i32 to vector<16xi32>
    %add3A_54 = arith.addi %xor3A_49, %add3A_53 : vector<16xi32>
    %select_n3A = arith.select %lt3A_51, %add3A_54, %xor3A_49 : vector<16xi1>, vector<16xi32>
    %broadcast_in_dim3A_55 = vector.shape_cast %select_n3A : vector<16xi32> to vector<16x1xi32>
    %gather3A = vector.shape_cast %broadcast_in_dim3A_55 : vector<16x1xi32> to vector<16xi32>
    %gather3A_56 = tpu.dynamic_gather %max3A[%gather3A] in [0] : vector<16xi32>, vector<16xi32> -> vector<16xi32>
    %max3A_57 = arith.maxsi %max3A, %gather3A_56 : vector<16xi32>
    %xor3A_58 = arith.constant 4 : i32
    %xor3A_59 = vector.broadcast %xor3A_58 : i32 to vector<16xi32>
    %xor3A_60 = arith.xori %iota3A_47, %xor3A_59 : vector<16xi32>
    %lt3A_61 = arith.constant 0 : i32
    %lt3A_62 = vector.broadcast %lt3A_61 : i32 to vector<16xi32>
    %lt3A_63 = arith.cmpi slt, %xor3A_60, %lt3A_62 : vector<16xi32>
    %add3A_64 = arith.constant 16 : i32
    %add3A_65 = vector.broadcast %add3A_64 : i32 to vector<16xi32>
    %add3A_66 = arith.addi %xor3A_60, %add3A_65 : vector<16xi32>
    %select_n3A_67 = arith.select %lt3A_63, %add3A_66, %xor3A_60 : vector<16xi1>, vector<16xi32>
    %broadcast_in_dim3A_68 = vector.shape_cast %select_n3A_67 : vector<16xi32> to vector<16x1xi32>
    %gather3A_69 = vector.shape_cast %broadcast_in_dim3A_68 : vector<16x1xi32> to vector<16xi32>
    %gather3A_70 = tpu.dynamic_gather %max3A_57[%gather3A_69] in [0] : vector<16xi32>, vector<16xi32> -> vector<16xi32>
    %max3A_71 = arith.maxsi %max3A_57, %gather3A_70 : vector<16xi32>
    %xor3A_72 = arith.constant 2 : i32
    %xor3A_73 = vector.broadcast %xor3A_72 : i32 to vector<16xi32>
    %xor3A_74 = arith.xori %iota3A_47, %xor3A_73 : vector<16xi32>
    %lt3A_75 = arith.constant 0 : i32
    %lt3A_76 = vector.broadcast %lt3A_75 : i32 to vector<16xi32>
    %lt3A_77 = arith.cmpi slt, %xor3A_74, %lt3A_76 : vector<16xi32>
    %add3A_78 = arith.constant 16 : i32
    %add3A_79 = vector.broadcast %add3A_78 : i32 to vector<16xi32>
    %add3A_80 = arith.addi %xor3A_74, %add3A_79 : vector<16xi32>
    %select_n3A_81 = arith.select %lt3A_77, %add3A_80, %xor3A_74 : vector<16xi1>, vector<16xi32>
    %broadcast_in_dim3A_82 = vector.shape_cast %select_n3A_81 : vector<16xi32> to vector<16x1xi32>
    %gather3A_83 = vector.shape_cast %broadcast_in_dim3A_82 : vector<16x1xi32> to vector<16xi32>
    %gather3A_84 = tpu.dynamic_gather %max3A_71[%gather3A_83] in [0] : vector<16xi32>, vector<16xi32> -> vector<16xi32>
    %max3A_85 = arith.maxsi %max3A_71, %gather3A_84 : vector<16xi32>
    %xor3A_86 = arith.constant 1 : i32
    %xor3A_87 = vector.broadcast %xor3A_86 : i32 to vector<16xi32>
    %xor3A_88 = arith.xori %iota3A_47, %xor3A_87 : vector<16xi32>
    %lt3A_89 = arith.constant 0 : i32
    %lt3A_90 = vector.broadcast %lt3A_89 : i32 to vector<16xi32>
    %lt3A_91 = arith.cmpi slt, %xor3A_88, %lt3A_90 : vector<16xi32>
    %add3A_92 = arith.constant 16 : i32
    %add3A_93 = vector.broadcast %add3A_92 : i32 to vector<16xi32>
    %add3A_94 = arith.addi %xor3A_88, %add3A_93 : vector<16xi32>
    %select_n3A_95 = arith.select %lt3A_91, %add3A_94, %xor3A_88 : vector<16xi1>, vector<16xi32>
    %broadcast_in_dim3A_96 = vector.shape_cast %select_n3A_95 : vector<16xi32> to vector<16x1xi32>
    %gather3A_97 = vector.shape_cast %broadcast_in_dim3A_96 : vector<16x1xi32> to vector<16xi32>
    %gather3A_98 = tpu.dynamic_gather %max3A_85[%gather3A_97] in [0] : vector<16xi32>, vector<16xi32> -> vector<16xi32>
    %max3A_99 = arith.maxsi %max3A_85, %gather3A_98 : vector<16xi32>
    %slice3A = vector.extract_strided_slice %max3A_99 {offsets = [0], sizes = [1], strides = [1]} : vector<16xi32> to vector<1xi32>
    %squeeze3A = vector.extract %slice3A[0] : i32 from vector<1xi32>
    %scan3A_100 = arith.constant 0 : i32
    %scan3A_101 = arith.constant 64 : i32
    %scan3A_102 = arith.addi %scan3A_100, %scan3A_101 : i32
    %scan3A_103 = arith.constant 1 : i32
    %scan3A_104:2 = scf.for %scan3A_313 = %scan3A_100 to %scan3A_102 step %scan3A_103 iter_args(%scan3A_314 = %broadcast_in_dim3A_3, %scan3A_315 = %broadcast_in_dim3A_3) -> (vector<16xf32>, vector<16xf32>)  : i32 {
      %scan3A_316 = arith.constant 0 : i32
      %scan3A_317 = arith.constant 28 : i32
      %scan3A_318 = arith.addi %scan3A_316, %scan3A_317 : i32
      %scan3A_319 = arith.constant 1 : i32
      %scan3A_320:2 = scf.for %scan3A_324 = %scan3A_316 to %scan3A_318 step %scan3A_319 iter_args(%scan3A_325 = %broadcast_in_dim3A_1, %scan3A_326 = %broadcast_in_dim3A_1) -> (vector<16xf32>, vector<16xf32>)  : i32 {
        %mul3A_327 = arith.constant 64 : i32
        %mul3A_328 = arith.muli %scan3A_324, %mul3A_327 : i32
        %add3A_329 = arith.addi %mul3A_328, %scan3A_313 : i32
        %lt3A_330 = vector.broadcast %add3A_329 : i32 to vector<16xi32>
        %lt3A_331 = arith.cmpi slt, %lt3A_330, %shift_right_arithmetic3A_43 : vector<16xi32>
        %mul3A_332 = arith.constant 32 : i32
        %mul3A_333 = arith.muli %add3A_329, %mul3A_332 : i32
        %get3A = arith.index_cast %mul3A_333 : i32 to index
        %get3A_334 = tpu.vector_load %arg9[%get3A] {strides = array<i32>} : memref<57344xf32, #tpu.memory_space<vmem>>, vector<16xf32>,
        %select_n3A_335 = arith.select %lt3A_331, %get3A_334, %broadcast_in_dim3A_1 : vector<16xi1>, vector<16xf32>
        %lt3A_336 = vector.broadcast %add3A_329 : i32 to vector<16xi32>
        %lt3A_337 = arith.cmpi slt, %lt3A_336, %shift_right_arithmetic3A_46 : vector<16xi32>
        %mul3A_338 = arith.constant 32 : i32
        %mul3A_339 = arith.muli %add3A_329, %mul3A_338 : i32
        %add3A_340 = arith.constant 16 : i32
        %add3A_341 = arith.addi %mul3A_339, %add3A_340 : i32
        %get3A_342 = arith.index_cast %add3A_341 : i32 to index
        %get3A_343 = tpu.vector_load %arg9[%get3A_342] {strides = array<i32>} : memref<57344xf32, #tpu.memory_space<vmem>>, vector<16xf32>,
        %select_n3A_344 = arith.select %lt3A_337, %get3A_343, %broadcast_in_dim3A_1 : vector<16xi1>, vector<16xf32>
        %max3A_345 = arith.maximumf %scan3A_325, %select_n3A_335 : vector<16xf32>
        %max3A_346 = arith.maximumf %scan3A_326, %select_n3A_344 : vector<16xf32>
        scf.yield %max3A_345, %max3A_346 : vector<16xf32>, vector<16xf32>
      }
      %scan3A_321 = arith.constant 28 : i32
      %min3A_322 = arith.minimumf %scan3A_314, %scan3A_320#0 : vector<16xf32>
      %min3A_323 = arith.minimumf %scan3A_315, %scan3A_320#1 : vector<16xf32>
      scf.yield %min3A_322, %min3A_323 : vector<16xf32>, vector<16xf32>
    }
    %scan3A_105 = arith.constant 64 : i32
    %while3A = arith.constant 0 : i32
    %while3A_106 = arith.subi %squeeze3A, %while3A : i32
    %while3A_107 = arith.addi %while3A, %while3A_106 : i32
    %while3A_108 = arith.constant 1 : i32
    %while3A_109 = arith.divsi %while3A_106, %while3A_108 : i32
    %while3A_110 = arith.muli %while3A_109, %while3A_108 : i32
    %while3A_111 = arith.addi %while3A, %while3A_110 : i32
    %while3A_112 = arith.constant 1 : i32
    %while3A_113:4 = scf.for %while3A_313 = %while3A to %while3A_111 step %while3A_112 iter_args(%while3A_314 = %broadcast_in_dim3A_5, %while3A_315 = %broadcast_in_dim3A_5, %while3A_316 = %broadcast_in_dim3A_5, %while3A_317 = %broadcast_in_dim3A_5) -> (vector<16xi32>, vector<16xi32>, vector<16xi32>, vector<16xi32>)  : i32 {
      %mul3A_318 = arith.constant 32 : i32
      %mul3A_319 = arith.muli %while3A_313, %mul3A_318 : i32
      %get3A = arith.index_cast %mul3A_319 : i32 to index
      %get3A_320 = tpu.vector_load %arg9[%get3A] {strides = array<i32>} : memref<57344xf32, #tpu.memory_space<vmem>>, vector<16xf32>,
      %mul3A_321 = arith.constant 32 : i32
      %mul3A_322 = arith.muli %while3A_313, %mul3A_321 : i32
      %add3A_323 = arith.constant 16 : i32
      %add3A_324 = arith.addi %mul3A_322, %add3A_323 : i32
      %get3A_325 = arith.index_cast %add3A_324 : i32 to index
      %get3A_326 = tpu.vector_load %arg9[%get3A_325] {strides = array<i32>} : memref<57344xf32, #tpu.memory_space<vmem>>, vector<16xf32>,
      %lt3A_327 = vector.broadcast %while3A_313 : i32 to vector<16xi32>
      %lt3A_328 = arith.cmpi slt, %lt3A_327, %shift_right_arithmetic3A_43 : vector<16xi32>
      %lt3A_329 = vector.broadcast %while3A_313 : i32 to vector<16xi32>
      %lt3A_330 = arith.cmpi slt, %lt3A_329, %shift_right_arithmetic3A_46 : vector<16xi32>
      %eq3A_331 = arith.cmpf oeq, %get3A_320, %scan3A_104#0 : vector<16xf32>
      %and3A_332 = arith.andi %lt3A_328, %eq3A_331 : vector<16xi1>
      %lt3A_333 = arith.constant 64 : i32
      %lt3A_334 = vector.broadcast %lt3A_333 : i32 to vector<16xi32>
      %lt3A_335 = arith.cmpi slt, %while3A_316, %lt3A_334 : vector<16xi32>
      %and3A_336 = arith.andi %and3A_332, %lt3A_335 : vector<16xi1>
      %eq3A_337 = arith.cmpf oeq, %get3A_326, %scan3A_104#1 : vector<16xf32>
      %and3A_338 = arith.andi %lt3A_330, %eq3A_337 : vector<16xi1>
      %lt3A_339 = arith.constant 64 : i32
      %lt3A_340 = vector.broadcast %lt3A_339 : i32 to vector<16xi32>
      %lt3A_341 = arith.cmpi slt, %while3A_317, %lt3A_340 : vector<16xi32>
      %and3A_342 = arith.andi %and3A_338, %lt3A_341 : vector<16xi1>
      %gt3A = arith.cmpf ogt, %get3A_320, %scan3A_104#0 : vector<16xf32>
      %and3A_343 = arith.andi %lt3A_328, %gt3A : vector<16xi1>
      %or3A = arith.ori %and3A_343, %and3A_336 : vector<16xi1>
      %gt3A_344 = arith.cmpf ogt, %get3A_326, %scan3A_104#1 : vector<16xf32>
      %and3A_345 = arith.andi %lt3A_330, %gt3A_344 : vector<16xi1>
      %or3A_346 = arith.ori %and3A_345, %and3A_342 : vector<16xi1>
      %bitcast3A_347 = vector.bitcast %get3A_320 : vector<16xf32> to vector<16xi32>
      %shift_right_arithmetic3A_348 = arith.constant 31 : i32
      %shift_right_arithmetic3A_349 = vector.broadcast %shift_right_arithmetic3A_348 : i32 to vector<16xi32>
      %shift_right_arithmetic3A_350 = arith.shrsi %bitcast3A_347, %shift_right_arithmetic3A_349 : vector<16xi32>
      %and3A_351 = arith.constant 2147483647 : i32
      %and3A_352 = vector.broadcast %and3A_351 : i32 to vector<16xi32>
      %and3A_353 = arith.andi %shift_right_arithmetic3A_350, %and3A_352 : vector<16xi32>
      %xor3A_354 = arith.xori %bitcast3A_347, %and3A_353 : vector<16xi32>
      %bitcast3A_355 = vector.bitcast %xor3A_354 : vector<16xi32> to vector<16xf32>
      %bitcast3A_356 = vector.bitcast %get3A_326 : vector<16xf32> to vector<16xi32>
      %shift_right_arithmetic3A_357 = arith.constant 31 : i32
      %shift_right_arithmetic3A_358 = vector.broadcast %shift_right_arithmetic3A_357 : i32 to vector<16xi32>
      %shift_right_arithmetic3A_359 = arith.shrsi %bitcast3A_356, %shift_right_arithmetic3A_358 : vector<16xi32>
      %and3A_360 = arith.constant 2147483647 : i32
      %and3A_361 = vector.broadcast %and3A_360 : i32 to vector<16xi32>
      %and3A_362 = arith.andi %shift_right_arithmetic3A_359, %and3A_361 : vector<16xi32>
      %xor3A_363 = arith.xori %bitcast3A_356, %and3A_362 : vector<16xi32>
      %bitcast3A_364 = vector.bitcast %xor3A_363 : vector<16xi32> to vector<16xf32>
      %mul3A_365 = arith.constant 32 : i32
      %mul3A_366 = vector.broadcast %mul3A_365 : i32 to vector<16xi32>
      %mul3A_367 = arith.muli %while3A_314, %mul3A_366 : vector<16xi32>
      %add3A_368 = arith.addi %mul3A_367, %iota3A : vector<16xi32>
      tpu.vector_store_idx %arg9[%add3A_368], %bitcast3A_355 masked %or3A : memref<57344xf32, #tpu.memory_space<vmem>>[vector<16xi32>], vector<16xf32>, vector<16xi1>
      %mul3A_369 = arith.constant 32 : i32
      %mul3A_370 = vector.broadcast %mul3A_369 : i32 to vector<16xi32>
      %mul3A_371 = arith.muli %while3A_315, %mul3A_370 : vector<16xi32>
      %add3A_372 = arith.addi %mul3A_371, %iota3A : vector<16xi32>
      %add3A_373 = arith.constant 16 : i32
      %add3A_374 = vector.broadcast %add3A_373 : i32 to vector<16xi32>
      %add3A_375 = arith.addi %add3A_372, %add3A_374 : vector<16xi32>
      tpu.vector_store_idx %arg9[%add3A_375], %bitcast3A_364 masked %or3A_346 : memref<57344xf32, #tpu.memory_space<vmem>>[vector<16xi32>], vector<16xf32>, vector<16xi1>
      %jit3A_376 = arith.constant 1 : i32
      %jit3A_377 = arith.constant 0 : i32
      %broadcast_in_dim3A_378 = vector.broadcast %jit3A_376 : i32 to vector<16xi32>
      %broadcast_in_dim3A_379 = vector.broadcast %jit3A_377 : i32 to vector<16xi32>
      %select_n3A_380 = arith.select %or3A, %broadcast_in_dim3A_378, %broadcast_in_dim3A_379 : vector<16xi1>, vector<16xi32>
      %add3A_381 = arith.addi %while3A_314, %select_n3A_380 : vector<16xi32>
      %jit3A_382 = arith.constant 1 : i32
      %jit3A_383 = arith.constant 0 : i32
      %broadcast_in_dim3A_384 = vector.broadcast %jit3A_382 : i32 to vector<16xi32>
      %broadcast_in_dim3A_385 = vector.broadcast %jit3A_383 : i32 to vector<16xi32>
      %select_n3A_386 = arith.select %or3A_346, %broadcast_in_dim3A_384, %broadcast_in_dim3A_385 : vector<16xi1>, vector<16xi32>
      %add3A_387 = arith.addi %while3A_315, %select_n3A_386 : vector<16xi32>
      %jit3A_388 = arith.constant 1 : i32
      %jit3A_389 = arith.constant 0 : i32
      %broadcast_in_dim3A_390 = vector.broadcast %jit3A_388 : i32 to vector<16xi32>
      %broadcast_in_dim3A_391 = vector.broadcast %jit3A_389 : i32 to vector<16xi32>
      %select_n3A_392 = arith.select %and3A_336, %broadcast_in_dim3A_390, %broadcast_in_dim3A_391 : vector<16xi1>, vector<16xi32>
      %add3A_393 = arith.addi %while3A_316, %select_n3A_392 : vector<16xi32>
      %jit3A_394 = arith.constant 1 : i32
      %jit3A_395 = arith.constant 0 : i32
      %broadcast_in_dim3A_396 = vector.broadcast %jit3A_394 : i32 to vector<16xi32>
      %broadcast_in_dim3A_397 = vector.broadcast %jit3A_395 : i32 to vector<16xi32>
      %select_n3A_398 = arith.select %and3A_342, %broadcast_in_dim3A_396, %broadcast_in_dim3A_397 : vector<16xi1>, vector<16xi32>
      %add3A_399 = arith.addi %while3A_317, %select_n3A_398 : vector<16xi32>
      scf.yield %add3A_381, %add3A_387, %add3A_393, %add3A_399 : vector<16xi32>, vector<16xi32>, vector<16xi32>, vector<16xi32>
    }
    %while3A_114 = arith.constant 1 : i32
    %while3A_115:4 = scf.for %while3A_313 = %while3A_111 to %while3A_107 step %while3A_114 iter_args(%while3A_314 = %while3A_113#0, %while3A_315 = %while3A_113#1, %while3A_316 = %while3A_113#2, %while3A_317 = %while3A_113#3) -> (vector<16xi32>, vector<16xi32>, vector<16xi32>, vector<16xi32>)  : i32 {
      %mul3A_318 = arith.constant 32 : i32
      %mul3A_319 = arith.muli %while3A_313, %mul3A_318 : i32
      %get3A = arith.index_cast %mul3A_319 : i32 to index
      %get3A_320 = tpu.vector_load %arg9[%get3A] {strides = array<i32>} : memref<57344xf32, #tpu.memory_space<vmem>>, vector<16xf32>,
      %mul3A_321 = arith.constant 32 : i32
      %mul3A_322 = arith.muli %while3A_313, %mul3A_321 : i32
      %add3A_323 = arith.constant 16 : i32
      %add3A_324 = arith.addi %mul3A_322, %add3A_323 : i32
      %get3A_325 = arith.index_cast %add3A_324 : i32 to index
      %get3A_326 = tpu.vector_load %arg9[%get3A_325] {strides = array<i32>} : memref<57344xf32, #tpu.memory_space<vmem>>, vector<16xf32>,
      %lt3A_327 = vector.broadcast %while3A_313 : i32 to vector<16xi32>
      %lt3A_328 = arith.cmpi slt, %lt3A_327, %shift_right_arithmetic3A_43 : vector<16xi32>
      %lt3A_329 = vector.broadcast %while3A_313 : i32 to vector<16xi32>
      %lt3A_330 = arith.cmpi slt, %lt3A_329, %shift_right_arithmetic3A_46 : vector<16xi32>
      %eq3A_331 = arith.cmpf oeq, %get3A_320, %scan3A_104#0 : vector<16xf32>
      %and3A_332 = arith.andi %lt3A_328, %eq3A_331 : vector<16xi1>
      %lt3A_333 = arith.constant 64 : i32
      %lt3A_334 = vector.broadcast %lt3A_333 : i32 to vector<16xi32>
      %lt3A_335 = arith.cmpi slt, %while3A_316, %lt3A_334 : vector<16xi32>
      %and3A_336 = arith.andi %and3A_332, %lt3A_335 : vector<16xi1>
      %eq3A_337 = arith.cmpf oeq, %get3A_326, %scan3A_104#1 : vector<16xf32>
      %and3A_338 = arith.andi %lt3A_330, %eq3A_337 : vector<16xi1>
      %lt3A_339 = arith.constant 64 : i32
      %lt3A_340 = vector.broadcast %lt3A_339 : i32 to vector<16xi32>
      %lt3A_341 = arith.cmpi slt, %while3A_317, %lt3A_340 : vector<16xi32>
      %and3A_342 = arith.andi %and3A_338, %lt3A_341 : vector<16xi1>
      %gt3A = arith.cmpf ogt, %get3A_320, %scan3A_104#0 : vector<16xf32>
      %and3A_343 = arith.andi %lt3A_328, %gt3A : vector<16xi1>
      %or3A = arith.ori %and3A_343, %and3A_336 : vector<16xi1>
      %gt3A_344 = arith.cmpf ogt, %get3A_326, %scan3A_104#1 : vector<16xf32>
      %and3A_345 = arith.andi %lt3A_330, %gt3A_344 : vector<16xi1>
      %or3A_346 = arith.ori %and3A_345, %and3A_342 : vector<16xi1>
      %bitcast3A_347 = vector.bitcast %get3A_320 : vector<16xf32> to vector<16xi32>
      %shift_right_arithmetic3A_348 = arith.constant 31 : i32
      %shift_right_arithmetic3A_349 = vector.broadcast %shift_right_arithmetic3A_348 : i32 to vector<16xi32>
      %shift_right_arithmetic3A_350 = arith.shrsi %bitcast3A_347, %shift_right_arithmetic3A_349 : vector<16xi32>
      %and3A_351 = arith.constant 2147483647 : i32
      %and3A_352 = vector.broadcast %and3A_351 : i32 to vector<16xi32>
      %and3A_353 = arith.andi %shift_right_arithmetic3A_350, %and3A_352 : vector<16xi32>
      %xor3A_354 = arith.xori %bitcast3A_347, %and3A_353 : vector<16xi32>
      %bitcast3A_355 = vector.bitcast %xor3A_354 : vector<16xi32> to vector<16xf32>
      %bitcast3A_356 = vector.bitcast %get3A_326 : vector<16xf32> to vector<16xi32>
      %shift_right_arithmetic3A_357 = arith.constant 31 : i32
      %shift_right_arithmetic3A_358 = vector.broadcast %shift_right_arithmetic3A_357 : i32 to vector<16xi32>
      %shift_right_arithmetic3A_359 = arith.shrsi %bitcast3A_356, %shift_right_arithmetic3A_358 : vector<16xi32>
      %and3A_360 = arith.constant 2147483647 : i32
      %and3A_361 = vector.broadcast %and3A_360 : i32 to vector<16xi32>
      %and3A_362 = arith.andi %shift_right_arithmetic3A_359, %and3A_361 : vector<16xi32>
      %xor3A_363 = arith.xori %bitcast3A_356, %and3A_362 : vector<16xi32>
      %bitcast3A_364 = vector.bitcast %xor3A_363 : vector<16xi32> to vector<16xf32>
      %mul3A_365 = arith.constant 32 : i32
      %mul3A_366 = vector.broadcast %mul3A_365 : i32 to vector<16xi32>
      %mul3A_367 = arith.muli %while3A_314, %mul3A_366 : vector<16xi32>
      %add3A_368 = arith.addi %mul3A_367, %iota3A : vector<16xi32>
      tpu.vector_store_idx %arg9[%add3A_368], %bitcast3A_355 masked %or3A : memref<57344xf32, #tpu.memory_space<vmem>>[vector<16xi32>], vector<16xf32>, vector<16xi1>
      %mul3A_369 = arith.constant 32 : i32
      %mul3A_370 = vector.broadcast %mul3A_369 : i32 to vector<16xi32>
      %mul3A_371 = arith.muli %while3A_315, %mul3A_370 : vector<16xi32>
      %add3A_372 = arith.addi %mul3A_371, %iota3A : vector<16xi32>
      %add3A_373 = arith.constant 16 : i32
      %add3A_374 = vector.broadcast %add3A_373 : i32 to vector<16xi32>
      %add3A_375 = arith.addi %add3A_372, %add3A_374 : vector<16xi32>
      tpu.vector_store_idx %arg9[%add3A_375], %bitcast3A_364 masked %or3A_346 : memref<57344xf32, #tpu.memory_space<vmem>>[vector<16xi32>], vector<16xf32>, vector<16xi1>
      %jit3A_376 = arith.constant 1 : i32
      %jit3A_377 = arith.constant 0 : i32
      %broadcast_in_dim3A_378 = vector.broadcast %jit3A_376 : i32 to vector<16xi32>
      %broadcast_in_dim3A_379 = vector.broadcast %jit3A_377 : i32 to vector<16xi32>
      %select_n3A_380 = arith.select %or3A, %broadcast_in_dim3A_378, %broadcast_in_dim3A_379 : vector<16xi1>, vector<16xi32>
      %add3A_381 = arith.addi %while3A_314, %select_n3A_380 : vector<16xi32>
      %jit3A_382 = arith.constant 1 : i32
      %jit3A_383 = arith.constant 0 : i32
      %broadcast_in_dim3A_384 = vector.broadcast %jit3A_382 : i32 to vector<16xi32>
      %broadcast_in_dim3A_385 = vector.broadcast %jit3A_383 : i32 to vector<16xi32>
      %select_n3A_386 = arith.select %or3A_346, %broadcast_in_dim3A_384, %broadcast_in_dim3A_385 : vector<16xi1>, vector<16xi32>
      %add3A_387 = arith.addi %while3A_315, %select_n3A_386 : vector<16xi32>
      %jit3A_388 = arith.constant 1 : i32
      %jit3A_389 = arith.constant 0 : i32
      %broadcast_in_dim3A_390 = vector.broadcast %jit3A_388 : i32 to vector<16xi32>
      %broadcast_in_dim3A_391 = vector.broadcast %jit3A_389 : i32 to vector<16xi32>
      %select_n3A_392 = arith.select %and3A_336, %broadcast_in_dim3A_390, %broadcast_in_dim3A_391 : vector<16xi1>, vector<16xi32>
      %add3A_393 = arith.addi %while3A_316, %select_n3A_392 : vector<16xi32>
      %jit3A_394 = arith.constant 1 : i32
      %jit3A_395 = arith.constant 0 : i32
      %broadcast_in_dim3A_396 = vector.broadcast %jit3A_394 : i32 to vector<16xi32>
      %broadcast_in_dim3A_397 = vector.broadcast %jit3A_395 : i32 to vector<16xi32>
      %select_n3A_398 = arith.select %and3A_342, %broadcast_in_dim3A_396, %broadcast_in_dim3A_397 : vector<16xi1>, vector<16xi32>
      %add3A_399 = arith.addi %while3A_317, %select_n3A_398 : vector<16xi32>
      scf.yield %add3A_381, %add3A_387, %add3A_393, %add3A_399 : vector<16xi32>, vector<16xi32>, vector<16xi32>, vector<16xi32>
    }
    %max3A_116 = arith.maxsi %while3A_115#0, %while3A_115#1 : vector<16xi32>
    %iota3A_117 = tpu.iota {dimensions = array<i32: 0>} : vector<16xi32>
    %xor3A_118 = arith.constant 8 : i32
    %xor3A_119 = vector.broadcast %xor3A_118 : i32 to vector<16xi32>
    %xor3A_120 = arith.xori %iota3A_117, %xor3A_119 : vector<16xi32>
    %lt3A_121 = arith.constant 0 : i32
    %lt3A_122 = vector.broadcast %lt3A_121 : i32 to vector<16xi32>
    %lt3A_123 = arith.cmpi slt, %xor3A_120, %lt3A_122 : vector<16xi32>
    %add3A_124 = arith.constant 16 : i32
    %add3A_125 = vector.broadcast %add3A_124 : i32 to vector<16xi32>
    %add3A_126 = arith.addi %xor3A_120, %add3A_125 : vector<16xi32>
    %select_n3A_127 = arith.select %lt3A_123, %add3A_126, %xor3A_120 : vector<16xi1>, vector<16xi32>
    %broadcast_in_dim3A_128 = vector.shape_cast %select_n3A_127 : vector<16xi32> to vector<16x1xi32>
    %gather3A_129 = vector.shape_cast %broadcast_in_dim3A_128 : vector<16x1xi32> to vector<16xi32>
    %gather3A_130 = tpu.dynamic_gather %max3A_116[%gather3A_129] in [0] : vector<16xi32>, vector<16xi32> -> vector<16xi32>
    %max3A_131 = arith.maxsi %max3A_116, %gather3A_130 : vector<16xi32>
    %xor3A_132 = arith.constant 4 : i32
    %xor3A_133 = vector.broadcast %xor3A_132 : i32 to vector<16xi32>
    %xor3A_134 = arith.xori %iota3A_117, %xor3A_133 : vector<16xi32>
    %lt3A_135 = arith.constant 0 : i32
    %lt3A_136 = vector.broadcast %lt3A_135 : i32 to vector<16xi32>
    %lt3A_137 = arith.cmpi slt, %xor3A_134, %lt3A_136 : vector<16xi32>
    %add3A_138 = arith.constant 16 : i32
    %add3A_139 = vector.broadcast %add3A_138 : i32 to vector<16xi32>
    %add3A_140 = arith.addi %xor3A_134, %add3A_139 : vector<16xi32>
    %select_n3A_141 = arith.select %lt3A_137, %add3A_140, %xor3A_134 : vector<16xi1>, vector<16xi32>
    %broadcast_in_dim3A_142 = vector.shape_cast %select_n3A_141 : vector<16xi32> to vector<16x1xi32>
    %gather3A_143 = vector.shape_cast %broadcast_in_dim3A_142 : vector<16x1xi32> to vector<16xi32>
    %gather3A_144 = tpu.dynamic_gather %max3A_131[%gather3A_143] in [0] : vector<16xi32>, vector<16xi32> -> vector<16xi32>
    %max3A_145 = arith.maxsi %max3A_131, %gather3A_144 : vector<16xi32>
    %xor3A_146 = arith.constant 2 : i32
    %xor3A_147 = vector.broadcast %xor3A_146 : i32 to vector<16xi32>
    %xor3A_148 = arith.xori %iota3A_117, %xor3A_147 : vector<16xi32>
    %lt3A_149 = arith.constant 0 : i32
    %lt3A_150 = vector.broadcast %lt3A_149 : i32 to vector<16xi32>
    %lt3A_151 = arith.cmpi slt, %xor3A_148, %lt3A_150 : vector<16xi32>
    %add3A_152 = arith.constant 16 : i32
    %add3A_153 = vector.broadcast %add3A_152 : i32 to vector<16xi32>
    %add3A_154 = arith.addi %xor3A_148, %add3A_153 : vector<16xi32>
    %select_n3A_155 = arith.select %lt3A_151, %add3A_154, %xor3A_148 : vector<16xi1>, vector<16xi32>
    %broadcast_in_dim3A_156 = vector.shape_cast %select_n3A_155 : vector<16xi32> to vector<16x1xi32>
    %gather3A_157 = vector.shape_cast %broadcast_in_dim3A_156 : vector<16x1xi32> to vector<16xi32>
    %gather3A_158 = tpu.dynamic_gather %max3A_145[%gather3A_157] in [0] : vector<16xi32>, vector<16xi32> -> vector<16xi32>
    %max3A_159 = arith.maxsi %max3A_145, %gather3A_158 : vector<16xi32>
    %xor3A_160 = arith.constant 1 : i32
    %xor3A_161 = vector.broadcast %xor3A_160 : i32 to vector<16xi32>
    %xor3A_162 = arith.xori %iota3A_117, %xor3A_161 : vector<16xi32>
    %lt3A_163 = arith.constant 0 : i32
    %lt3A_164 = vector.broadcast %lt3A_163 : i32 to vector<16xi32>
    %lt3A_165 = arith.cmpi slt, %xor3A_162, %lt3A_164 : vector<16xi32>
    %add3A_166 = arith.constant 16 : i32
    %add3A_167 = vector.broadcast %add3A_166 : i32 to vector<16xi32>
    %add3A_168 = arith.addi %xor3A_162, %add3A_167 : vector<16xi32>
    %select_n3A_169 = arith.select %lt3A_165, %add3A_168, %xor3A_162 : vector<16xi1>, vector<16xi32>
    %broadcast_in_dim3A_170 = vector.shape_cast %select_n3A_169 : vector<16xi32> to vector<16x1xi32>
    %gather3A_171 = vector.shape_cast %broadcast_in_dim3A_170 : vector<16x1xi32> to vector<16xi32>
    %gather3A_172 = tpu.dynamic_gather %max3A_159[%gather3A_171] in [0] : vector<16xi32>, vector<16xi32> -> vector<16xi32>
    %max3A_173 = arith.maxsi %max3A_159, %gather3A_172 : vector<16xi32>
    %slice3A_174 = vector.extract_strided_slice %max3A_173 {offsets = [0], sizes = [1], strides = [1]} : vector<16xi32> to vector<1xi32>
    %squeeze3A_175 = vector.extract %slice3A_174[0] : i32 from vector<1xi32>
    %broadcast_in_dim3A_176 = arith.constant -2147483648 : i32
    %broadcast_in_dim3A_177 = vector.broadcast %broadcast_in_dim3A_176 : i32 to vector<16xi32>
    %bitcast3A = vector.bitcast %broadcast_in_dim3A_177 : vector<16xi32> to vector<16xf32>
    %while3A_178 = arith.constant 0 : i32
    %while3A_179 = arith.constant 0 : i32
    %while3A_180 = arith.subi %squeeze3A_175, %while3A_178 : i32
    %while3A_181 = arith.addi %while3A_178, %while3A_180 : i32
    %while3A_182 = arith.constant 1 : i32
    %while3A_183 = arith.divsi %while3A_180, %while3A_182 : i32
    %while3A_184 = arith.muli %while3A_183, %while3A_182 : i32
    %while3A_185 = arith.addi %while3A_178, %while3A_184 : i32
    %while3A_186 = arith.constant 1 : i32
    %while3A_187 = scf.for %while3A_313 = %while3A_178 to %while3A_185 step %while3A_186 iter_args(%while3A_314 = %while3A_179) -> (i32)  : i32 {
      %mul3A_315 = arith.constant 32 : i32
      %mul3A_316 = arith.muli %while3A_313, %mul3A_315 : i32
      %add3A_317 = vector.broadcast %mul3A_316 : i32 to vector<16xi32>
      %add3A_318 = arith.addi %add3A_317, %iota3A : vector<16xi32>
      %ge3A = vector.broadcast %while3A_313 : i32 to vector<16xi32>
      %ge3A_319 = arith.cmpi sge, %ge3A, %while3A_115#0 : vector<16xi32>
      tpu.vector_store_idx %arg9[%add3A_318], %bitcast3A masked %ge3A_319 : memref<57344xf32, #tpu.memory_space<vmem>>[vector<16xi32>], vector<16xf32>, vector<16xi1>
      %mul3A_320 = arith.constant 32 : i32
      %mul3A_321 = arith.muli %while3A_313, %mul3A_320 : i32
      %add3A_322 = vector.broadcast %mul3A_321 : i32 to vector<16xi32>
      %add3A_323 = arith.addi %add3A_322, %iota3A : vector<16xi32>
      %add3A_324 = arith.constant 16 : i32
      %add3A_325 = vector.broadcast %add3A_324 : i32 to vector<16xi32>
      %add3A_326 = arith.addi %add3A_323, %add3A_325 : vector<16xi32>
      %ge3A_327 = vector.broadcast %while3A_313 : i32 to vector<16xi32>
      %ge3A_328 = arith.cmpi sge, %ge3A_327, %while3A_115#1 : vector<16xi32>
      tpu.vector_store_idx %arg9[%add3A_326], %bitcast3A masked %ge3A_328 : memref<57344xf32, #tpu.memory_space<vmem>>[vector<16xi32>], vector<16xf32>, vector<16xi1>
      %while3A_329 = arith.constant 0 : i32
      scf.yield %while3A_329 : i32
    }
    %while3A_188 = arith.constant 1 : i32
    %while3A_189 = scf.for %while3A_313 = %while3A_185 to %while3A_181 step %while3A_188 iter_args(%while3A_314 = %while3A_187) -> (i32)  : i32 {
      %mul3A_315 = arith.constant 32 : i32
      %mul3A_316 = arith.muli %while3A_313, %mul3A_315 : i32
      %add3A_317 = vector.broadcast %mul3A_316 : i32 to vector<16xi32>
      %add3A_318 = arith.addi %add3A_317, %iota3A : vector<16xi32>
      %ge3A = vector.broadcast %while3A_313 : i32 to vector<16xi32>
      %ge3A_319 = arith.cmpi sge, %ge3A, %while3A_115#0 : vector<16xi32>
      tpu.vector_store_idx %arg9[%add3A_318], %bitcast3A masked %ge3A_319 : memref<57344xf32, #tpu.memory_space<vmem>>[vector<16xi32>], vector<16xf32>, vector<16xi1>
      %mul3A_320 = arith.constant 32 : i32
      %mul3A_321 = arith.muli %while3A_313, %mul3A_320 : i32
      %add3A_322 = vector.broadcast %mul3A_321 : i32 to vector<16xi32>
      %add3A_323 = arith.addi %add3A_322, %iota3A : vector<16xi32>
      %add3A_324 = arith.constant 16 : i32
      %add3A_325 = vector.broadcast %add3A_324 : i32 to vector<16xi32>
      %add3A_326 = arith.addi %add3A_323, %add3A_325 : vector<16xi32>
      %ge3A_327 = vector.broadcast %while3A_313 : i32 to vector<16xi32>
      %ge3A_328 = arith.cmpi sge, %ge3A_327, %while3A_115#1 : vector<16xi32>
      tpu.vector_store_idx %arg9[%add3A_326], %bitcast3A masked %ge3A_328 : memref<57344xf32, #tpu.memory_space<vmem>>[vector<16xi32>], vector<16xf32>, vector<16xi1>
      %while3A_329 = arith.constant 0 : i32
      scf.yield %while3A_329 : i32
    }
    %broadcast_in_dim3A_190 = arith.constant -2147483648 : i32
    %broadcast_in_dim3A_191 = vector.broadcast %broadcast_in_dim3A_190 : i32 to vector<16xi32>
    %scan3A_192 = arith.constant 0 : i32
    %scan3A_193 = arith.constant 32 : i32
    %scan3A_194 = arith.addi %scan3A_192, %scan3A_193 : i32
    %scan3A_195 = arith.constant 1 : i32
    %scan3A_196:2 = scf.for %scan3A_313 = %scan3A_192 to %scan3A_194 step %scan3A_195 iter_args(%scan3A_314 = %broadcast_in_dim3A_191, %scan3A_315 = %broadcast_in_dim3A_191) -> (vector<16xi32>, vector<16xi32>)  : i32 {
      %sub3A_316 = arith.constant 31 : i32
      %sub3A_317 = arith.subi %sub3A_316, %scan3A_313 : i32
      %shift_left3A = arith.constant 1 : i32
      %shift_left3A_318 = arith.shli %shift_left3A, %sub3A_317 : i32
      %add3A_319 = vector.broadcast %shift_left3A_318 : i32 to vector<16xi32>
      %add3A_320 = arith.addi %scan3A_314, %add3A_319 : vector<16xi32>
      %add3A_321 = vector.broadcast %shift_left3A_318 : i32 to vector<16xi32>
      %add3A_322 = arith.addi %scan3A_315, %add3A_321 : vector<16xi32>
      %while3A_323 = arith.constant 0 : i32
      %while3A_324 = arith.subi %squeeze3A_175, %while3A_323 : i32
      %while3A_325 = arith.addi %while3A_323, %while3A_324 : i32
      %while3A_326 = arith.constant 1 : i32
      %while3A_327 = arith.divsi %while3A_324, %while3A_326 : i32
      %while3A_328 = arith.muli %while3A_327, %while3A_326 : i32
      %while3A_329 = arith.addi %while3A_323, %while3A_328 : i32
      %while3A_330 = arith.constant 1 : i32
      %while3A_331:2 = scf.for %while3A_341 = %while3A_323 to %while3A_329 step %while3A_330 iter_args(%while3A_342 = %broadcast_in_dim3A_5, %while3A_343 = %broadcast_in_dim3A_5) -> (vector<16xi32>, vector<16xi32>)  : i32 {
        %mul3A_344 = arith.constant 32 : i32
        %mul3A_345 = arith.muli %while3A_341, %mul3A_344 : i32
        %get3A = arith.index_cast %mul3A_345 : i32 to index
        %get3A_346 = tpu.vector_load %arg9[%get3A] {strides = array<i32>} : memref<57344xf32, #tpu.memory_space<vmem>>, vector<16xf32>,
        %bitcast3A_347 = vector.bitcast %get3A_346 : vector<16xf32> to vector<16xi32>
        %mul3A_348 = arith.constant 32 : i32
        %mul3A_349 = arith.muli %while3A_341, %mul3A_348 : i32
        %add3A_350 = arith.constant 16 : i32
        %add3A_351 = arith.addi %mul3A_349, %add3A_350 : i32
        %get3A_352 = arith.index_cast %add3A_351 : i32 to index
        %get3A_353 = tpu.vector_load %arg9[%get3A_352] {strides = array<i32>} : memref<57344xf32, #tpu.memory_space<vmem>>, vector<16xf32>,
        %bitcast3A_354 = vector.bitcast %get3A_353 : vector<16xf32> to vector<16xi32>
        %ge3A_355 = arith.cmpi sge, %bitcast3A_347, %add3A_320 : vector<16xi32>
        %jit3A_356 = arith.constant 1 : i32
        %jit3A_357 = arith.constant 0 : i32
        %broadcast_in_dim3A_358 = vector.broadcast %jit3A_356 : i32 to vector<16xi32>
        %broadcast_in_dim3A_359 = vector.broadcast %jit3A_357 : i32 to vector<16xi32>
        %select_n3A_360 = arith.select %ge3A_355, %broadcast_in_dim3A_358, %broadcast_in_dim3A_359 : vector<16xi1>, vector<16xi32>
        %add3A_361 = arith.addi %while3A_342, %select_n3A_360 : vector<16xi32>
        %ge3A_362 = arith.cmpi sge, %bitcast3A_354, %add3A_322 : vector<16xi32>
        %jit3A_363 = arith.constant 1 : i32
        %jit3A_364 = arith.constant 0 : i32
        %broadcast_in_dim3A_365 = vector.broadcast %jit3A_363 : i32 to vector<16xi32>
        %broadcast_in_dim3A_366 = vector.broadcast %jit3A_364 : i32 to vector<16xi32>
        %select_n3A_367 = arith.select %ge3A_362, %broadcast_in_dim3A_365, %broadcast_in_dim3A_366 : vector<16xi1>, vector<16xi32>
        %add3A_368 = arith.addi %while3A_343, %select_n3A_367 : vector<16xi32>
        scf.yield %add3A_361, %add3A_368 : vector<16xi32>, vector<16xi32>
      }
      %while3A_332 = arith.constant 1 : i32
      %while3A_333:2 = scf.for %while3A_341 = %while3A_329 to %while3A_325 step %while3A_332 iter_args(%while3A_342 = %while3A_331#0, %while3A_343 = %while3A_331#1) -> (vector<16xi32>, vector<16xi32>)  : i32 {
        %mul3A_344 = arith.constant 32 : i32
        %mul3A_345 = arith.muli %while3A_341, %mul3A_344 : i32
        %get3A = arith.index_cast %mul3A_345 : i32 to index
        %get3A_346 = tpu.vector_load %arg9[%get3A] {strides = array<i32>} : memref<57344xf32, #tpu.memory_space<vmem>>, vector<16xf32>,
        %bitcast3A_347 = vector.bitcast %get3A_346 : vector<16xf32> to vector<16xi32>
        %mul3A_348 = arith.constant 32 : i32
        %mul3A_349 = arith.muli %while3A_341, %mul3A_348 : i32
        %add3A_350 = arith.constant 16 : i32
        %add3A_351 = arith.addi %mul3A_349, %add3A_350 : i32
        %get3A_352 = arith.index_cast %add3A_351 : i32 to index
        %get3A_353 = tpu.vector_load %arg9[%get3A_352] {strides = array<i32>} : memref<57344xf32, #tpu.memory_space<vmem>>, vector<16xf32>,
        %bitcast3A_354 = vector.bitcast %get3A_353 : vector<16xf32> to vector<16xi32>
        %ge3A_355 = arith.cmpi sge, %bitcast3A_347, %add3A_320 : vector<16xi32>
        %jit3A_356 = arith.constant 1 : i32
        %jit3A_357 = arith.constant 0 : i32
        %broadcast_in_dim3A_358 = vector.broadcast %jit3A_356 : i32 to vector<16xi32>
        %broadcast_in_dim3A_359 = vector.broadcast %jit3A_357 : i32 to vector<16xi32>
        %select_n3A_360 = arith.select %ge3A_355, %broadcast_in_dim3A_358, %broadcast_in_dim3A_359 : vector<16xi1>, vector<16xi32>
        %add3A_361 = arith.addi %while3A_342, %select_n3A_360 : vector<16xi32>
        %ge3A_362 = arith.cmpi sge, %bitcast3A_354, %add3A_322 : vector<16xi32>
        %jit3A_363 = arith.constant 1 : i32
        %jit3A_364 = arith.constant 0 : i32
        %broadcast_in_dim3A_365 = vector.broadcast %jit3A_363 : i32 to vector<16xi32>
        %broadcast_in_dim3A_366 = vector.broadcast %jit3A_364 : i32 to vector<16xi32>
        %select_n3A_367 = arith.select %ge3A_362, %broadcast_in_dim3A_365, %broadcast_in_dim3A_366 : vector<16xi1>, vector<16xi32>
        %add3A_368 = arith.addi %while3A_343, %select_n3A_367 : vector<16xi32>
        scf.yield %add3A_361, %add3A_368 : vector<16xi32>, vector<16xi32>
      }
      %ge3A = arith.constant 64 : i32
      %ge3A_334 = vector.broadcast %ge3A : i32 to vector<16xi32>
      %ge3A_335 = arith.cmpi sge, %while3A_333#0, %ge3A_334 : vector<16xi32>
      %select_n3A_336 = arith.select %ge3A_335, %add3A_320, %scan3A_314 : vector<16xi1>, vector<16xi32>
      %ge3A_337 = arith.constant 64 : i32
      %ge3A_338 = vector.broadcast %ge3A_337 : i32 to vector<16xi32>
      %ge3A_339 = arith.cmpi sge, %while3A_333#1, %ge3A_338 : vector<16xi32>
      %select_n3A_340 = arith.select %ge3A_339, %add3A_322, %scan3A_315 : vector<16xi1>, vector<16xi32>
      scf.yield %select_n3A_336, %select_n3A_340 : vector<16xi32>, vector<16xi32>
    }
    %scan3A_197 = arith.constant 32 : i32
    %broadcast_in_dim3A_198 = arith.constant 0.000000e+00 : f32
    %broadcast_in_dim3A_199 = vector.broadcast %broadcast_in_dim3A_198 : f32 to vector<16xf32>
    %while3A_200 = arith.constant 0 : i32
    %while3A_201 = arith.subi %squeeze3A_175, %while3A_200 : i32
    %while3A_202 = arith.addi %while3A_200, %while3A_201 : i32
    %while3A_203 = arith.constant 1 : i32
    %while3A_204 = arith.divsi %while3A_201, %while3A_203 : i32
    %while3A_205 = arith.muli %while3A_204, %while3A_203 : i32
    %while3A_206 = arith.addi %while3A_200, %while3A_205 : i32
    %while3A_207 = arith.constant 1 : i32
    %while3A_208:4 = scf.for %while3A_313 = %while3A_200 to %while3A_206 step %while3A_207 iter_args(%while3A_314 = %broadcast_in_dim3A_199, %while3A_315 = %broadcast_in_dim3A_199, %while3A_316 = %broadcast_in_dim3A_5, %while3A_317 = %broadcast_in_dim3A_5) -> (vector<16xf32>, vector<16xf32>, vector<16xi32>, vector<16xi32>)  : i32 {
      %mul3A_318 = arith.constant 32 : i32
      %mul3A_319 = arith.muli %while3A_313, %mul3A_318 : i32
      %get3A = arith.index_cast %mul3A_319 : i32 to index
      %get3A_320 = tpu.vector_load %arg9[%get3A] {strides = array<i32>} : memref<57344xf32, #tpu.memory_space<vmem>>, vector<16xf32>,
      %bitcast3A_321 = vector.bitcast %get3A_320 : vector<16xf32> to vector<16xi32>
      %mul3A_322 = arith.constant 32 : i32
      %mul3A_323 = arith.muli %while3A_313, %mul3A_322 : i32
      %add3A_324 = arith.constant 16 : i32
      %add3A_325 = arith.addi %mul3A_323, %add3A_324 : i32
      %get3A_326 = arith.index_cast %add3A_325 : i32 to index
      %get3A_327 = tpu.vector_load %arg9[%get3A_326] {strides = array<i32>} : memref<57344xf32, #tpu.memory_space<vmem>>, vector<16xf32>,
      %bitcast3A_328 = vector.bitcast %get3A_327 : vector<16xf32> to vector<16xi32>
      %gt3A = arith.cmpi sgt, %bitcast3A_321, %scan3A_196#0 : vector<16xi32>
      %gt3A_329 = arith.cmpi sgt, %bitcast3A_328, %scan3A_196#1 : vector<16xi32>
      %shift_right_arithmetic3A_330 = arith.constant 31 : i32
      %shift_right_arithmetic3A_331 = vector.broadcast %shift_right_arithmetic3A_330 : i32 to vector<16xi32>
      %shift_right_arithmetic3A_332 = arith.shrsi %bitcast3A_321, %shift_right_arithmetic3A_331 : vector<16xi32>
      %and3A_333 = arith.constant 2147483647 : i32
      %and3A_334 = vector.broadcast %and3A_333 : i32 to vector<16xi32>
      %and3A_335 = arith.andi %shift_right_arithmetic3A_332, %and3A_334 : vector<16xi32>
      %xor3A_336 = arith.xori %bitcast3A_321, %and3A_335 : vector<16xi32>
      %bitcast3A_337 = vector.bitcast %xor3A_336 : vector<16xi32> to vector<16xf32>
      %jit3A_338 = arith.constant 0.000000e+00 : f32
      %broadcast_in_dim3A_339 = vector.broadcast %jit3A_338 : f32 to vector<16xf32>
      %select_n3A_340 = arith.select %gt3A, %bitcast3A_337, %broadcast_in_dim3A_339 : vector<16xi1>, vector<16xf32>
      %add3A_341 = arith.addf %while3A_314, %select_n3A_340 : vector<16xf32>
      %shift_right_arithmetic3A_342 = arith.constant 31 : i32
      %shift_right_arithmetic3A_343 = vector.broadcast %shift_right_arithmetic3A_342 : i32 to vector<16xi32>
      %shift_right_arithmetic3A_344 = arith.shrsi %bitcast3A_328, %shift_right_arithmetic3A_343 : vector<16xi32>
      %and3A_345 = arith.constant 2147483647 : i32
      %and3A_346 = vector.broadcast %and3A_345 : i32 to vector<16xi32>
      %and3A_347 = arith.andi %shift_right_arithmetic3A_344, %and3A_346 : vector<16xi32>
      %xor3A_348 = arith.xori %bitcast3A_328, %and3A_347 : vector<16xi32>
      %bitcast3A_349 = vector.bitcast %xor3A_348 : vector<16xi32> to vector<16xf32>
      %jit3A_350 = arith.constant 0.000000e+00 : f32
      %broadcast_in_dim3A_351 = vector.broadcast %jit3A_350 : f32 to vector<16xf32>
      %select_n3A_352 = arith.select %gt3A_329, %bitcast3A_349, %broadcast_in_dim3A_351 : vector<16xi1>, vector<16xf32>
      %add3A_353 = arith.addf %while3A_315, %select_n3A_352 : vector<16xf32>
      %jit3A_354 = arith.constant 1 : i32
      %jit3A_355 = arith.constant 0 : i32
      %broadcast_in_dim3A_356 = vector.broadcast %jit3A_354 : i32 to vector<16xi32>
      %broadcast_in_dim3A_357 = vector.broadcast %jit3A_355 : i32 to vector<16xi32>
      %select_n3A_358 = arith.select %gt3A, %broadcast_in_dim3A_356, %broadcast_in_dim3A_357 : vector<16xi1>, vector<16xi32>
      %add3A_359 = arith.addi %while3A_316, %select_n3A_358 : vector<16xi32>
      %jit3A_360 = arith.constant 1 : i32
      %jit3A_361 = arith.constant 0 : i32
      %broadcast_in_dim3A_362 = vector.broadcast %jit3A_360 : i32 to vector<16xi32>
      %broadcast_in_dim3A_363 = vector.broadcast %jit3A_361 : i32 to vector<16xi32>
      %select_n3A_364 = arith.select %gt3A_329, %broadcast_in_dim3A_362, %broadcast_in_dim3A_363 : vector<16xi1>, vector<16xi32>
      %add3A_365 = arith.addi %while3A_317, %select_n3A_364 : vector<16xi32>
      scf.yield %add3A_341, %add3A_353, %add3A_359, %add3A_365 : vector<16xf32>, vector<16xf32>, vector<16xi32>, vector<16xi32>
    }
    %while3A_209 = arith.constant 1 : i32
    %while3A_210:4 = scf.for %while3A_313 = %while3A_206 to %while3A_202 step %while3A_209 iter_args(%while3A_314 = %while3A_208#0, %while3A_315 = %while3A_208#1, %while3A_316 = %while3A_208#2, %while3A_317 = %while3A_208#3) -> (vector<16xf32>, vector<16xf32>, vector<16xi32>, vector<16xi32>)  : i32 {
      %mul3A_318 = arith.constant 32 : i32
      %mul3A_319 = arith.muli %while3A_313, %mul3A_318 : i32
      %get3A = arith.index_cast %mul3A_319 : i32 to index
      %get3A_320 = tpu.vector_load %arg9[%get3A] {strides = array<i32>} : memref<57344xf32, #tpu.memory_space<vmem>>, vector<16xf32>,
      %bitcast3A_321 = vector.bitcast %get3A_320 : vector<16xf32> to vector<16xi32>
      %mul3A_322 = arith.constant 32 : i32
      %mul3A_323 = arith.muli %while3A_313, %mul3A_322 : i32
      %add3A_324 = arith.constant 16 : i32
      %add3A_325 = arith.addi %mul3A_323, %add3A_324 : i32
      %get3A_326 = arith.index_cast %add3A_325 : i32 to index
      %get3A_327 = tpu.vector_load %arg9[%get3A_326] {strides = array<i32>} : memref<57344xf32, #tpu.memory_space<vmem>>, vector<16xf32>,
      %bitcast3A_328 = vector.bitcast %get3A_327 : vector<16xf32> to vector<16xi32>
      %gt3A = arith.cmpi sgt, %bitcast3A_321, %scan3A_196#0 : vector<16xi32>
      %gt3A_329 = arith.cmpi sgt, %bitcast3A_328, %scan3A_196#1 : vector<16xi32>
      %shift_right_arithmetic3A_330 = arith.constant 31 : i32
      %shift_right_arithmetic3A_331 = vector.broadcast %shift_right_arithmetic3A_330 : i32 to vector<16xi32>
      %shift_right_arithmetic3A_332 = arith.shrsi %bitcast3A_321, %shift_right_arithmetic3A_331 : vector<16xi32>
      %and3A_333 = arith.constant 2147483647 : i32
      %and3A_334 = vector.broadcast %and3A_333 : i32 to vector<16xi32>
      %and3A_335 = arith.andi %shift_right_arithmetic3A_332, %and3A_334 : vector<16xi32>
      %xor3A_336 = arith.xori %bitcast3A_321, %and3A_335 : vector<16xi32>
      %bitcast3A_337 = vector.bitcast %xor3A_336 : vector<16xi32> to vector<16xf32>
      %jit3A_338 = arith.constant 0.000000e+00 : f32
      %broadcast_in_dim3A_339 = vector.broadcast %jit3A_338 : f32 to vector<16xf32>
      %select_n3A_340 = arith.select %gt3A, %bitcast3A_337, %broadcast_in_dim3A_339 : vector<16xi1>, vector<16xf32>
      %add3A_341 = arith.addf %while3A_314, %select_n3A_340 : vector<16xf32>
      %shift_right_arithmetic3A_342 = arith.constant 31 : i32
      %shift_right_arithmetic3A_343 = vector.broadcast %shift_right_arithmetic3A_342 : i32 to vector<16xi32>
      %shift_right_arithmetic3A_344 = arith.shrsi %bitcast3A_328, %shift_right_arithmetic3A_343 : vector<16xi32>
      %and3A_345 = arith.constant 2147483647 : i32
      %and3A_346 = vector.broadcast %and3A_345 : i32 to vector<16xi32>
      %and3A_347 = arith.andi %shift_right_arithmetic3A_344, %and3A_346 : vector<16xi32>
      %xor3A_348 = arith.xori %bitcast3A_328, %and3A_347 : vector<16xi32>
      %bitcast3A_349 = vector.bitcast %xor3A_348 : vector<16xi32> to vector<16xf32>
      %jit3A_350 = arith.constant 0.000000e+00 : f32
      %broadcast_in_dim3A_351 = vector.broadcast %jit3A_350 : f32 to vector<16xf32>
      %select_n3A_352 = arith.select %gt3A_329, %bitcast3A_349, %broadcast_in_dim3A_351 : vector<16xi1>, vector<16xf32>
      %add3A_353 = arith.addf %while3A_315, %select_n3A_352 : vector<16xf32>
      %jit3A_354 = arith.constant 1 : i32
      %jit3A_355 = arith.constant 0 : i32
      %broadcast_in_dim3A_356 = vector.broadcast %jit3A_354 : i32 to vector<16xi32>
      %broadcast_in_dim3A_357 = vector.broadcast %jit3A_355 : i32 to vector<16xi32>
      %select_n3A_358 = arith.select %gt3A, %broadcast_in_dim3A_356, %broadcast_in_dim3A_357 : vector<16xi1>, vector<16xi32>
      %add3A_359 = arith.addi %while3A_316, %select_n3A_358 : vector<16xi32>
      %jit3A_360 = arith.constant 1 : i32
      %jit3A_361 = arith.constant 0 : i32
      %broadcast_in_dim3A_362 = vector.broadcast %jit3A_360 : i32 to vector<16xi32>
      %broadcast_in_dim3A_363 = vector.broadcast %jit3A_361 : i32 to vector<16xi32>
      %select_n3A_364 = arith.select %gt3A_329, %broadcast_in_dim3A_362, %broadcast_in_dim3A_363 : vector<16xi1>, vector<16xi32>
      %add3A_365 = arith.addi %while3A_317, %select_n3A_364 : vector<16xi32>
      scf.yield %add3A_341, %add3A_353, %add3A_359, %add3A_365 : vector<16xf32>, vector<16xf32>, vector<16xi32>, vector<16xi32>
    }
    %eq3A = arith.constant -2147483648 : i32
    %eq3A_211 = vector.broadcast %eq3A : i32 to vector<16xi32>
    %eq3A_212 = arith.cmpi eq, %scan3A_196#0, %eq3A_211 : vector<16xi32>
    %shift_right_arithmetic3A_213 = arith.constant 31 : i32
    %shift_right_arithmetic3A_214 = vector.broadcast %shift_right_arithmetic3A_213 : i32 to vector<16xi32>
    %shift_right_arithmetic3A_215 = arith.shrsi %scan3A_196#0, %shift_right_arithmetic3A_214 : vector<16xi32>
    %and3A = arith.constant 2147483647 : i32
    %and3A_216 = vector.broadcast %and3A : i32 to vector<16xi32>
    %and3A_217 = arith.andi %shift_right_arithmetic3A_215, %and3A_216 : vector<16xi32>
    %xor3A_218 = arith.xori %scan3A_196#0, %and3A_217 : vector<16xi32>
    %bitcast3A_219 = vector.bitcast %xor3A_218 : vector<16xi32> to vector<16xf32>
    %jit3A = arith.constant 0.000000e+00 : f32
    %broadcast_in_dim3A_220 = vector.broadcast %jit3A : f32 to vector<16xf32>
    %select_n3A_221 = arith.select %eq3A_212, %broadcast_in_dim3A_220, %bitcast3A_219 : vector<16xi1>, vector<16xf32>
    %eq3A_222 = arith.constant -2147483648 : i32
    %eq3A_223 = vector.broadcast %eq3A_222 : i32 to vector<16xi32>
    %eq3A_224 = arith.cmpi eq, %scan3A_196#1, %eq3A_223 : vector<16xi32>
    %shift_right_arithmetic3A_225 = arith.constant 31 : i32
    %shift_right_arithmetic3A_226 = vector.broadcast %shift_right_arithmetic3A_225 : i32 to vector<16xi32>
    %shift_right_arithmetic3A_227 = arith.shrsi %scan3A_196#1, %shift_right_arithmetic3A_226 : vector<16xi32>
    %and3A_228 = arith.constant 2147483647 : i32
    %and3A_229 = vector.broadcast %and3A_228 : i32 to vector<16xi32>
    %and3A_230 = arith.andi %shift_right_arithmetic3A_227, %and3A_229 : vector<16xi32>
    %xor3A_231 = arith.xori %scan3A_196#1, %and3A_230 : vector<16xi32>
    %bitcast3A_232 = vector.bitcast %xor3A_231 : vector<16xi32> to vector<16xf32>
    %jit3A_233 = arith.constant 0.000000e+00 : f32
    %broadcast_in_dim3A_234 = vector.broadcast %jit3A_233 : f32 to vector<16xf32>
    %select_n3A_235 = arith.select %eq3A_224, %broadcast_in_dim3A_234, %bitcast3A_232 : vector<16xi1>, vector<16xf32>
    %iota3A_236 = tpu.iota {dimensions = array<i32: 0>} : vector<16xi32>
    %xor3A_237 = arith.constant 8 : i32
    %xor3A_238 = vector.broadcast %xor3A_237 : i32 to vector<16xi32>
    %xor3A_239 = arith.xori %iota3A_236, %xor3A_238 : vector<16xi32>
    %lt3A_240 = arith.constant 0 : i32
    %lt3A_241 = vector.broadcast %lt3A_240 : i32 to vector<16xi32>
    %lt3A_242 = arith.cmpi slt, %xor3A_239, %lt3A_241 : vector<16xi32>
    %add3A_243 = arith.constant 16 : i32
    %add3A_244 = vector.broadcast %add3A_243 : i32 to vector<16xi32>
    %add3A_245 = arith.addi %xor3A_239, %add3A_244 : vector<16xi32>
    %select_n3A_246 = arith.select %lt3A_242, %add3A_245, %xor3A_239 : vector<16xi1>, vector<16xi32>
    %broadcast_in_dim3A_247 = vector.shape_cast %select_n3A_246 : vector<16xi32> to vector<16x1xi32>
    %gather3A_248 = vector.shape_cast %broadcast_in_dim3A_247 : vector<16x1xi32> to vector<16xi32>
    %gather3A_249 = tpu.dynamic_gather %scan3A_40#4[%gather3A_248] in [0] : vector<16xi32>, vector<16xi32> -> vector<16xi32>
    %add3A_250 = arith.addi %scan3A_40#4, %gather3A_249 : vector<16xi32>
    %xor3A_251 = arith.constant 4 : i32
    %xor3A_252 = vector.broadcast %xor3A_251 : i32 to vector<16xi32>
    %xor3A_253 = arith.xori %iota3A_236, %xor3A_252 : vector<16xi32>
    %lt3A_254 = arith.constant 0 : i32
    %lt3A_255 = vector.broadcast %lt3A_254 : i32 to vector<16xi32>
    %lt3A_256 = arith.cmpi slt, %xor3A_253, %lt3A_255 : vector<16xi32>
    %add3A_257 = arith.constant 16 : i32
    %add3A_258 = vector.broadcast %add3A_257 : i32 to vector<16xi32>
    %add3A_259 = arith.addi %xor3A_253, %add3A_258 : vector<16xi32>
    %select_n3A_260 = arith.select %lt3A_256, %add3A_259, %xor3A_253 : vector<16xi1>, vector<16xi32>
    %broadcast_in_dim3A_261 = vector.shape_cast %select_n3A_260 : vector<16xi32> to vector<16x1xi32>
    %gather3A_262 = vector.shape_cast %broadcast_in_dim3A_261 : vector<16x1xi32> to vector<16xi32>
    %gather3A_263 = tpu.dynamic_gather %add3A_250[%gather3A_262] in [0] : vector<16xi32>, vector<16xi32> -> vector<16xi32>
    %add3A_264 = arith.addi %add3A_250, %gather3A_263 : vector<16xi32>
    %xor3A_265 = arith.constant 2 : i32
    %xor3A_266 = vector.broadcast %xor3A_265 : i32 to vector<16xi32>
    %xor3A_267 = arith.xori %iota3A_236, %xor3A_266 : vector<16xi32>
    %lt3A_268 = arith.constant 0 : i32
    %lt3A_269 = vector.broadcast %lt3A_268 : i32 to vector<16xi32>
    %lt3A_270 = arith.cmpi slt, %xor3A_267, %lt3A_269 : vector<16xi32>
    %add3A_271 = arith.constant 16 : i32
    %add3A_272 = vector.broadcast %add3A_271 : i32 to vector<16xi32>
    %add3A_273 = arith.addi %xor3A_267, %add3A_272 : vector<16xi32>
    %select_n3A_274 = arith.select %lt3A_270, %add3A_273, %xor3A_267 : vector<16xi1>, vector<16xi32>
    %broadcast_in_dim3A_275 = vector.shape_cast %select_n3A_274 : vector<16xi32> to vector<16x1xi32>
    %gather3A_276 = vector.shape_cast %broadcast_in_dim3A_275 : vector<16x1xi32> to vector<16xi32>
    %gather3A_277 = tpu.dynamic_gather %add3A_264[%gather3A_276] in [0] : vector<16xi32>, vector<16xi32> -> vector<16xi32>
    %add3A_278 = arith.addi %add3A_264, %gather3A_277 : vector<16xi32>
    %xor3A_279 = arith.constant 1 : i32
    %xor3A_280 = vector.broadcast %xor3A_279 : i32 to vector<16xi32>
    %xor3A_281 = arith.xori %iota3A_236, %xor3A_280 : vector<16xi32>
    %lt3A_282 = arith.constant 0 : i32
    %lt3A_283 = vector.broadcast %lt3A_282 : i32 to vector<16xi32>
    %lt3A_284 = arith.cmpi slt, %xor3A_281, %lt3A_283 : vector<16xi32>
    %add3A_285 = arith.constant 16 : i32
    %add3A_286 = vector.broadcast %add3A_285 : i32 to vector<16xi32>
    %add3A_287 = arith.addi %xor3A_281, %add3A_286 : vector<16xi32>
    %select_n3A_288 = arith.select %lt3A_284, %add3A_287, %xor3A_281 : vector<16xi1>, vector<16xi32>
    %broadcast_in_dim3A_289 = vector.shape_cast %select_n3A_288 : vector<16xi32> to vector<16x1xi32>
    %gather3A_290 = vector.shape_cast %broadcast_in_dim3A_289 : vector<16x1xi32> to vector<16xi32>
    %gather3A_291 = tpu.dynamic_gather %add3A_278[%gather3A_290] in [0] : vector<16xi32>, vector<16xi32> -> vector<16xi32>
    %add3A_292 = arith.addi %add3A_278, %gather3A_291 : vector<16xi32>
    %convert_element_type3A = arith.sitofp %add3A_292 : vector<16xi32> to vector<16xf32>
    %min3A = arith.constant 6.400000e+01 : f32
    %min3A_293 = vector.broadcast %min3A : f32 to vector<16xf32>
    %min3A_294 = arith.minimumf %min3A_293, %convert_element_type3A : vector<16xf32>
    %max3A_295 = arith.constant 1.000000e+00 : f32
    %max3A_296 = vector.broadcast %max3A_295 : f32 to vector<16xf32>
    %max3A_297 = arith.maximumf %min3A_294, %max3A_296 : vector<16xf32>
    %convert_element_type3A_298 = arith.sitofp %while3A_210#2 : vector<16xi32> to vector<16xf32>
    %sub3A = arith.constant 6.400000e+01 : f32
    %sub3A_299 = vector.broadcast %sub3A : f32 to vector<16xf32>
    %sub3A_300 = arith.subf %sub3A_299, %convert_element_type3A_298 : vector<16xf32>
    %mul3A_301 = arith.mulf %sub3A_300, %select_n3A_221 : vector<16xf32>
    %add3A_302 = arith.addf %while3A_210#0, %mul3A_301 : vector<16xf32>
    %div3A = arith.divf %add3A_302, %max3A_297 : vector<16xf32>
    %convert_element_type3A_303 = arith.sitofp %while3A_210#3 : vector<16xi32> to vector<16xf32>
    %sub3A_304 = arith.constant 6.400000e+01 : f32
    %sub3A_305 = vector.broadcast %sub3A_304 : f32 to vector<16xf32>
    %sub3A_306 = arith.subf %sub3A_305, %convert_element_type3A_303 : vector<16xf32>
    %mul3A_307 = arith.mulf %sub3A_306, %select_n3A_235 : vector<16xf32>
    %add3A_308 = arith.addf %while3A_210#1, %mul3A_307 : vector<16xf32>
    %div3A_309 = arith.divf %add3A_308, %max3A_297 : vector<16xf32>
    %swap3A = arith.constant 0 : index
    %swap3A_310 = tpu.vector_load %arg10[%swap3A] {strides = array<i32>} : memref<32xf32, #tpu.memory_space<vmem>>, vector<16xf32>,
    tpu.vector_store %arg10[%swap3A], %div3A {strides = array<i32>} : memref<32xf32, #tpu.memory_space<vmem>>, vector<16xf32>,
    %swap3A_311 = arith.constant 16 : index
    %swap3A_312 = tpu.vector_load %arg10[%swap3A_311] {strides = array<i32>} : memref<32xf32, #tpu.memory_space<vmem>>, vector<16xf32>,
    tpu.vector_store %arg10[%swap3A_311], %div3A_309 {strides = array<i32>} : memref<32xf32, #tpu.memory_space<vmem>>, vector<16xf32>,
    "tpu.region"() ({
      %run_scoped3A = tpu.sem_alloc : memref<!tpu.dma_semaphore, #tpu.memory_space<semaphore_mem>>
      %dma_start3A_313 = arith.constant 0 : i32
      %dma_start3A_314 = tpu.memref_slice %arg4[%add3A, %dma_start3A_313] : memref<32x32xf32, #tpu.memory_space<hbm>> -> memref<1x32xf32, #tpu.memory_space<hbm>>
      %dma_start3A_315 = tpu.memref_squeeze %dma_start3A_314 : memref<1x32xf32, #tpu.memory_space<hbm>> -> memref<32xf32, #tpu.memory_space<hbm>>
      %dma_start3A_316 = arith.constant 0 : i32
      %dma_start3A_317 = tpu.memref_slice %arg4[%add3A, %dma_start3A_316] : memref<32x32xf32, #tpu.memory_space<hbm>> -> memref<1x32xf32, #tpu.memory_space<hbm>>
      %dma_start3A_318 = tpu.memref_squeeze %dma_start3A_317 : memref<1x32xf32, #tpu.memory_space<hbm>> -> memref<32xf32, #tpu.memory_space<hbm>>
      tpu.enqueue_dma source(%arg10 : memref<32xf32, #tpu.memory_space<vmem>>) target(%dma_start3A_318 : memref<32xf32, #tpu.memory_space<hbm>>) target_semaphore(%run_scoped3A : memref<!tpu.dma_semaphore, #tpu.memory_space<semaphore_mem>>)
      %dma_wait3A = arith.constant 0 : i32
      %dma_wait3A_319 = tpu.memref_slice %arg4[%add3A, %dma_wait3A] : memref<32x32xf32, #tpu.memory_space<hbm>> -> memref<1x32xf32, #tpu.memory_space<hbm>>
      %dma_wait3A_320 = tpu.memref_squeeze %dma_wait3A_319 : memref<1x32xf32, #tpu.memory_space<hbm>> -> memref<32xf32, #tpu.memory_space<hbm>>
      %dma_wait3A_321 = arith.constant 0 : i32
      %dma_wait3A_322 = tpu.memref_slice %arg4[%add3A, %dma_wait3A_321] : memref<32x32xf32, #tpu.memory_space<hbm>> -> memref<1x32xf32, #tpu.memory_space<hbm>>
      %dma_wait3A_323 = tpu.memref_squeeze %dma_wait3A_322 : memref<1x32xf32, #tpu.memory_space<hbm>> -> memref<32xf32, #tpu.memory_space<hbm>>
      tpu.wait_dma2 semaphore(%run_scoped3A : memref<!tpu.dma_semaphore, #tpu.memory_space<semaphore_mem>>) src(%arg10 : memref<32xf32, #tpu.memory_space<vmem>>) dst(%dma_wait3A_323 : memref<32xf32, #tpu.memory_space<hbm>>)
      tpu.yield
    }) : () -> ()
    return
  }
}

</mosaic_0001>

<sc_bundles>
// kernel: _sc_call.3.cloned.1.call-start
scs
__scs_entry_jumppad:
0x0: {  	(pc) =	sbr.rel $0x88, $3  }
0x1: {  	(tag) =	ssettag $0x0;
	lr =	simm.s32 $0x1  }
0x2: {  	[smem:$0x3F9F] =	sst lr;
	_ =	strace $0xD0000000  }
0x3: {  	_ = 	snop  }
0x4: {  	_ = 	snop  }
0x5: {  	_ = 	snop  }
0x6: {  	_ = 	snop  }
0x7: {  	_ = 	snop  }
__scs_overlays_trampoline_lowered:
0x8: {  	[smem:$0x3FAE] =	sst s0  }
0x9: {  	[smem:$0x3FAF] =	sst s1  }
0xa: {  	[smem:$0x3FB0] =	sst s2  }
0xb: {  	[smem:$0x3FB1] =	sst s3  }
0xc: {  	[smem:$0x3FB2] =	sst s4  }
0xd: {  	[smem:$0x3FB3] =	sst s5  }
0xe: {  	[smem:$0x3FB4] =	sst s6  }
0xf: {  	[smem:$0x3FB5] =	sst s7  }
0x10: {  	[smem:$0x3FB6] =	sst s8  }
0x11: {  	[smem:$0x3FB7] =	sst s9;
	s0 =	simm.s32 @!p0 $0x0  }
0x12: {  	s1 =	sld [smem:$0x3F9D];
	s0 =	simm.s32 @p0 $0x1  }
0x13: {  	[smem:$0x3FB8] =	sst s0;
	s0 =	simm.s32 @!p1 $0x0  }
0x14: {  	s2 =	sld [smem:$0x3F9C];
	s0 =	simm.s32 @p1 $0x1  }
0x15: {  	[smem:$0x3FB9] =	sst s0;
	s0 =	simm.s32 @!p2 $0x0  }
0x16: {  	s3 =	sld [smem:$0x3FDB];
	s0 =	simm.s32 @p2 $0x1  }
0x17: {  	s4 =	simm.s32 $0x1BF5;
	[smem:$0x3FBB] =	sst s0  }
0x18: {  	s0 =	sld [smem:$0x3F9E];
	_ =	swait.ge [sflag:s4], $0x0  }
0x19: {  	s7 =	sld [smem:$0x3F9F]  }
0x1a: {  	s8 =	sadd.s32 $0xFFFFE003, lr  }
0x1b: {  	s9 =	sadd.s32 $0xFFFFFEF7, lr;
	s5 =	simm.s32 $0xFFFFFFFF;
	p2 =	slt.u32 s8, $0xFFFFF086  }
0x1c: {  	p1 =	slt.u32 s9, $0xF7A;
	s5 =	simm.s32 @!p2 $0x0  }
0x1d: {  	s5 =	simm.s32 @p1 $0x1;
	p0 =	seq.s32 s7, s2  }
0x1e: {  	s7 =	smul.u32 @!p0 $0xF7A, s2;
	p2 =	seq.s32 @!p0 s5, $0x0  }
0x1f: {  	s9 =	smul.u32 $0xF7A, s1;
	s8 =	simm.s32 @!p0 $0x1BF5;
	p2 =	por !p2, p0  }
0x20: {  	[sflag:s8] =	ssyncset.s32 @!p0 $0xFFFFF086;
	s6 =	sadd.s32 @!p0 s3, s7;
	s7 =	simm.s32 @!p0 $0x108  }
0x21: {  	s3 =	sadd.s32 s3, s9;
	s6 =	sadd.s32 @!p0 $0x88, s6;
	s7 =	simm.s32 @p2 $0x1082  }
0x22: {  	[simem:s7], [sflag:s8] =	dma.local @!p0 [hbm:s6], $0xF7A  }
0x23: {  	s9 =	sor.u32 $0xD0000000, s2;
	s6 =	simm.s32 $0x108;
	_ =	swait.ge @!p0 [sflag:s8], $0x0  }
0x24: {  	s3 =	sadd.s32 $0x88, s3;
	s6 =	simm.s32 @!p1 $0x1082;
	[sflag:s4] =	ssyncset.s32 $0xFFFFF086  }
0x25: {  	[simem:s6], [sflag:s4] =	dma.local [hbm:s3], $0xF7A  }
0x26: {  	[smem:$0x3F9F] =	sst s1;
	(tag) =	ssettag s2;
	_ =	strace s9  }
0x27: {  	s1 =	sld [smem:$0x3FAF]  }
0x28: {  	s2 =	sld [smem:$0x3FB0]  }
0x29: {  	s4 =	sld [smem:$0x3FB2]  }
0x2a: {  	p0 =	seq.s32 s5, $0x0;
	s5 =	sld [smem:$0x3FB3]  }
0x2b: {  	s6 =	sld [smem:$0x3FB4]  }
0x2c: {  	s7 =	sld [smem:$0x3FB5]  }
0x2d: {  	s3 =	simm.s32 $0x108;
	s8 =	sld [smem:$0x3FB6]  }
0x2e: {  	s3 =	simm.s32 @!p0 $0x1082;
	s9 =	sld [smem:$0x3FB7]  }
0x2f: {  	lr =	sadd.s32 s0, s3;
	s0 =	sld [smem:$0x3FAE]  }
0x30: {  	s3 =	sld [smem:$0x3FB1]  }
0x31: {  	[smem:$0x3FBA] =	sst s10  }
0x32: {  	s10 =	sld [smem:$0x3FB8];
	_ =	sdelay $0x3  }
0x33: {  	p0 =	seq.s32 s10, $0x1;
	s10 =	sld [smem:$0x3FBA];
	_ =	sdelay $0x3  }
0x34: {  	[smem:$0x3FBA] =	sst s10  }
0x35: {  	s10 =	sld [smem:$0x3FB9];
	_ =	sdelay $0x3  }
0x36: {  	p1 =	seq.s32 s10, $0x1;
	s10 =	sld [smem:$0x3FBA];
	_ =	sdelay $0x3  }
0x37: {  	[smem:$0x3FBA] =	sst s10  }
0x38: {  	s10 =	sld [smem:$0x3FBB]  }
0x39: {  	_ = 	snop;
	(pc) =	sbr.ind lr, $3  }
0x3a: {  	_ = 	snop  }
0x3b: {  	_ = 	snop  }
0x3c: {  	p2 =	seq.s32 s10, $0x1;
	s10 =	sld [smem:$0x3FBA]  }
0x3d: {  	_ =	shalt  }
0x3e: {  	_ =	shalt  }
0x3f: {  	_ =	shalt  }
0x40: {  	_ =	shalt  }
0x41: {  	_ =	shalt  }
0x42: {  	_ =	shalt  }
0x43: {  	_ =	shalt  }
0x44: {  	_ =	shalt  }
0x45: {  	_ =	shalt  }
0x46: {  	_ =	shalt  }
0x47: {  	_ =	shalt  }
0x48: {  	_ =	shalt  }
0x49: {  	_ =	shalt  }
0x4a: {  	_ =	shalt  }
0x4b: {  	_ =	shalt  }
0x4c: {  	_ =	shalt  }
0x4d: {  	_ =	shalt  }
0x4e: {  	_ =	shalt  }
0x4f: {  	_ =	shalt  }
0x50: {  	_ =	shalt  }
0x51: {  	_ =	shalt  }
0x52: {  	_ =	shalt  }
0x53: {  	_ =	shalt  }
0x54: {  	_ =	shalt  }
0x55: {  	_ =	shalt  }
0x56: {  	_ =	shalt  }
0x57: {  	_ =	shalt  }
0x58: {  	_ =	shalt  }
0x59: {  	_ =	shalt  }
0x5a: {  	_ =	shalt  }
0x5b: {  	_ =	shalt  }
0x5c: {  	_ =	shalt  }
0x5d: {  	_ =	shalt  }
0x5e: {  	_ =	shalt  }
0x5f: {  	_ =	shalt  }
0x60: {  	_ =	shalt  }
0x61: {  	_ =	shalt  }
0x62: {  	_ =	shalt  }
0x63: {  	_ =	shalt  }
0x64: {  	_ =	shalt  }
0x65: {  	_ =	shalt  }
0x66: {  	_ =	shalt  }
0x67: {  	_ =	shalt  }
0x68: {  	_ =	shalt  }
0x69: {  	_ =	shalt  }
0x6a: {  	_ =	shalt  }
0x6b: {  	_ =	shalt  }
0x6c: {  	_ =	shalt  }
0x6d: {  	_ =	shalt  }
0x6e: {  	_ =	shalt  }
0x6f: {  	_ =	shalt  }
0x70: {  	_ =	shalt  }
0x71: {  	_ =	shalt  }
0x72: {  	_ =	shalt  }
0x73: {  	_ =	shalt  }
0x74: {  	_ =	shalt  }
0x75: {  	_ =	shalt  }
0x76: {  	_ =	shalt  }
0x77: {  	_ =	shalt  }
0x78: {  	_ =	shalt  }
0x79: {  	_ =	shalt  }
0x7a: {  	_ =	shalt  }
0x7b: {  	_ =	shalt  }
0x7c: {  	_ =	shalt  }
0x7d: {  	_ =	shalt  }
0x7e: {  	_ =	shalt  }
0x7f: {  	_ =	shalt  }
0x80: {  	_ =	shalt  }
0x81: {  	_ =	shalt  }
0x82: {  	_ =	shalt  }
0x83: {  	_ =	shalt  }
0x84: {  	_ =	shalt  }
0x85: {  	_ =	shalt  }
0x86: {  	_ =	shalt  }
0x87: {  	_ =	shalt  }
.Lfunc_end0:
.L_simem_size_0:
called_computation_lowered:
.L_overlay_start_0:
0x88: {  	s2 =	sld [smem:$0x3FD9]  }
0x89: {  	s3 =	sld [smem:$0x3FFE];
	_ =	sdelay $0x1  }
0x8a: {  	s1 =	srdreg.scid  }
0x8b: {  	s0 =	sand.u32 $0x1, s1  }
0x8c: {  	s17 =	sshll.u32 s0, $0xA;
	s2 =	sadd.s32 s3, s2  }
0x8d: {  	s2 =	sadd.s32 s2, s17  }
0x8e: {  	[smem:$0x3FC6] =	sst s2  }
0x8f: {  	_ = 	snop  }
0x90: {  	s2 =	sld [smem:$0x3FC8]  }
0x91: {  	s18 =	sld [smem:$0x3FD0];
	(tm) =	ssettm $0x1  }
0x92: {  	s4 =	sld [smem:$0x3FFB];
	_ =	sdelay $0x3  }
0x93: {  	_ =	strace s4  }
0x94: {  	s4 =	sld [smem:$0x3FFC];
	_ =	sdelay $0x3  }
0x95: {  	_ =	strace s4  }
0x96: {  	s4 =	sld [smem:$0x3FFD];
	_ =	sdelay $0x3  }
0x97: {  	_ =	strace s4  }
0x98: {  	_ =	strace $0x8FFFFFFF  }
0x99: {  	s19 =	sld [smem:$0x3FDB];
	_ =	sdelay $0x1  }
0x9a: {  	s5 =	simm.s32 $_scs_section_size  }
0x9b: {  	s6 =	simm.s32 $_size__tile_overlayer_lowered;
	s7 =	simm.s32 $_tile_overlayer_lowered  }
0x9c: {  	s22 =	simm.s32 $0x1BFF;
	s21 =	sshll.u32 s7, $0x1;
	s4 =	sadd.s32 s5, s19  }
0x9d: {  	s8 =	simm.s32 $0x0;
	s20 =	sshll.u32 s6, $0x1;
	s6 =	sadd.s32 s21, s4  }
0x9e: {  	[timem:s8], [sflag:s22] =	dma.local [hbm:s6], s20  }
0x9f: {  	_ =	swait.ge [sflag:s22], s20  }
0xa0: {  	s5 =	ssub.s32 $0x0, s20;
	[sflag:s22] =	ssyncset.done $0x0  }
0xa1: {  	[sflag:s22] =	ssyncadd.s32 s5;
	_ =	sdelay $0x1  }
0xa2: {  	s23 =	simm.s32 $0x1B8B  }
0xa3: {  	_ =	swait.ge [sflag:s23], $0x1  }
0xa4: {  	[sflag:s23] =	ssyncset.done $0x0  }
0xa5: {  	s25 =	simm.s32 $0x1B8E;
	s24 =	sld [smem:$0x3FFE];
	[sflag:s23] =	ssyncadd.s32 $0xFFFFFFFF  }
0xa6: {  	s26 =	simm.s32 $execute0_lowered;
	[smem:$0x3FD2] =	sst s25  }
0xa7: {  	s6 =	sshll.u32 s26, $0x1;
	_ =	strace $0x80000046;
	[dreg:$0x1] =	wrdreg $0xFFFFFFFF  }
0xa8: {  	s28 =	simm.s32 $_size_execute0_lowered;
	s4 =	sadd.s32 s4, s6;
	[dreg:$0x0] =	wrdreg $0x0  }
0xa9: {  	s6 =	sshll.u32 s28, $0x1;
	[dreg:$0x2] =	wrdreg s4  }
0xaa: {  	[dreg:$0x3] =	wrdreg s6  }
0xab: {  	[dreg:$0x4] =	wrdreg $0xC0  }
0xac: {  	_ =	task [dreg:s8], $0x5FFFF  }
0xad: {  	[dreg:$0x1] =	wrdreg $0xFFFFFFFF  }
0xae: {  	[dreg:$0x0] =	wrdreg $0x60  }
0xaf: {  	[dreg:$0x2] =	wrdreg s24  }
0xb0: {  	[dreg:$0x3] =	wrdreg s2  }
0xb1: {  	[dreg:$0x4] =	wrdreg s18  }
0xb2: {  	[dreg:$0x5] =	wrdreg $0x9  }
0xb3: {  	_ =	task.clear_ibuf [dreg:s8], $0x6FFFF;
	_ =	strace $0x90000046  }
0xb4: {  	s29 =	simm.s32 $0x9;
	_ =	strace $0x80000048  }
0xb5: {  	_ =	swait.ge [sflag:s29], $0x1  }
0xb6: {  	[sflag:s29] =	ssyncadd.s32 $0xFFFFFFFF  }
0xb7: {  	_ =	strace $0x90000048  }
0xb8: {  	_ =	sfence  }
0xb9: {  	s30 =	sld [smem:$0x0];
	_ =	sdelay $0x2  }
0xba: {  	s31 =	sshll.u32 s1, $0xD;
	s1 =	sshrl.u32 s1, $0x2  }
0xbb: {  	s3 =	sand.u32 $0x4000, s31;
	s1 =	sadd.s32 s1, s30  }
0xbc: {  	s0 =	sor.u32 s3, s0;
	s1 =	sshll.u32 s1, $0x11  }
0xbd: {  	s0 =	sor.u32 s1, s0  }
0xbe: {  	s0 =	sadd.s32 $0x8F2B, s0  }
0xbf: {  	[sflag:s0] =	ssyncadd.remote.s32 $0x1  }
0xc0: {  	_ =	sfence.sel $0xFFFF  }
0xc1: {  	[dreg:$0x0] =	wrdreg $0xFFFFFFFF;
	(pc) =	sbr.abs _section_cstart, $3  }
0xc2: {  	[dreg:$0x1] =	wrdreg $0xFFFFFFFF  }
0xc3: {  	_ =	task.clear_ibuf [dreg:s8], $0x2FFFF;
	_ =	strace $0x9FFFFFFF  }
0xc4: {  	(tm) =	ssettm $0x7FFFFFFF  }
0xc5: {  	_ =	shalt  }
tec
execute0_lowered:
.L_overlay_start_1:
0x0: {  	(tag) =	ssettag $0x1  }
0x1: {  	s0 =	rddreg [dreg:$0x0]  }
0x2: {  	s1 =	rddreg [dreg:$0x1]  }
0x3: {  	s2 =	rddreg [dreg:$0x2];
	s3 =	simm.s32 $0x0;
	s4 =	srdreg.scid  }
0x4: {  	s8 =	stileid.u32;
	s13 =	simm.s32 $0x80;
	s14 =	simm.s32 $0x400  }
0x5: {  	v0 =	vimm.s32 $0xFEDCBA98;
	s17 =	simm.s32 $0x10100;
	s18 =	simm.s32 $0x1;
	s19 =	simm.s32 $0x3  }
0x6: {  	v1 =	vimm.s32 $0x76543210;
	s20 =	simm.s32 $0x10200;
	s21 =	simm.s32 $0x2;
	s22 =	simm.s32 $0x4;
	v0 =	vunpack.c.l.s4.s8 v0  }
0x7: {  	v2 =	vimm.s32 $0x32107654;
	v3 =	vimm.s32 $0xDCFE98BA;
	s23 =	simm.s32 $0x80000000;
	s24 =	simm.s32 $0x1E200;
	s25 =	simm.s32 $0x5;
	v1 =	vunpack.c.l.s4.s8 v1  }
0x8: {  	v4 =	vimm.s32 $0x54761032;
	v5 =	vimm.s32 $0xEFCDAB89;
	s26 =	simm.s32 $0x0;
	[smem:$0x7FF] =	sst s3;
	s5 =	sand.u32 $0x1, s4;
	v0 =	vunpack.c.0.s8.s32 v0  }
0x9: {  	v6 =	vimm.s32 $0x67452301;
	s6 =	sshll.u32 s8, $0x1;
	s4 =	sadd.s32 $0x400, s0;
	s8 =	sshrl.u32 s8, $0x2;
	v3 =	vunpack.c.l.s4.s8 v3;
	v1 =	vunpack.c.0.s8.s32 v1  }
0xa: {  	v4 =	vunpack.c.l.s4.s8 v4;
	v5 =	vunpack.c.l.s4.s8 v5;
	_ =	strace $0x80000047;
	s30 =	ssub.s32 $0x2, s5;
	s7 =	sor.u32 s5, s6;
	v0 =	vand.u32 $0xF, v0  }
0xb: {  	v6 =	vunpack.c.l.s4.s8 v6;
	s9 =	sshll.u32 s8, $0x12;
	s8 =	sshll.u32 s8, $0xA;
	s6 =	sshll.u32 s7, $0x7;
	v0 =	vcombine.low v0, v1;
	v1 =	vimm.s32 $0xBA98FEDC  }
0xc: {  	v2 =	vunpack.c.l.s4.s8 v2;
	s31 =	sshrl.u32 s30, $0x1;
	s5 =	sshll.u32 s7, $0x16;
	v8 =	vunpack.c.0.s8.s32 v3;
	s10 =	sand.u32 $0x380, s6;
	v1 =	vunpack.c.l.s4.s8 v1  }
0xd: {  	s7 =	sshll.u32 s7, $0x13;
	v4 =	vunpack.c.0.s8.s32 v4;
	v9 =	vunpack.c.0.s8.s32 v5;
	v6 =	vunpack.c.0.s8.s32 v6;
	s0 =	ssub.s32 s30, s31;
	s6 =	sor.u32 s9, s10  }
0xe: {  	v2 =	vunpack.c.0.s8.s32 v2;
	v3 =	vlaneseq.u32;
	s7 =	sadd.s32 s4, s7;
	s10 =	sor.u32 s8, s10;
	s9 =	sshrl.u32 s6, $0x3;
	v7 =	vunpack.c.0.s8.s32 v1  }
0xf: {  	v5 =	vor.u32 $0x10, v3;
	s12 =	smax.u32 s0, $0x1;
	v4 =	vcombine.low v4, v8;
	v6 =	vcombine.low v6, v9;
	s11 =	sshrl.u32 s10, $0x3;
	s8 =	sadd.s32 s1, s9  }
0x10: {  	s9 =	sadd.s32 $0x1000, s7;
	s11 =	sadd.s32 s2, s11;
	s10 =	sadd.s32 $0x100, s8;
	v1 =	vimm.s32 $0x0;
	v2 =	vcombine.low v2, v7;
	v7 =	vimm.f32 $-0.0e+00  }
.LBB2_1:
0x11: {  	[tilespmem:s3], [sflag:$0x1] =	stream.linear.gather [hbm4b:s7+s3], $0x8000, $0x38;
	[tilespmem:$0x1E280] =	vst v63  }
0x12: {  	s0 =	simm.s32 $0x10000  }
0x13: {  	[tilespmem:s0], [sflag:$0x3] =	stream.strided.gather [hbm4b:s8+s13], $0x100, s14, s13, $0x38;
	[tilespmem:$0x1E280] =	vst v63  }
.Ltmp0:
0x14: {  	_ = 	snop;
	(pc) =	sbr.rel .LBB2_2-.Ltmp0, $4  }
0x15: {  	s31 =	simm.s32 $0x8000  }
0x16: {  	[tilespmem:s31], [sflag:$0x2] =	stream.linear.gather [hbm4b:s9+s3], $0x8000, $0x38;
	[tilespmem:$0x1E280] =	vst v63  }
0x17: {  	v9 =	vimm.f32 $-Inf;
	v8 =	vimm.s32 $0x0;
	s28 =	simm.s32 $0x0  }
0x18: {  	v12 =	vimm.s32 $0x0;
	v13 =	vimm.s32 $0x0;
	v10 =	vimm.f32 $-Inf;
	[tilespmem:s17], [sflag:$0x4] =	stream.strided.gather [hbm4b:s10+s13], $0x100, s14, s13, $0x38;
	[tilespmem:$0x1E280] =	vst v63  }
.LBB2_21:
0x19: {  	_ =	sdelay $0x4  }
0x1a: {  	[tilespmem:v22+s20+$0x0] =	vst.idx.msk vm0, v17;
	v10 =	vmax.f32 v10, v14  }
0x1b: {  	v9 =	vmax.f32 v9, v13;
	v11 =	vmov v19;
	v12 =	vmov v20;
	[tilespmem:v18+s20+$0x0] =	vst.idx.msk vm1, v15  }
.LBB2_22:
0x1c: {  	s28 =	sadd.s32 $0x1, s28  }
0x1d: {  	p0 =	sne.s32 s28, $0x40  }
.Ltmp1:
0x1e: {  	_ = 	snop;
	(pc) =	sbr.rel @!p0 .LBB2_23-.Ltmp1, $2  }
0x1f: {  	_ =	sdelay $0x2  }
0x20: {  	v13 =	vshll.u32 v11, $0x5;
	v12 =	vshll.u32 v12, $0x5  }
.LBB2_2:
0x21: {  	_ =	swait.ge [sflag:s18], $0x8000  }
0x22: {  	[sflag:s18] =	ssyncset.done $0x0  }
0x23: {  	[sflag:s18] =	ssyncadd.s32 $0xFFFF8000  }
0x24: {  	_ =	swait.ge [sflag:s19], $0x100  }
0x25: {  	[sflag:s19] =	ssyncset.done $0x0  }
0x26: {  	s29 =	simm.s32 $0x0;
	s30 =	simm.s32 $0x400;
	[sflag:s19] =	ssyncadd.s32 $0xFFFFFF00  }
.LBB2_3:
0x27: {  	s0 =	sshra.s32 s29, $0x2  }
0x28: {  	v11 =	vld [tilespmem:s0+$0x10000];
	_ =	sdelay $0x1  }
0x29: {  	v14 =	vld [tilespmem:s30+$0xFFFFFC00]  }
0x2a: {  	v15 =	vld [tilespmem:s30+$0xFFFFFC10];
	_ =	sdelay $0x1  }
0x2b: {  	v16 =	vbroadcast v11, $0x0;
	_ =	sdelay $0x1  }
0x2c: {  	v14 =	vmin.f32 v14, v16  }
0x2d: {  	v15 =	vmin.f32 v15, v16;
	vm0 =	vgt.f32 v14, v10  }
0x2e: {  	v47 =	vadd.s32 v3, v13;
	vm1 =	vgt.f32 v15, v9  }
0x2f: {  	v17 =	vadd.s32 v5, v12;
	_ =	sdelay $0x3  }
0x30: {  	[tilespmem:v47+s20+$0x0] =	vst.idx.msk vm0, v14  }
0x31: {  	[tilespmem:v17+s20+$0x0] =	vst.idx.msk vm1, v15  }
0x32: {  	v14 =	vld [tilespmem:s30+$0xFFFFFC80]  }
0x33: {  	v15 =	vld [tilespmem:s30+$0xFFFFFC90];
	_ =	sdelay $0x1  }
0x34: {  	v48 =	vbroadcast v11, $0x1;
	_ =	sdelay $0x1  }
0x35: {  	v49 =	vsel vm0, $0x20, v1;
	v50 =	vsel vm1, $0x20, v1;
	v14 =	vmin.f32 v14, v48  }
0x36: {  	v13 =	vadd.s32 v13, v49;
	v15 =	vmin.f32 v15, v48;
	vm8 =	vgt.f32 v14, v10  }
0x37: {  	v12 =	vadd.s32 v12, v50;
	v51 =	vadd.s32 v3, v13;
	vm9 =	vgt.f32 v15, v9  }
0x38: {  	v17 =	vadd.s32 v5, v12;
	_ =	sdelay $0x3  }
0x39: {  	[tilespmem:v51+s20+$0x0] =	vst.idx.msk vm8, v14  }
0x3a: {  	[tilespmem:v17+s20+$0x0] =	vst.idx.msk vm9, v15  }
0x3b: {  	v14 =	vld [tilespmem:s30+$0xFFFFFD00]  }
0x3c: {  	v15 =	vld [tilespmem:s30+$0xFFFFFD10];
	_ =	sdelay $0x1  }
0x3d: {  	v52 =	vbroadcast v11, $0x2;
	_ =	sdelay $0x1  }
0x3e: {  	v53 =	vsel vm8, $0x20, v1;
	v54 =	vsel vm9, $0x20, v1;
	v14 =	vmin.f32 v14, v52  }
0x3f: {  	v13 =	vadd.s32 v13, v53;
	v15 =	vmin.f32 v15, v52;
	vm10 =	vgt.f32 v14, v10  }
0x40: {  	v12 =	vadd.s32 v12, v54;
	v55 =	vadd.s32 v3, v13;
	vm11 =	vgt.f32 v15, v9  }
0x41: {  	v17 =	vadd.s32 v5, v12;
	_ =	sdelay $0x3  }
0x42: {  	[tilespmem:v55+s20+$0x0] =	vst.idx.msk vm10, v14  }
0x43: {  	[tilespmem:v17+s20+$0x0] =	vst.idx.msk vm11, v15  }
0x44: {  	v14 =	vld [tilespmem:s30+$0xFFFFFD80]  }
0x45: {  	v15 =	vld [tilespmem:s30+$0xFFFFFD90];
	_ =	sdelay $0x1  }
0x46: {  	v56 =	vbroadcast v11, $0x3;
	_ =	sdelay $0x1  }
0x47: {  	v57 =	vsel vm10, $0x20, v1;
	v58 =	vsel vm11, $0x20, v1;
	v14 =	vmin.f32 v14, v56  }
0x48: {  	v13 =	vadd.s32 v13, v57;
	v15 =	vmin.f32 v15, v56;
	vm12 =	vgt.f32 v14, v10  }
0x49: {  	v12 =	vadd.s32 v12, v58;
	v59 =	vadd.s32 v3, v13;
	vm13 =	vgt.f32 v15, v9  }
0x4a: {  	v17 =	vadd.s32 v5, v12;
	_ =	sdelay $0x3  }
0x4b: {  	[tilespmem:v59+s20+$0x0] =	vst.idx.msk vm12, v14  }
0x4c: {  	[tilespmem:v17+s20+$0x0] =	vst.idx.msk vm13, v15  }
0x4d: {  	v14 =	vld [tilespmem:s30+$0xFFFFFE00]  }
0x4e: {  	v15 =	vld [tilespmem:s30+$0xFFFFFE10];
	_ =	sdelay $0x1  }
0x4f: {  	v60 =	vbroadcast v11, $0x4;
	_ =	sdelay $0x1  }
0x50: {  	v61 =	vsel vm12, $0x20, v1;
	v62 =	vsel vm13, $0x20, v1;
	v14 =	vmin.f32 v14, v60  }
0x51: {  	v13 =	vadd.s32 v13, v61;
	v15 =	vmin.f32 v15, v60;
	vm14 =	vgt.f32 v14, v10  }
0x52: {  	v12 =	vadd.s32 v12, v62;
	v63 =	vadd.s32 v3, v13;
	vm15 =	vgt.f32 v15, v9  }
0x53: {  	v17 =	vadd.s32 v5, v12;
	_ =	sdelay $0x3  }
0x54: {  	[tilespmem:v63+s20+$0x0] =	vst.idx.msk vm14, v14  }
0x55: {  	[tilespmem:v17+s20+$0x0] =	vst.idx.msk vm15, v15  }
0x56: {  	v14 =	vld [tilespmem:s30+$0xFFFFFE80]  }
0x57: {  	v15 =	vld [tilespmem:s30+$0xFFFFFE90];
	_ =	sdelay $0x1  }
0x58: {  	v20 =	vbroadcast v11, $0x5;
	_ =	sdelay $0x1  }
0x59: {  	v21 =	vsel vm14, $0x20, v1;
	v22 =	vsel vm15, $0x20, v1;
	v14 =	vmin.f32 v14, v20  }
0x5a: {  	v13 =	vadd.s32 v13, v21;
	v15 =	vmin.f32 v15, v20;
	vm4 =	vgt.f32 v14, v10  }
0x5b: {  	v12 =	vadd.s32 v12, v22;
	v23 =	vadd.s32 v3, v13;
	vm5 =	vgt.f32 v15, v9  }
0x5c: {  	v17 =	vadd.s32 v5, v12;
	_ =	sdelay $0x3  }
0x5d: {  	[tilespmem:v23+s20+$0x0] =	vst.idx.msk vm4, v14  }
0x5e: {  	[tilespmem:v17+s20+$0x0] =	vst.idx.msk vm5, v15  }
0x5f: {  	v14 =	vld [tilespmem:s30+$0xFFFFFF00]  }
0x60: {  	v15 =	vld [tilespmem:s30+$0xFFFFFF10];
	_ =	sdelay $0x1  }
0x61: {  	v24 =	vbroadcast v11, $0x6;
	_ =	sdelay $0x1  }
0x62: {  	v25 =	vsel vm4, $0x20, v1;
	v26 =	vsel vm5, $0x20, v1;
	v14 =	vmin.f32 v14, v24  }
0x63: {  	v13 =	vadd.s32 v13, v25;
	v15 =	vmin.f32 v15, v24;
	vm6 =	vgt.f32 v14, v10  }
0x64: {  	v12 =	vadd.s32 v12, v26;
	v27 =	vadd.s32 v3, v13;
	vm7 =	vgt.f32 v15, v9  }
0x65: {  	v17 =	vadd.s32 v5, v12;
	_ =	sdelay $0x3  }
0x66: {  	[tilespmem:v27+s20+$0x0] =	vst.idx.msk vm6, v14  }
0x67: {  	[tilespmem:v17+s20+$0x0] =	vst.idx.msk vm7, v15  }
0x68: {  	v14 =	vld [tilespmem:s30+$0xFFFFFF80]  }
0x69: {  	v15 =	vld [tilespmem:s30+$0xFFFFFF90];
	_ =	sdelay $0x1  }
0x6a: {  	v28 =	vbroadcast v11, $0x7;
	_ =	sdelay $0x1  }
0x6b: {  	v29 =	vsel vm6, $0x20, v1;
	v30 =	vsel vm7, $0x20, v1;
	v14 =	vmin.f32 v14, v28  }
0x6c: {  	v13 =	vadd.s32 v13, v29;
	v15 =	vmin.f32 v15, v28;
	vm8 =	vgt.f32 v14, v10  }
0x6d: {  	v12 =	vadd.s32 v12, v30;
	v31 =	vadd.s32 v3, v13;
	vm9 =	vgt.f32 v15, v9  }
0x6e: {  	v17 =	vadd.s32 v5, v12;
	_ =	sdelay $0x3  }
0x6f: {  	[tilespmem:v31+s20+$0x0] =	vst.idx.msk vm8, v14  }
0x70: {  	[tilespmem:v17+s20+$0x0] =	vst.idx.msk vm9, v15  }
0x71: {  	v14 =	vld [tilespmem:s30+$0x0]  }
0x72: {  	v15 =	vld [tilespmem:s30+$0x10];
	_ =	sdelay $0x1  }
0x73: {  	v32 =	vbroadcast v11, $0x8;
	_ =	sdelay $0x1  }
0x74: {  	v33 =	vsel vm8, $0x20, v1;
	v34 =	vsel vm9, $0x20, v1;
	v14 =	vmin.f32 v14, v32  }
0x75: {  	v13 =	vadd.s32 v13, v33;
	v15 =	vmin.f32 v15, v32;
	vm10 =	vgt.f32 v14, v10  }
0x76: {  	v12 =	vadd.s32 v12, v34;
	v35 =	vadd.s32 v3, v13;
	vm11 =	vgt.f32 v15, v9  }
0x77: {  	v17 =	vadd.s32 v5, v12;
	_ =	sdelay $0x3  }
0x78: {  	[tilespmem:v35+s20+$0x0] =	vst.idx.msk vm10, v14  }
0x79: {  	[tilespmem:v17+s20+$0x0] =	vst.idx.msk vm11, v15  }
0x7a: {  	v14 =	vld [tilespmem:s30+$0x80]  }
0x7b: {  	v15 =	vld [tilespmem:s30+$0x90];
	_ =	sdelay $0x1  }
0x7c: {  	v36 =	vbroadcast v11, $0x9;
	_ =	sdelay $0x1  }
0x7d: {  	v37 =	vsel vm10, $0x20, v1;
	v38 =	vsel vm11, $0x20, v1;
	v14 =	vmin.f32 v14, v36  }
0x7e: {  	v13 =	vadd.s32 v13, v37;
	v15 =	vmin.f32 v15, v36;
	vm12 =	vgt.f32 v14, v10  }
0x7f: {  	v12 =	vadd.s32 v12, v38;
	v39 =	vadd.s32 v3, v13;
	vm13 =	vgt.f32 v15, v9  }
0x80: {  	v17 =	vadd.s32 v5, v12;
	_ =	sdelay $0x3  }
0x81: {  	[tilespmem:v39+s20+$0x0] =	vst.idx.msk vm12, v14  }
0x82: {  	[tilespmem:v17+s20+$0x0] =	vst.idx.msk vm13, v15  }
0x83: {  	v14 =	vld [tilespmem:s30+$0x100]  }
0x84: {  	v15 =	vld [tilespmem:s30+$0x110];
	_ =	sdelay $0x1  }
0x85: {  	v40 =	vbroadcast v11, $0xA;
	_ =	sdelay $0x1  }
0x86: {  	v41 =	vsel vm12, $0x20, v1;
	v42 =	vsel vm13, $0x20, v1;
	v14 =	vmin.f32 v14, v40  }
0x87: {  	v13 =	vadd.s32 v13, v41;
	v15 =	vmin.f32 v15, v40;
	vm14 =	vgt.f32 v14, v10  }
0x88: {  	v12 =	vadd.s32 v12, v42;
	v43 =	vadd.s32 v3, v13;
	vm15 =	vgt.f32 v15, v9  }
0x89: {  	v17 =	vadd.s32 v5, v12;
	_ =	sdelay $0x3  }
0x8a: {  	[tilespmem:v43+s20+$0x0] =	vst.idx.msk vm14, v14  }
0x8b: {  	[tilespmem:v17+s20+$0x0] =	vst.idx.msk vm15, v15  }
0x8c: {  	v14 =	vld [tilespmem:s30+$0x180]  }
0x8d: {  	v15 =	vld [tilespmem:s30+$0x190];
	_ =	sdelay $0x1  }
0x8e: {  	v44 =	vbroadcast v11, $0xB;
	_ =	sdelay $0x1  }
0x8f: {  	v45 =	vsel vm14, $0x20, v1;
	v46 =	vsel vm15, $0x20, v1;
	v14 =	vmin.f32 v14, v44  }
0x90: {  	v13 =	vadd.s32 v13, v45;
	v15 =	vmin.f32 v15, v44;
	vm4 =	vgt.f32 v14, v10  }
0x91: {  	v12 =	vadd.s32 v12, v46;
	v47 =	vadd.s32 v3, v13;
	vm5 =	vgt.f32 v15, v9  }
0x92: {  	v17 =	vadd.s32 v5, v12;
	_ =	sdelay $0x3  }
0x93: {  	[tilespmem:v47+s20+$0x0] =	vst.idx.msk vm4, v14  }
0x94: {  	[tilespmem:v17+s20+$0x0] =	vst.idx.msk vm5, v15  }
0x95: {  	v14 =	vld [tilespmem:s30+$0x200]  }
0x96: {  	v15 =	vld [tilespmem:s30+$0x210];
	_ =	sdelay $0x1  }
0x97: {  	v48 =	vbroadcast v11, $0xC;
	_ =	sdelay $0x1  }
0x98: {  	v49 =	vsel vm4, $0x20, v1;
	v50 =	vsel vm5, $0x20, v1;
	v14 =	vmin.f32 v14, v48  }
0x99: {  	v13 =	vadd.s32 v13, v49;
	v15 =	vmin.f32 v15, v48;
	vm6 =	vgt.f32 v14, v10  }
0x9a: {  	v12 =	vadd.s32 v12, v50;
	v51 =	vadd.s32 v3, v13;
	vm7 =	vgt.f32 v15, v9  }
0x9b: {  	v17 =	vadd.s32 v5, v12;
	_ =	sdelay $0x3  }
0x9c: {  	[tilespmem:v51+s20+$0x0] =	vst.idx.msk vm6, v14  }
0x9d: {  	[tilespmem:v17+s20+$0x0] =	vst.idx.msk vm7, v15  }
0x9e: {  	v14 =	vld [tilespmem:s30+$0x280]  }
0x9f: {  	v15 =	vld [tilespmem:s30+$0x290];
	_ =	sdelay $0x1  }
0xa0: {  	v52 =	vbroadcast v11, $0xD;
	_ =	sdelay $0x1  }
0xa1: {  	v53 =	vsel vm6, $0x20, v1;
	v54 =	vsel vm7, $0x20, v1;
	v14 =	vmin.f32 v14, v52  }
0xa2: {  	v13 =	vadd.s32 v13, v53;
	v15 =	vmin.f32 v15, v52;
	vm8 =	vgt.f32 v14, v10  }
0xa3: {  	v12 =	vadd.s32 v12, v54;
	v55 =	vadd.s32 v3, v13;
	vm9 =	vgt.f32 v15, v9  }
0xa4: {  	v17 =	vadd.s32 v5, v12;
	_ =	sdelay $0x3  }
0xa5: {  	[tilespmem:v55+s20+$0x0] =	vst.idx.msk vm8, v14  }
0xa6: {  	[tilespmem:v17+s20+$0x0] =	vst.idx.msk vm9, v15  }
0xa7: {  	v14 =	vld [tilespmem:s30+$0x300]  }
0xa8: {  	v15 =	vld [tilespmem:s30+$0x310];
	_ =	sdelay $0x1  }
0xa9: {  	v56 =	vbroadcast v11, $0xE;
	_ =	sdelay $0x1  }
0xaa: {  	v57 =	vsel vm8, $0x20, v1;
	v58 =	vsel vm9, $0x20, v1;
	v14 =	vmin.f32 v14, v56  }
0xab: {  	v13 =	vadd.s32 v13, v57;
	v15 =	vmin.f32 v15, v56;
	vm10 =	vgt.f32 v14, v10  }
0xac: {  	v12 =	vadd.s32 v12, v58;
	v59 =	vadd.s32 v3, v13;
	vm11 =	vgt.f32 v15, v9  }
0xad: {  	v17 =	vadd.s32 v5, v12;
	_ =	sdelay $0x3  }
0xae: {  	[tilespmem:v59+s20+$0x0] =	vst.idx.msk vm10, v14  }
0xaf: {  	[tilespmem:v17+s20+$0x0] =	vst.idx.msk vm11, v15  }
0xb0: {  	v14 =	vld [tilespmem:s30+$0x380]  }
0xb1: {  	v15 =	vld [tilespmem:s30+$0x390];
	_ =	sdelay $0x1  }
0xb2: {  	v60 =	vbroadcast v11, $0xF;
	_ =	sdelay $0x1  }
0xb3: {  	v61 =	vsel vm10, $0x20, v1;
	v62 =	vsel vm11, $0x20, v1;
	v14 =	vmin.f32 v14, v60  }
0xb4: {  	v13 =	vadd.s32 v13, v61;
	v15 =	vmin.f32 v15, v60;
	vm12 =	vgt.f32 v14, v10  }
0xb5: {  	v12 =	vadd.s32 v12, v62;
	v63 =	vadd.s32 v3, v13;
	vm13 =	vgt.f32 v15, v9  }
0xb6: {  	p0 =	sne.s32 s29, $0x3C0;
	v17 =	vadd.s32 v5, v12  }
.Ltmp2:
0xb7: {  	_ = 	snop;
	(pc) =	sbr.rel @p0 .LBB2_3-.Ltmp2, $4  }
0xb8: {  	v18 =	vsel vm12, $0x20, v1;
	v19 =	vsel vm13, $0x20, v1  }
0xb9: {  	vm2 =	vgt.f32 v11, $0.0e+00;
	v11 =	vadd.s32 v13, v18;
	v12 =	vadd.s32 v12, v19  }
0xba: {  	v13 =	vsel vm2, $0x1, v1;
	vm14 =	vlt.s32 v11, $0xDDE0;
	vm15 =	vlt.s32 v12, $0xDDE0;
	[tilespmem:v63+s20+$0x0] =	vst.idx.msk vm12, v14  }
0xbb: {  	s29 =	sadd.s32 $0x40, s29;
	s30 =	sadd.s32 $0x800, s30;
	v8 =	vadd.s32 v13, v8;
	v13 =	vnsel vm14, $0xDDE0, v11;
	v12 =	vnsel vm15, $0xDDE0, v12;
	[tilespmem:v17+s20+$0x0] =	vst.idx.msk vm13, v15  }
0xbc: {  	v11 =	vshra.s32 v13, $0x5;
	v12 =	vshra.s32 v12, $0x5  }
0xbd: {  	vm0 =	vgt.s32 v11, v12  }
0xbe: {  	v13 =	vsel vm0, v11, v12  }
0xbf: {  	v14 =	vperm.xlane v13, v0;
	_ =	sdelay $0x1  }
0xc0: {  	vm0 =	vgt.s32 v13, v14  }
0xc1: {  	v13 =	vsel vm0, v13, v14  }
0xc2: {  	v14 =	vperm.xlane v13, v2;
	_ =	sdelay $0x1  }
0xc3: {  	vm0 =	vgt.s32 v13, v14  }
0xc4: {  	v13 =	vsel vm0, v13, v14  }
0xc5: {  	v14 =	vperm.xlane v13, v4;
	_ =	sdelay $0x1  }
0xc6: {  	vm0 =	vgt.s32 v13, v14  }
0xc7: {  	v13 =	vsel vm0, v13, v14  }
0xc8: {  	v14 =	vperm.xlane v13, v6;
	_ =	sdelay $0x1  }
0xc9: {  	vm0 =	vgt.s32 v13, v14  }
0xca: {  	v13 =	vsel vm0, v13, v14  }
0xcb: {  	(v2sf) =	vpush v13, $0x0;
	_ =	sdelay $0x5  }
0xcc: {  	s29 =	sshll.u32 s28, $0x1;
	p0 =	seq.s32 s28, $0x3F  }
0xcd: {  	s0 =	sadd.s32 @!p0 $0x2, s29  }
0xce: {  	s2 =	sshll.u32 @!p0 s0, $0xF  }
0xcf: {  	s0 =	sshll.u32 @!p0 s0, $0xB;
	s2 =	sadd.s32 @!p0 s5, s2  }
0xd0: {  	s15 =	simm.s32 @!p0 $0x0;
	s0 =	sadd.s32 @!p0 s6, s0;
	s2 =	sshrl.u32 @!p0 s2, $0x3  }
0xd1: {  	s30 =	simm.s32 @!p0 $0x10000;
	s0 =	sshrl.u32 @!p0 s0, $0x3;
	s2 =	sadd.s32 @!p0 s4, s2  }
0xd2: {  	[tilespmem:s15], [sflag:$0x1] =	stream.linear.gather @!p0 [hbm4b:s2+s15], $0x8000, $0x38;
	[tilespmem:$0x1E280] =	vst v63  }
0xd3: {  	s0 =	sadd.s32 @!p0 s1, s0;
	s2 =	simm.s32 @!p0 $0x80;
	s15 =	simm.s32 @!p0 $0x400  }
0xd4: {  	[tilespmem:s30], [sflag:$0x3] =	stream.strided.gather @!p0 [hbm4b:s0+s2], $0x100, s15, s2, $0x38;
	[tilespmem:$0x1E280] =	vst v63  }
0xd5: {  	s30 =	spop (v2sf)  }
0xd6: {  	p1 =	slt.s32 s30, $0x5ED  }
.Ltmp3:
0xd7: {  	_ = 	snop;
	(pc) =	sbr.rel @p1 .LBB2_12-.Ltmp3, $1  }
0xd8: {  	_ =	sdelay $0x3  }
0xd9: {  	s15 =	simm.s32 $0x0;
	v13 =	vimm.f32 $+Inf;
	s31 =	simm.s32 $0x10200;
	v14 =	vimm.f32 $+Inf  }
.LBB2_6:
0xda: {  	v18 =	vmov s31;
	_ =	sdelay $0x3  }
0xdb: {  	s0 =	simm.s32 $0x0  }
0xdc: {  	v16 =	vld.idx.msk [tilespmem:v18+s0+$0x0 ss:$0x1], $0xffff  }
0xdd: {  	v19 =	vld.idx.msk [tilespmem:v18+s0+$0x10 ss:$0x1], $0xffff;
	_ =	sdelay $0x1  }
0xde: {  	v15 =	vimm.f32 $-Inf;
	s2 =	simm.s32 $0x2000;
	v17 =	vimm.f32 $-Inf;
	s0 =	smov.u32 s15  }
.LBB2_7:
0xdf: {  	s16 =	sshra.s32 s2, $0x2;
	v20 =	vmov s0;
	p1 =	sne.s32 s2, $0x36000  }
.Ltmp4:
0xe0: {  	s2 =	sadd.s32 $0x2000, s2;
	v21 =	vmov v16;
	vm0 =	vlt.s32 v20, v11;
	v16 =	vld.idx.msk [tilespmem:v18+s16+$0x0 ss:$0x1], $0xffff;
	(pc) =	sbr.rel @p1 .LBB2_7-.Ltmp4, $3  }
0xe1: {  	vm1 =	vlt.s32 v20, v12;
	v20 =	vmax.f32 v15, v21;
	v21 =	vmax.f32 v17, v19;
	v19 =	vld.idx.msk [tilespmem:v18+s16+$0x10 ss:$0x1], $0xffff  }
0xe2: {  	v15 =	vsel vm0, v20, v15;
	v17 =	vsel vm1, v21, v17;
	_ =	sdelay $0x1  }
0xe3: {  	s0 =	sadd.s32 $0x40, s0  }
0xe4: {  	s15 =	sadd.s32 $0x1, s15  }
0xe5: {  	p1 =	sne.s32 s15, $0x40  }
.Ltmp5:
0xe6: {  	_ = 	snop;
	(pc) =	sbr.rel @p1 .LBB2_6-.Ltmp5, $4  }
0xe7: {  	v18 =	vmov s0;
	v16 =	vmax.f32 v15, v16  }
0xe8: {  	vm0 =	vlt.s32 v18, v11;
	vm1 =	vlt.s32 v18, v12;
	v62 =	vmax.f32 v17, v19  }
0xe9: {  	v15 =	vsel vm0, v16, v15;
	v63 =	vsel vm1, v62, v17  }
0xea: {  	s31 =	sadd.s32 $0x20, s31;
	v14 =	vmin.f32 v14, v15;
	v13 =	vmin.f32 v13, v63  }
0xeb: {  	s31 =	simm.s32 $0x10210  }
0xec: {  	v17 =	vld [tilespmem:s31+$0xFFFFFFF0]  }
0xed: {  	v15 =	vld [tilespmem:s31+$0x0]  }
0xee: {  	s0 =	simm.s32 $0x0  }
0xef: {  	v16 =	vimm.s32 $0x0;
	v19 =	vmov s0  }
0xf0: {  	vm0 =	vlt.s32 v16, $0x40;
	v20 =	vshll.u32 v16, $0x5;
	vm1 =	vlt.s32 v19, v12  }
0xf1: {  	v18 =	vor.u32 v5, v20;
	vm4 =	vlt.s32 v19, v11;
	vm2 =	veq.f32 v17, v14  }
0xf2: {  	p1 =	sne.s32 s30, $0x1;
	vm3 =	vgt.f32 v17, v14;
	vm5 =	veq.f32 v15, v13;
	vm2 =	vmand vm0, vm2  }
.Ltmp6:
0xf3: {  	vm5 =	vmand vm0, vm5;
	vm0 =	vmor vm3, vm2;
	vm3 =	vgt.f32 v15, v13;
	(pc) =	sbr.rel @!p1 .LBB2_11-.Ltmp6, $4  }
0xf4: {  	v22 =	vor.u32 v3, v20;
	vm0 =	vmand vm4, vm0;
	vm3 =	vmor vm3, vm5  }
0xf5: {  	vm2 =	vmand vm4, vm2;
	vm5 =	vmand vm1, vm5;
	vm1 =	vmand vm1, vm3  }
0xf6: {  	v19 =	vsel vm0, $0x1, v1;
	v20 =	vsel vm5, $0x1, v1;
	v23 =	vsel vm1, $0x1, v1  }
0xf7: {  	s0 =	simm.s32 $0x1;
	v19 =	vadd.s32 v19, v16;
	v21 =	vadd.s32 v20, v16;
	v20 =	vadd.s32 v23, v16  }
.LBB2_10:
0xf8: {  	s31 =	sadd.s32 $0x20, s31;
	s2 =	smov.u32 s0;
	s0 =	sadd.s32 $0x1, s0  }
0xf9: {  	v23 =	vsel vm2, $0x1, v1;
	p1 =	sne.s32 s30, s0  }
0xfa: {  	v16 =	vadd.s32 v23, v16;
	[tilespmem:v22+s20+$0x0] =	vst.idx.msk vm0, v17  }
0xfb: {  	[tilespmem:v18+s20+$0x0] =	vst.idx.msk vm1, v15  }
0xfc: {  	v17 =	vld [tilespmem:s31+$0xFFFFFFF0]  }
0xfd: {  	v23 =	vmov s2;
	vm0 =	vlt.s32 v21, $0x40;
	v18 =	vshll.u32 v20, $0x5;
	v15 =	vld [tilespmem:s31+$0x0]  }
0xfe: {  	vm2 =	vlt.s32 v16, $0x40;
	vm1 =	vlt.s32 v23, v12;
	v18 =	vor.u32 v5, v18  }
0xff: {  	v22 =	vshll.u32 v19, $0x5;
	_ =	sdelay $0x1  }
0x100: {  	v22 =	vor.u32 v3, v22;
	vm3 =	veq.f32 v17, v14;
	vm4 =	vgt.f32 v17, v14  }
0x101: {  	vm5 =	vlt.s32 v23, v11;
	vm2 =	vmand vm2, vm3;
	vm3 =	veq.f32 v15, v13  }
.Ltmp7:
0x102: {  	vm3 =	vmand vm0, vm3;
	vm0 =	vmor vm4, vm2;
	vm4 =	vgt.f32 v15, v13;
	(pc) =	sbr.rel @p1 .LBB2_10-.Ltmp7, $4  }
0x103: {  	vm6 =	vmand vm1, vm3;
	vm0 =	vmand vm5, vm0;
	vm3 =	vmor vm4, vm3  }
0x104: {  	vm1 =	vmand vm1, vm3;
	v23 =	vsel vm0, $0x1, v1;
	v24 =	vsel vm6, $0x1, v1  }
0x105: {  	v19 =	vadd.s32 v23, v19;
	v23 =	vsel vm1, $0x1, v1;
	v21 =	vadd.s32 v24, v21  }
0x106: {  	vm2 =	vmand vm5, vm2;
	v20 =	vadd.s32 v23, v20  }
.LBB2_11:
0x107: {  	_ =	sdelay $0x4  }
0x108: {  	[tilespmem:v22+s20+$0x0] =	vst.idx.msk vm0, v17;
	v10 =	vmax.f32 v10, v14  }
0x109: {  	v9 =	vmax.f32 v9, v13;
	v11 =	vmov v19;
	v12 =	vmov v20;
	[tilespmem:v18+s20+$0x0] =	vst.idx.msk vm1, v15  }
.LBB2_12:
0x10a: {  	_ =	swait.ge [sflag:s21], $0x8000  }
0x10b: {  	[sflag:s21] =	ssyncset.done $0x0  }
0x10c: {  	[sflag:s21] =	ssyncadd.s32 $0xFFFF8000  }
0x10d: {  	_ =	swait.ge [sflag:s22], $0x100  }
0x10e: {  	[sflag:s22] =	ssyncset.done $0x0  }
0x10f: {  	v13 =	vshll.u32 v11, $0x5;
	v12 =	vshll.u32 v12, $0x5;
	s30 =	simm.s32 $0x0;
	s31 =	simm.s32 $0x8400;
	[sflag:s22] =	ssyncadd.s32 $0xFFFFFF00  }
.LBB2_13:
0x110: {  	s0 =	sshra.s32 s30, $0x2  }
0x111: {  	v11 =	vld [tilespmem:s0+$0x10100];
	_ =	sdelay $0x1  }
0x112: {  	v14 =	vld [tilespmem:s31+$0xFFFFFC00]  }
0x113: {  	v15 =	vld [tilespmem:s31+$0xFFFFFC10];
	_ =	sdelay $0x1  }
0x114: {  	v16 =	vbroadcast v11, $0x0;
	_ =	sdelay $0x1  }
0x115: {  	v14 =	vmin.f32 v14, v16  }
0x116: {  	v15 =	vmin.f32 v15, v16;
	vm0 =	vgt.f32 v14, v10  }
0x117: {  	v47 =	vadd.s32 v3, v13;
	vm1 =	vgt.f32 v15, v9  }
0x118: {  	v17 =	vadd.s32 v5, v12;
	_ =	sdelay $0x3  }
0x119: {  	[tilespmem:v47+s20+$0x0] =	vst.idx.msk vm0, v14  }
0x11a: {  	[tilespmem:v17+s20+$0x0] =	vst.idx.msk vm1, v15  }
0x11b: {  	v14 =	vld [tilespmem:s31+$0xFFFFFC80]  }
0x11c: {  	v15 =	vld [tilespmem:s31+$0xFFFFFC90];
	_ =	sdelay $0x1  }
0x11d: {  	v48 =	vbroadcast v11, $0x1;
	_ =	sdelay $0x1  }
0x11e: {  	v49 =	vsel vm0, $0x20, v1;
	v50 =	vsel vm1, $0x20, v1;
	v14 =	vmin.f32 v14, v48  }
0x11f: {  	v13 =	vadd.s32 v13, v49;
	v15 =	vmin.f32 v15, v48;
	vm8 =	vgt.f32 v14, v10  }
0x120: {  	v12 =	vadd.s32 v12, v50;
	v51 =	vadd.s32 v3, v13;
	vm9 =	vgt.f32 v15, v9  }
0x121: {  	v17 =	vadd.s32 v5, v12;
	_ =	sdelay $0x3  }
0x122: {  	[tilespmem:v51+s20+$0x0] =	vst.idx.msk vm8, v14  }
0x123: {  	[tilespmem:v17+s20+$0x0] =	vst.idx.msk vm9, v15  }
0x124: {  	v14 =	vld [tilespmem:s31+$0xFFFFFD00]  }
0x125: {  	v15 =	vld [tilespmem:s31+$0xFFFFFD10];
	_ =	sdelay $0x1  }
0x126: {  	v52 =	vbroadcast v11, $0x2;
	_ =	sdelay $0x1  }
0x127: {  	v53 =	vsel vm8, $0x20, v1;
	v54 =	vsel vm9, $0x20, v1;
	v14 =	vmin.f32 v14, v52  }
0x128: {  	v13 =	vadd.s32 v13, v53;
	v15 =	vmin.f32 v15, v52;
	vm10 =	vgt.f32 v14, v10  }
0x129: {  	v12 =	vadd.s32 v12, v54;
	v55 =	vadd.s32 v3, v13;
	vm11 =	vgt.f32 v15, v9  }
0x12a: {  	v17 =	vadd.s32 v5, v12;
	_ =	sdelay $0x3  }
0x12b: {  	[tilespmem:v55+s20+$0x0] =	vst.idx.msk vm10, v14  }
0x12c: {  	[tilespmem:v17+s20+$0x0] =	vst.idx.msk vm11, v15  }
0x12d: {  	v14 =	vld [tilespmem:s31+$0xFFFFFD80]  }
0x12e: {  	v15 =	vld [tilespmem:s31+$0xFFFFFD90];
	_ =	sdelay $0x1  }
0x12f: {  	v56 =	vbroadcast v11, $0x3;
	_ =	sdelay $0x1  }
0x130: {  	v57 =	vsel vm10, $0x20, v1;
	v58 =	vsel vm11, $0x20, v1;
	v14 =	vmin.f32 v14, v56  }
0x131: {  	v13 =	vadd.s32 v13, v57;
	v15 =	vmin.f32 v15, v56;
	vm12 =	vgt.f32 v14, v10  }
0x132: {  	v12 =	vadd.s32 v12, v58;
	v59 =	vadd.s32 v3, v13;
	vm13 =	vgt.f32 v15, v9  }
0x133: {  	v17 =	vadd.s32 v5, v12;
	_ =	sdelay $0x3  }
0x134: {  	[tilespmem:v59+s20+$0x0] =	vst.idx.msk vm12, v14  }
0x135: {  	[tilespmem:v17+s20+$0x0] =	vst.idx.msk vm13, v15  }
0x136: {  	v14 =	vld [tilespmem:s31+$0xFFFFFE00]  }
0x137: {  	v15 =	vld [tilespmem:s31+$0xFFFFFE10];
	_ =	sdelay $0x1  }
0x138: {  	v60 =	vbroadcast v11, $0x4;
	_ =	sdelay $0x1  }
0x139: {  	v61 =	vsel vm12, $0x20, v1;
	v62 =	vsel vm13, $0x20, v1;
	v14 =	vmin.f32 v14, v60  }
0x13a: {  	v13 =	vadd.s32 v13, v61;
	v15 =	vmin.f32 v15, v60;
	vm14 =	vgt.f32 v14, v10  }
0x13b: {  	v12 =	vadd.s32 v12, v62;
	v63 =	vadd.s32 v3, v13;
	vm15 =	vgt.f32 v15, v9  }
0x13c: {  	v17 =	vadd.s32 v5, v12;
	_ =	sdelay $0x3  }
0x13d: {  	[tilespmem:v63+s20+$0x0] =	vst.idx.msk vm14, v14  }
0x13e: {  	[tilespmem:v17+s20+$0x0] =	vst.idx.msk vm15, v15  }
0x13f: {  	v14 =	vld [tilespmem:s31+$0xFFFFFE80]  }
0x140: {  	v15 =	vld [tilespmem:s31+$0xFFFFFE90];
	_ =	sdelay $0x1  }
0x141: {  	v20 =	vbroadcast v11, $0x5;
	_ =	sdelay $0x1  }
0x142: {  	v21 =	vsel vm14, $0x20, v1;
	v22 =	vsel vm15, $0x20, v1;
	v14 =	vmin.f32 v14, v20  }
0x143: {  	v13 =	vadd.s32 v13, v21;
	v15 =	vmin.f32 v15, v20;
	vm4 =	vgt.f32 v14, v10  }
0x144: {  	v12 =	vadd.s32 v12, v22;
	v23 =	vadd.s32 v3, v13;
	vm5 =	vgt.f32 v15, v9  }
0x145: {  	v17 =	vadd.s32 v5, v12;
	_ =	sdelay $0x3  }
0x146: {  	[tilespmem:v23+s20+$0x0] =	vst.idx.msk vm4, v14  }
0x147: {  	[tilespmem:v17+s20+$0x0] =	vst.idx.msk vm5, v15  }
0x148: {  	v14 =	vld [tilespmem:s31+$0xFFFFFF00]  }
0x149: {  	v15 =	vld [tilespmem:s31+$0xFFFFFF10];
	_ =	sdelay $0x1  }
0x14a: {  	v24 =	vbroadcast v11, $0x6;
	_ =	sdelay $0x1  }
0x14b: {  	v25 =	vsel vm4, $0x20, v1;
	v26 =	vsel vm5, $0x20, v1;
	v14 =	vmin.f32 v14, v24  }
0x14c: {  	v13 =	vadd.s32 v13, v25;
	v15 =	vmin.f32 v15, v24;
	vm6 =	vgt.f32 v14, v10  }
0x14d: {  	v12 =	vadd.s32 v12, v26;
	v27 =	vadd.s32 v3, v13;
	vm7 =	vgt.f32 v15, v9  }
0x14e: {  	v17 =	vadd.s32 v5, v12;
	_ =	sdelay $0x3  }
0x14f: {  	[tilespmem:v27+s20+$0x0] =	vst.idx.msk vm6, v14  }
0x150: {  	[tilespmem:v17+s20+$0x0] =	vst.idx.msk vm7, v15  }
0x151: {  	v14 =	vld [tilespmem:s31+$0xFFFFFF80]  }
0x152: {  	v15 =	vld [tilespmem:s31+$0xFFFFFF90];
	_ =	sdelay $0x1  }
0x153: {  	v28 =	vbroadcast v11, $0x7;
	_ =	sdelay $0x1  }
0x154: {  	v29 =	vsel vm6, $0x20, v1;
	v30 =	vsel vm7, $0x20, v1;
	v14 =	vmin.f32 v14, v28  }
0x155: {  	v13 =	vadd.s32 v13, v29;
	v15 =	vmin.f32 v15, v28;
	vm8 =	vgt.f32 v14, v10  }
0x156: {  	v12 =	vadd.s32 v12, v30;
	v31 =	vadd.s32 v3, v13;
	vm9 =	vgt.f32 v15, v9  }
0x157: {  	v17 =	vadd.s32 v5, v12;
	_ =	sdelay $0x3  }
0x158: {  	[tilespmem:v31+s20+$0x0] =	vst.idx.msk vm8, v14  }
0x159: {  	[tilespmem:v17+s20+$0x0] =	vst.idx.msk vm9, v15  }
0x15a: {  	v14 =	vld [tilespmem:s31+$0x0]  }
0x15b: {  	v15 =	vld [tilespmem:s31+$0x10];
	_ =	sdelay $0x1  }
0x15c: {  	v32 =	vbroadcast v11, $0x8;
	_ =	sdelay $0x1  }
0x15d: {  	v33 =	vsel vm8, $0x20, v1;
	v34 =	vsel vm9, $0x20, v1;
	v14 =	vmin.f32 v14, v32  }
0x15e: {  	v13 =	vadd.s32 v13, v33;
	v15 =	vmin.f32 v15, v32;
	vm10 =	vgt.f32 v14, v10  }
0x15f: {  	v12 =	vadd.s32 v12, v34;
	v35 =	vadd.s32 v3, v13;
	vm11 =	vgt.f32 v15, v9  }
0x160: {  	v17 =	vadd.s32 v5, v12;
	_ =	sdelay $0x3  }
0x161: {  	[tilespmem:v35+s20+$0x0] =	vst.idx.msk vm10, v14  }
0x162: {  	[tilespmem:v17+s20+$0x0] =	vst.idx.msk vm11, v15  }
0x163: {  	v14 =	vld [tilespmem:s31+$0x80]  }
0x164: {  	v15 =	vld [tilespmem:s31+$0x90];
	_ =	sdelay $0x1  }
0x165: {  	v36 =	vbroadcast v11, $0x9;
	_ =	sdelay $0x1  }
0x166: {  	v37 =	vsel vm10, $0x20, v1;
	v38 =	vsel vm11, $0x20, v1;
	v14 =	vmin.f32 v14, v36  }
0x167: {  	v13 =	vadd.s32 v13, v37;
	v15 =	vmin.f32 v15, v36;
	vm12 =	vgt.f32 v14, v10  }
0x168: {  	v12 =	vadd.s32 v12, v38;
	v39 =	vadd.s32 v3, v13;
	vm13 =	vgt.f32 v15, v9  }
0x169: {  	v17 =	vadd.s32 v5, v12;
	_ =	sdelay $0x3  }
0x16a: {  	[tilespmem:v39+s20+$0x0] =	vst.idx.msk vm12, v14  }
0x16b: {  	[tilespmem:v17+s20+$0x0] =	vst.idx.msk vm13, v15  }
0x16c: {  	v14 =	vld [tilespmem:s31+$0x100]  }
0x16d: {  	v15 =	vld [tilespmem:s31+$0x110];
	_ =	sdelay $0x1  }
0x16e: {  	v40 =	vbroadcast v11, $0xA;
	_ =	sdelay $0x1  }
0x16f: {  	v41 =	vsel vm12, $0x20, v1;
	v42 =	vsel vm13, $0x20, v1;
	v14 =	vmin.f32 v14, v40  }
0x170: {  	v13 =	vadd.s32 v13, v41;
	v15 =	vmin.f32 v15, v40;
	vm14 =	vgt.f32 v14, v10  }
0x171: {  	v12 =	vadd.s32 v12, v42;
	v43 =	vadd.s32 v3, v13;
	vm15 =	vgt.f32 v15, v9  }
0x172: {  	v17 =	vadd.s32 v5, v12;
	_ =	sdelay $0x3  }
0x173: {  	[tilespmem:v43+s20+$0x0] =	vst.idx.msk vm14, v14  }
0x174: {  	[tilespmem:v17+s20+$0x0] =	vst.idx.msk vm15, v15  }
0x175: {  	v14 =	vld [tilespmem:s31+$0x180]  }
0x176: {  	v15 =	vld [tilespmem:s31+$0x190];
	_ =	sdelay $0x1  }
0x177: {  	v44 =	vbroadcast v11, $0xB;
	_ =	sdelay $0x1  }
0x178: {  	v45 =	vsel vm14, $0x20, v1;
	v46 =	vsel vm15, $0x20, v1;
	v14 =	vmin.f32 v14, v44  }
0x179: {  	v13 =	vadd.s32 v13, v45;
	v15 =	vmin.f32 v15, v44;
	vm4 =	vgt.f32 v14, v10  }
0x17a: {  	v12 =	vadd.s32 v12, v46;
	v47 =	vadd.s32 v3, v13;
	vm5 =	vgt.f32 v15, v9  }
0x17b: {  	v17 =	vadd.s32 v5, v12;
	_ =	sdelay $0x3  }
0x17c: {  	[tilespmem:v47+s20+$0x0] =	vst.idx.msk vm4, v14  }
0x17d: {  	[tilespmem:v17+s20+$0x0] =	vst.idx.msk vm5, v15  }
0x17e: {  	v14 =	vld [tilespmem:s31+$0x200]  }
0x17f: {  	v15 =	vld [tilespmem:s31+$0x210];
	_ =	sdelay $0x1  }
0x180: {  	v48 =	vbroadcast v11, $0xC;
	_ =	sdelay $0x1  }
0x181: {  	v49 =	vsel vm4, $0x20, v1;
	v50 =	vsel vm5, $0x20, v1;
	v14 =	vmin.f32 v14, v48  }
0x182: {  	v13 =	vadd.s32 v13, v49;
	v15 =	vmin.f32 v15, v48;
	vm6 =	vgt.f32 v14, v10  }
0x183: {  	v12 =	vadd.s32 v12, v50;
	v51 =	vadd.s32 v3, v13;
	vm7 =	vgt.f32 v15, v9  }
0x184: {  	v17 =	vadd.s32 v5, v12;
	_ =	sdelay $0x3  }
0x185: {  	[tilespmem:v51+s20+$0x0] =	vst.idx.msk vm6, v14  }
0x186: {  	[tilespmem:v17+s20+$0x0] =	vst.idx.msk vm7, v15  }
0x187: {  	v14 =	vld [tilespmem:s31+$0x280]  }
0x188: {  	v15 =	vld [tilespmem:s31+$0x290];
	_ =	sdelay $0x1  }
0x189: {  	v52 =	vbroadcast v11, $0xD;
	_ =	sdelay $0x1  }
0x18a: {  	v53 =	vsel vm6, $0x20, v1;
	v54 =	vsel vm7, $0x20, v1;
	v14 =	vmin.f32 v14, v52  }
0x18b: {  	v13 =	vadd.s32 v13, v53;
	v15 =	vmin.f32 v15, v52;
	vm8 =	vgt.f32 v14, v10  }
0x18c: {  	v12 =	vadd.s32 v12, v54;
	v55 =	vadd.s32 v3, v13;
	vm9 =	vgt.f32 v15, v9  }
0x18d: {  	v17 =	vadd.s32 v5, v12;
	_ =	sdelay $0x3  }
0x18e: {  	[tilespmem:v55+s20+$0x0] =	vst.idx.msk vm8, v14  }
0x18f: {  	[tilespmem:v17+s20+$0x0] =	vst.idx.msk vm9, v15  }
0x190: {  	v14 =	vld [tilespmem:s31+$0x300]  }
0x191: {  	v15 =	vld [tilespmem:s31+$0x310];
	_ =	sdelay $0x1  }
0x192: {  	v56 =	vbroadcast v11, $0xE;
	_ =	sdelay $0x1  }
0x193: {  	v57 =	vsel vm8, $0x20, v1;
	v58 =	vsel vm9, $0x20, v1;
	v14 =	vmin.f32 v14, v56  }
0x194: {  	v13 =	vadd.s32 v13, v57;
	v15 =	vmin.f32 v15, v56;
	vm10 =	vgt.f32 v14, v10  }
0x195: {  	v12 =	vadd.s32 v12, v58;
	v59 =	vadd.s32 v3, v13;
	vm11 =	vgt.f32 v15, v9  }
0x196: {  	v17 =	vadd.s32 v5, v12;
	_ =	sdelay $0x3  }
0x197: {  	[tilespmem:v59+s20+$0x0] =	vst.idx.msk vm10, v14  }
0x198: {  	[tilespmem:v17+s20+$0x0] =	vst.idx.msk vm11, v15  }
0x199: {  	v14 =	vld [tilespmem:s31+$0x380]  }
0x19a: {  	v15 =	vld [tilespmem:s31+$0x390];
	_ =	sdelay $0x1  }
0x19b: {  	v60 =	vbroadcast v11, $0xF;
	_ =	sdelay $0x1  }
0x19c: {  	v61 =	vsel vm10, $0x20, v1;
	v62 =	vsel vm11, $0x20, v1;
	v14 =	vmin.f32 v14, v60  }
0x19d: {  	v13 =	vadd.s32 v13, v61;
	v15 =	vmin.f32 v15, v60;
	vm12 =	vgt.f32 v14, v10  }
0x19e: {  	v12 =	vadd.s32 v12, v62;
	v63 =	vadd.s32 v3, v13;
	vm13 =	vgt.f32 v15, v9  }
0x19f: {  	p1 =	sne.s32 s30, $0x3C0;
	v17 =	vadd.s32 v5, v12  }
.Ltmp8:
0x1a0: {  	_ = 	snop;
	(pc) =	sbr.rel @p1 .LBB2_13-.Ltmp8, $4  }
0x1a1: {  	v18 =	vsel vm12, $0x20, v1;
	v19 =	vsel vm13, $0x20, v1  }
0x1a2: {  	vm2 =	vgt.f32 v11, $0.0e+00;
	v11 =	vadd.s32 v13, v18;
	v12 =	vadd.s32 v12, v19  }
0x1a3: {  	v13 =	vsel vm2, $0x1, v1;
	vm14 =	vlt.s32 v11, $0xDDE0;
	vm15 =	vlt.s32 v12, $0xDDE0;
	[tilespmem:v63+s20+$0x0] =	vst.idx.msk vm12, v14  }
0x1a4: {  	s30 =	sadd.s32 $0x40, s30;
	s31 =	sadd.s32 $0x800, s31;
	v8 =	vadd.s32 v13, v8;
	v13 =	vnsel vm14, $0xDDE0, v11;
	v12 =	vnsel vm15, $0xDDE0, v12;
	[tilespmem:v17+s20+$0x0] =	vst.idx.msk vm13, v15  }
0x1a5: {  	v11 =	vshra.s32 v13, $0x5;
	v12 =	vshra.s32 v12, $0x5  }
0x1a6: {  	vm0 =	vgt.s32 v11, v12  }
0x1a7: {  	v13 =	vsel vm0, v11, v12  }
0x1a8: {  	v14 =	vperm.xlane v13, v0;
	_ =	sdelay $0x1  }
0x1a9: {  	vm0 =	vgt.s32 v13, v14  }
0x1aa: {  	v13 =	vsel vm0, v13, v14  }
0x1ab: {  	v14 =	vperm.xlane v13, v2;
	_ =	sdelay $0x1  }
0x1ac: {  	vm0 =	vgt.s32 v13, v14  }
0x1ad: {  	v13 =	vsel vm0, v13, v14  }
0x1ae: {  	v14 =	vperm.xlane v13, v4;
	_ =	sdelay $0x1  }
0x1af: {  	vm0 =	vgt.s32 v13, v14  }
0x1b0: {  	v13 =	vsel vm0, v13, v14  }
0x1b1: {  	v14 =	vperm.xlane v13, v6;
	_ =	sdelay $0x1  }
0x1b2: {  	vm0 =	vgt.s32 v13, v14  }
0x1b3: {  	v13 =	vsel vm0, v13, v14  }
0x1b4: {  	(v2sf) =	vpush v13, $0x0;
	_ =	sdelay $0x6  }
0x1b5: {  	s0 =	sadd.s32 @!p0 $0x3, s29  }
0x1b6: {  	s2 =	sshll.u32 @!p0 s0, $0xF;
	s0 =	sshll.u32 @!p0 s0, $0xB  }
0x1b7: {  	s2 =	sadd.s32 @!p0 s5, s2;
	s0 =	sadd.s32 @!p0 s6, s0  }
0x1b8: {  	s15 =	simm.s32 @!p0 $0x0;
	s2 =	sshrl.u32 @!p0 s2, $0x3;
	s0 =	sshrl.u32 @!p0 s0, $0x3  }
0x1b9: {  	s16 =	simm.s32 @!p0 $0x8000;
	s2 =	sadd.s32 @!p0 s4, s2;
	s0 =	sadd.s32 @!p0 s1, s0  }
0x1ba: {  	[tilespmem:s16], [sflag:$0x2] =	stream.linear.gather @!p0 [hbm4b:s2+s15], $0x8000, $0x38;
	[tilespmem:$0x1E280] =	vst v63  }
0x1bb: {  	s2 =	simm.s32 @!p0 $0x80;
	s15 =	simm.s32 @!p0 $0x400;
	s16 =	simm.s32 @!p0 $0x10100  }
0x1bc: {  	[tilespmem:s16], [sflag:$0x4] =	stream.strided.gather @!p0 [hbm4b:s0+s2], $0x100, s15, s2, $0x38;
	[tilespmem:$0x1E280] =	vst v63  }
0x1bd: {  	s29 =	spop (v2sf)  }
0x1be: {  	p0 =	slt.s32 s29, $0x5ED  }
.Ltmp9:
0x1bf: {  	_ = 	snop;
	(pc) =	sbr.rel @p0 .LBB2_22-.Ltmp9, $1  }
0x1c0: {  	_ =	sdelay $0x3  }
0x1c1: {  	s0 =	simm.s32 $0x0;
	v13 =	vimm.f32 $+Inf;
	s30 =	simm.s32 $0x10200;
	v14 =	vimm.f32 $+Inf  }
.LBB2_16:
0x1c2: {  	v18 =	vmov s30;
	_ =	sdelay $0x3  }
0x1c3: {  	s15 =	simm.s32 $0x0  }
0x1c4: {  	v16 =	vld.idx.msk [tilespmem:v18+s15+$0x0 ss:$0x1], $0xffff  }
0x1c5: {  	v19 =	vld.idx.msk [tilespmem:v18+s15+$0x10 ss:$0x1], $0xffff;
	_ =	sdelay $0x1  }
0x1c6: {  	v15 =	vimm.f32 $-Inf;
	s2 =	simm.s32 $0x2000;
	v17 =	vimm.f32 $-Inf;
	s15 =	smov.u32 s0  }
.LBB2_17:
0x1c7: {  	s16 =	sshra.s32 s2, $0x2;
	v20 =	vmov s15;
	p0 =	sne.s32 s2, $0x36000  }
.Ltmp10:
0x1c8: {  	s2 =	sadd.s32 $0x2000, s2;
	v21 =	vmov v16;
	vm0 =	vlt.s32 v20, v11;
	v16 =	vld.idx.msk [tilespmem:v18+s16+$0x0 ss:$0x1], $0xffff;
	(pc) =	sbr.rel @p0 .LBB2_17-.Ltmp10, $3  }
0x1c9: {  	vm1 =	vlt.s32 v20, v12;
	v20 =	vmax.f32 v15, v21;
	v21 =	vmax.f32 v17, v19;
	v19 =	vld.idx.msk [tilespmem:v18+s16+$0x10 ss:$0x1], $0xffff  }
0x1ca: {  	v15 =	vsel vm0, v20, v15;
	v17 =	vsel vm1, v21, v17;
	_ =	sdelay $0x1  }
0x1cb: {  	s15 =	sadd.s32 $0x40, s15  }
0x1cc: {  	s0 =	sadd.s32 $0x1, s0  }
0x1cd: {  	p0 =	sne.s32 s0, $0x40  }
.Ltmp11:
0x1ce: {  	_ = 	snop;
	(pc) =	sbr.rel @p0 .LBB2_16-.Ltmp11, $4  }
0x1cf: {  	v18 =	vmov s15;
	v16 =	vmax.f32 v15, v16  }
0x1d0: {  	vm0 =	vlt.s32 v18, v11;
	vm1 =	vlt.s32 v18, v12;
	v62 =	vmax.f32 v17, v19  }
0x1d1: {  	v15 =	vsel vm0, v16, v15;
	v63 =	vsel vm1, v62, v17  }
0x1d2: {  	s30 =	sadd.s32 $0x20, s30;
	v14 =	vmin.f32 v14, v15;
	v13 =	vmin.f32 v13, v63  }
0x1d3: {  	s30 =	simm.s32 $0x10210  }
0x1d4: {  	v17 =	vld [tilespmem:s30+$0xFFFFFFF0]  }
0x1d5: {  	v15 =	vld [tilespmem:s30+$0x0]  }
0x1d6: {  	s0 =	simm.s32 $0x0  }
0x1d7: {  	v16 =	vimm.s32 $0x0;
	v19 =	vmov s0  }
0x1d8: {  	vm0 =	vlt.s32 v16, $0x40;
	v20 =	vshll.u32 v16, $0x5;
	vm1 =	vlt.s32 v19, v12  }
0x1d9: {  	v18 =	vor.u32 v5, v20;
	vm4 =	vlt.s32 v19, v11;
	vm2 =	veq.f32 v17, v14  }
0x1da: {  	p0 =	sne.s32 s29, $0x1;
	vm3 =	vgt.f32 v17, v14;
	vm5 =	veq.f32 v15, v13;
	vm2 =	vmand vm0, vm2  }
.Ltmp12:
0x1db: {  	vm5 =	vmand vm0, vm5;
	vm0 =	vmor vm3, vm2;
	vm3 =	vgt.f32 v15, v13;
	(pc) =	sbr.rel @!p0 .LBB2_21-.Ltmp12, $4  }
0x1dc: {  	v22 =	vor.u32 v3, v20;
	vm0 =	vmand vm4, vm0;
	vm3 =	vmor vm3, vm5  }
0x1dd: {  	vm2 =	vmand vm4, vm2;
	vm5 =	vmand vm1, vm5;
	vm1 =	vmand vm1, vm3  }
0x1de: {  	v19 =	vsel vm0, $0x1, v1;
	v20 =	vsel vm5, $0x1, v1;
	v23 =	vsel vm1, $0x1, v1  }
0x1df: {  	s0 =	simm.s32 $0x1;
	v19 =	vadd.s32 v19, v16;
	v21 =	vadd.s32 v20, v16;
	v20 =	vadd.s32 v23, v16  }
.LBB2_20:
0x1e0: {  	s30 =	sadd.s32 $0x20, s30;
	s2 =	smov.u32 s0;
	s0 =	sadd.s32 $0x1, s0  }
0x1e1: {  	v23 =	vsel vm2, $0x1, v1;
	p0 =	sne.s32 s29, s0  }
0x1e2: {  	v16 =	vadd.s32 v23, v16;
	[tilespmem:v22+s20+$0x0] =	vst.idx.msk vm0, v17  }
0x1e3: {  	[tilespmem:v18+s20+$0x0] =	vst.idx.msk vm1, v15  }
0x1e4: {  	v17 =	vld [tilespmem:s30+$0xFFFFFFF0]  }
0x1e5: {  	v23 =	vmov s2;
	vm0 =	vlt.s32 v21, $0x40;
	v18 =	vshll.u32 v20, $0x5;
	v15 =	vld [tilespmem:s30+$0x0]  }
0x1e6: {  	vm2 =	vlt.s32 v16, $0x40;
	vm1 =	vlt.s32 v23, v12;
	v18 =	vor.u32 v5, v18  }
0x1e7: {  	v22 =	vshll.u32 v19, $0x5;
	_ =	sdelay $0x1  }
0x1e8: {  	v22 =	vor.u32 v3, v22;
	vm3 =	veq.f32 v17, v14;
	vm4 =	vgt.f32 v17, v14  }
0x1e9: {  	vm5 =	vlt.s32 v23, v11;
	vm2 =	vmand vm2, vm3;
	vm3 =	veq.f32 v15, v13  }
.Ltmp13:
0x1ea: {  	vm3 =	vmand vm0, vm3;
	vm0 =	vmor vm4, vm2;
	vm4 =	vgt.f32 v15, v13;
	(pc) =	sbr.rel @p0 .LBB2_20-.Ltmp13, $4  }
0x1eb: {  	vm6 =	vmand vm1, vm3;
	vm0 =	vmand vm5, vm0;
	vm3 =	vmor vm4, vm3  }
0x1ec: {  	vm1 =	vmand vm1, vm3;
	v23 =	vsel vm0, $0x1, v1;
	v24 =	vsel vm6, $0x1, v1  }
0x1ed: {  	v19 =	vadd.s32 v23, v19;
	v23 =	vsel vm1, $0x1, v1;
	v21 =	vadd.s32 v24, v21  }
0x1ee: {  	vm2 =	vmand vm5, vm2;
	v20 =	vadd.s32 v23, v20  }
.Ltmp14:
0x1ef: {  	_ = 	snop;
	(pc) =	sbr.rel .LBB2_21-.Ltmp14, $1  }
0x1f0: {  	_ =	sdelay $0x3  }
.LBB2_23:
0x1f1: {  	v10 =	vshra.s32 v13, $0x5;
	v11 =	vshra.s32 v12, $0x5  }
0x1f2: {  	vm0 =	vgt.s32 v10, v11  }
0x1f3: {  	v9 =	vsel vm0, v10, v11  }
0x1f4: {  	v12 =	vperm.xlane v9, v0;
	_ =	sdelay $0x1  }
0x1f5: {  	vm0 =	vgt.s32 v9, v12  }
0x1f6: {  	v9 =	vsel vm0, v9, v12  }
0x1f7: {  	v12 =	vperm.xlane v9, v2;
	_ =	sdelay $0x1  }
0x1f8: {  	vm0 =	vgt.s32 v9, v12  }
0x1f9: {  	v9 =	vsel vm0, v9, v12  }
0x1fa: {  	v12 =	vperm.xlane v9, v4;
	_ =	sdelay $0x1  }
0x1fb: {  	vm0 =	vgt.s32 v9, v12  }
0x1fc: {  	v9 =	vsel vm0, v9, v12  }
0x1fd: {  	s0 =	simm.s32 $0x0;
	s28 =	simm.s32 $0x10200;
	v13 =	vimm.f32 $+Inf;
	v12 =	vimm.f32 $+Inf;
	v14 =	vperm.xlane v9, v6  }
.LBB2_24:
0x1fe: {  	v18 =	vmov s28;
	_ =	sdelay $0x3  }
0x1ff: {  	s15 =	simm.s32 $0x0  }
0x200: {  	v16 =	vld.idx.msk [tilespmem:v18+s15+$0x0 ss:$0x1], $0xffff  }
0x201: {  	v19 =	vld.idx.msk [tilespmem:v18+s15+$0x10 ss:$0x1], $0xffff;
	_ =	sdelay $0x1  }
0x202: {  	v15 =	vimm.f32 $-Inf;
	s2 =	simm.s32 $0x2000;
	v17 =	vimm.f32 $-Inf;
	s15 =	smov.u32 s0  }
.LBB2_25:
0x203: {  	s16 =	sshra.s32 s2, $0x2;
	v20 =	vmov s15;
	p0 =	sne.s32 s2, $0x36000  }
.Ltmp15:
0x204: {  	s2 =	sadd.s32 $0x2000, s2;
	v21 =	vmov v16;
	vm0 =	vlt.s32 v20, v10;
	v16 =	vld.idx.msk [tilespmem:v18+s16+$0x0 ss:$0x1], $0xffff;
	(pc) =	sbr.rel @p0 .LBB2_25-.Ltmp15, $3  }
0x205: {  	vm1 =	vlt.s32 v20, v11;
	v20 =	vmax.f32 v15, v21;
	v21 =	vmax.f32 v17, v19;
	v19 =	vld.idx.msk [tilespmem:v18+s16+$0x10 ss:$0x1], $0xffff  }
0x206: {  	v15 =	vsel vm0, v20, v15;
	v17 =	vsel vm1, v21, v17;
	_ =	sdelay $0x1  }
0x207: {  	s15 =	sadd.s32 $0x40, s15  }
0x208: {  	s0 =	sadd.s32 $0x1, s0  }
0x209: {  	p0 =	seq.s32 s0, $0x40  }
.Ltmp16:
0x20a: {  	_ = 	snop;
	(pc) =	sbr.rel @!p0 .LBB2_24-.Ltmp16, $4  }
0x20b: {  	v18 =	vmov s15;
	v16 =	vmax.f32 v15, v16  }
0x20c: {  	vm0 =	vlt.s32 v18, v10;
	vm1 =	vlt.s32 v18, v11;
	v62 =	vmax.f32 v17, v19  }
0x20d: {  	v15 =	vsel vm0, v16, v15;
	v63 =	vsel vm1, v62, v17  }
0x20e: {  	s28 =	sadd.s32 $0x20, s28;
	v13 =	vmin.f32 v13, v15;
	v12 =	vmin.f32 v12, v63  }
0x20f: {  	vm0 =	vgt.s32 v9, v14  }
0x210: {  	v9 =	vsel vm0, v9, v14  }
0x211: {  	(v2sf) =	vpush v9, $0x0;
	_ =	sdelay $0xe  }
0x212: {  	s28 =	spop (v2sf)  }
0x213: {  	p0 =	sgt.s32 s28, $0x0  }
.Ltmp17:
0x214: {  	_ = 	snop;
	(pc) =	sbr.rel @!p0 .LBB2_28-.Ltmp17, $2  }
0x215: {  	_ =	sdelay $0x2  }
0x216: {  	v9 =	vimm.s32 $0x0  }
0x217: {  	s29 =	simm.s32 $0x10210  }
0x218: {  	v14 =	vld [tilespmem:s29+$0xFFFFFFF0]  }
0x219: {  	v15 =	vld [tilespmem:s29+$0x0]  }
0x21a: {  	s0 =	simm.s32 $0x0;
	v17 =	vshll.u32 v9, $0x5;
	vm1 =	vlt.s32 v9, $0x40  }
0x21b: {  	v20 =	vimm.s32 $0x0;
	v18 =	vmov s0;
	v16 =	vor.u32 v3, v17  }
0x21c: {  	vm2 =	vlt.s32 v18, v11;
	vm0 =	vlt.s32 v18, v10;
	v18 =	vor.u32 v5, v17  }
0x21d: {  	p0 =	sne.s32 s28, $0x1;
	vm3 =	veq.f32 v14, v13;
	vm4 =	vgt.f32 v14, v13;
	v21 =	vshra.s32 v14, $0x1F  }
.Ltmp18:
0x21e: {  	vm5 =	veq.f32 v15, v12;
	v22 =	vshra.s32 v15, $0x1F;
	vm3 =	vmand vm1, vm3;
	(pc) =	sbr.rel @!p0 .LBB2_31-.Ltmp18, $4  }
0x21f: {  	vm6 =	vgt.f32 v15, v12;
	vm5 =	vmand vm1, vm5;
	vm4 =	vmor vm4, vm3  }
0x220: {  	vm1 =	vmand vm0, vm4;
	vm4 =	vmand vm2, vm5;
	vm5 =	vmor vm6, vm5  }
0x221: {  	v17 =	vsel vm1, $0x1, v1;
	vm2 =	vmand vm2, vm5;
	v19 =	vsel vm4, $0x1, v1  }
0x222: {  	s30 =	simm.s32 $0x1;
	v17 =	vadd.s32 v17, v9;
	v23 =	vsel vm2, $0x1, v1;
	v19 =	vadd.s32 v19, v9  }
.LBB2_30:
0x223: {  	vm0 =	vmand vm0, vm3;
	v21 =	vand.u32 $0x7FFFFFFF, v21;
	v22 =	vand.u32 $0x7FFFFFFF, v22;
	s29 =	sadd.s32 $0x20, s29;
	s0 =	smov.u32 s30;
	s30 =	sadd.s32 $0x1, s30  }
0x224: {  	p0 =	sne.s32 s28, s30;
	v14 =	vxor.u32 v14, v21;
	v15 =	vxor.u32 v15, v22;
	v21 =	vsel vm0, $0x1, v1  }
0x225: {  	v22 =	vshll.u32 v17, $0x5;
	v20 =	vadd.s32 v21, v20  }
0x226: {  	[tilespmem:v16+s20+$0x0] =	vst.idx.msk vm1, v14  }
0x227: {  	v9 =	vadd.s32 v23, v9;
	[tilespmem:v18+s20+$0x0] =	vst.idx.msk vm2, v15  }
0x228: {  	v21 =	vshll.u32 v9, $0x5;
	v18 =	vmov s0;
	v14 =	vld [tilespmem:s29+$0xFFFFFFF0]  }
0x229: {  	vm1 =	vlt.s32 v20, $0x40;
	v15 =	vld [tilespmem:s29+$0x0];
	_ =	sdelay $0x1  }
0x22a: {  	v16 =	vor.u32 v3, v22;
	vm2 =	vlt.s32 v18, v11  }
0x22b: {  	vm4 =	vlt.s32 v19, $0x40;
	vm0 =	vlt.s32 v18, v10;
	v18 =	vor.u32 v5, v21  }
0x22c: {  	vm3 =	veq.f32 v14, v13;
	vm5 =	vgt.f32 v14, v13;
	v21 =	vshra.s32 v14, $0x1F  }
.Ltmp19:
0x22d: {  	vm3 =	vmand vm1, vm3;
	vm1 =	veq.f32 v15, v12;
	v22 =	vshra.s32 v15, $0x1F;
	(pc) =	sbr.rel @p0 .LBB2_30-.Ltmp19, $4  }
0x22e: {  	vm4 =	vmand vm4, vm1;
	vm1 =	vmor vm5, vm3;
	vm5 =	vgt.f32 v15, v12  }
0x22f: {  	vm6 =	vmand vm2, vm4;
	vm1 =	vmand vm0, vm1;
	vm4 =	vmor vm5, vm4  }
0x230: {  	vm2 =	vmand vm2, vm4;
	v23 =	vsel vm1, $0x1, v1;
	v24 =	vsel vm6, $0x1, v1  }
0x231: {  	v17 =	vadd.s32 v23, v17;
	v23 =	vsel vm2, $0x1, v1;
	v19 =	vadd.s32 v24, v19  }
.LBB2_31:
0x232: {  	_ =	sdelay $0x1  }
.Ltmp20:
0x233: {  	_ = 	snop;
	(pc) =	sbr.rel .LBB2_32-.Ltmp20, $4  }
0x234: {  	v10 =	vand.u32 $0x7FFFFFFF, v21  }
0x235: {  	v11 =	vand.u32 $0x7FFFFFFF, v22;
	v10 =	vxor.u32 v14, v10  }
0x236: {  	v11 =	vxor.u32 v15, v11;
	[tilespmem:v16+s20+$0x0] =	vst.idx.msk vm1, v10  }
0x237: {  	v10 =	vadd.s32 v23, v9;
	v9 =	vmov v17;
	[tilespmem:v18+s20+$0x0] =	vst.idx.msk vm2, v11  }
.LBB2_28:
0x238: {  	v10 =	vimm.s32 $0x0  }
.LBB2_32:
0x239: {  	vm0 =	vgt.s32 v9, v10  }
0x23a: {  	v11 =	vsel vm0, v9, v10  }
0x23b: {  	v12 =	vperm.xlane v11, v0;
	_ =	sdelay $0x1  }
0x23c: {  	vm0 =	vgt.s32 v11, v12  }
0x23d: {  	v11 =	vsel vm0, v11, v12  }
0x23e: {  	v12 =	vperm.xlane v11, v2;
	_ =	sdelay $0x1  }
0x23f: {  	vm0 =	vgt.s32 v11, v12  }
0x240: {  	v11 =	vsel vm0, v11, v12  }
0x241: {  	v12 =	vperm.xlane v11, v4;
	_ =	sdelay $0x1  }
0x242: {  	vm0 =	vgt.s32 v11, v12  }
0x243: {  	v11 =	vsel vm0, v11, v12  }
0x244: {  	v12 =	vperm.xlane v11, v6;
	_ =	sdelay $0x1  }
0x245: {  	vm0 =	vgt.s32 v11, v12  }
0x246: {  	v11 =	vsel vm0, v11, v12  }
0x247: {  	(v2sf) =	vpush v11, $0x0;
	_ =	sdelay $0xe  }
0x248: {  	s28 =	spop (v2sf)  }
0x249: {  	p0 =	slt.s32 s28, $0x1  }
.Ltmp21:
0x24a: {  	_ = 	snop;
	(pc) =	sbr.rel @p0 .LBB2_40-.Ltmp21, $2  }
0x24b: {  	_ =	sdelay $0x2  }
0x24c: {  	s29 =	simm.s32 $0x0  }
0x24d: {  	p2 =	sne.s32 s28, $0x1  }
.Ltmp22:
0x24e: {  	_ = 	snop;
	(pc) =	sbr.rel @!p2 .LBB2_34-.Ltmp22, $3  }
0x24f: {  	_ =	sdelay $0x1  }
0x250: {  	v11 =	vmov s29  }
0x251: {  	v13 =	vor.u32 s29, v3;
	s2 =	simm.s32 $0x1;
	s0 =	simm.s32 $0x20;
	p1 =	por $0x0, $0x0;
	vm3 =	vge.s32 v11, v9;
	vm1 =	vge.s32 v11, v10  }
0x252: {  	p2 =	sne.s32 s28, $0x2  }
.Ltmp23:
0x253: {  	vm0 =	vmmov vm1;
	(pc) =	sbr.rel @!p2 .LBB2_36-.Ltmp23, $3  }
0x254: {  	v12 =	vor.u32 s29, v5;
	_ =	sdelay $0x1  }
0x255: {  	v14 =	vmov s2  }
0x256: {  	v11 =	vor.u32 s0, v3;
	s30 =	simm.s32 $0x2;
	s2 =	simm.s32 $0x40;
	[tilespmem:v13+s20+$0x0] =	vst.idx.msk vm3, v7;
	p1 =	por $0x1, $0x1;
	vm2 =	vge.s32 v14, v9;
	vm1 =	vge.s32 v14, v10  }
.LBB2_37:
0x257: {  	s15 =	smov.u32 s30;
	s30 =	sadd.s32 $0x1, s30  }
0x258: {  	v13 =	vor.u32 s2, v3;
	[tilespmem:v12+s20+$0x0] =	vst.idx.msk vm0, v7;
	vm0 =	vmmov vm1;
	p2 =	sne.s32 s28, s30  }
.Ltmp24:
0x259: {  	v12 =	vor.u32 s0, v5;
	s0 =	smov.u32 s2;
	(pc) =	sbr.rel @p2 .LBB2_37-.Ltmp24, $3  }
0x25a: {  	_ =	sdelay $0x1  }
0x25b: {  	v14 =	vmov s15  }
0x25c: {  	s2 =	sadd.s32 $0x20, s2;
	vm1 =	vge.s32 v14, v10;
	[tilespmem:v11+s20+$0x0] =	vst.idx.msk vm2, v7;
	vm2 =	vge.s32 v14, v9;
	v11 =	vmov v13  }
0x25d: {  	vm3 =	vmmov vm2;
	v13 =	vmov v11  }
.LBB2_39:
0x25e: {  	_ = 	snop  }
0x25f: {  	vm1 =	vmmov vm1  }
0x260: {  	v9 =	vor.u32 s0, v5;
	_ =	sdelay $0x2  }
0x261: {  	[tilespmem:v12+s20+$0x0] =	vst.idx.msk @p1 vm0, v7  }
0x262: {  	[tilespmem:v13+s20+$0x0] =	vst.idx.msk vm3, v7  }
0x263: {  	[tilespmem:v9+s20+$0x0] =	vst.idx.msk vm1, v7  }
.LBB2_40:
0x264: {  	v9 =	vimm.s32 $0x80000000;
	v10 =	vimm.s32 $0x80000000  }
.LBB2_41:
.Ltmp25:
0x265: {  	(pc) =	sbr.rel @!p0 .LBB2_42-.Ltmp25, $1  }
0x266: {  	_ =	sdelay $0x3  }
0x267: {  	s29 =	sadd.s32 $0x1, s29  }
0x268: {  	p1 =	seq.s32 s29, $0x20  }
.Ltmp26:
0x269: {  	_ = 	snop;
	(pc) =	sbr.rel @!p1 .LBB2_41-.Ltmp26, $4  }
.Ltmp27:
0x26a: {  	_ = 	snop;
	(pc) =	sbr.rel @p1 .LBB2_49-.Ltmp27, $4  }
0x26b: {  	_ = 	snop  }
0x26c: {  	_ = 	snop  }
0x26d: {  	_ = 	snop  }
0x26e: {  	_ = 	snop  }
.LBB2_42:
0x26f: {  	s2 =	simm.s32 $0x10210  }
0x270: {  	p1 =	sne.s32 s28, $0x1;
	v14 =	vld [tilespmem:s2+$0x0]  }
.Ltmp28:
0x271: {  	v15 =	vld [tilespmem:s2+$0xFFFFFFF0];
	(pc) =	sbr.rel @!p1 .LBB2_44-.Ltmp28, $4  }
0x272: {  	_ = 	snop  }
0x273: {  	s0 =	sshrl.u32 s23, s29  }
0x274: {  	v13 =	vimm.s32 $0x0;
	v12 =	vadd.s32 s0, v9  }
0x275: {  	v11 =	vadd.s32 s0, v10;
	s0 =	sadd.s32 $0xFFFFFFFF, s28;
	s2 =	simm.s32 $0x10230;
	vm0 =	vge.s32 v14, v12;
	v14 =	vimm.s32 $0x0  }
.LBB2_43:
0x276: {  	v16 =	vld [tilespmem:s2+$0x0];
	p2 =	sne.s32 s0, $0x1;
	s0 =	sadd.s32 $0xFFFFFFFF, s0;
	vm1 =	vge.s32 v15, v11;
	v17 =	vsel vm0, $0x1, v1  }
.Ltmp29:
0x277: {  	v15 =	vld [tilespmem:s2+$0xFFFFFFF0];
	v18 =	vsel vm1, $0x1, v1;
	v13 =	vadd.s32 v17, v13;
	(pc) =	sbr.rel @p2 .LBB2_43-.Ltmp29, $2  }
0x278: {  	v14 =	vadd.s32 v18, v14;
	_ =	sdelay $0x2  }
0x279: {  	s2 =	sadd.s32 $0x20, s2;
	vm0 =	vge.s32 v16, v12  }
.LBB2_44:
0x27a: {  	p2 =	seq.s32 s29, $0x1F  }
.Ltmp30:
0x27b: {  	vm1 =	vge.s32 v15, v11;
	(pc) =	sbr.rel @!p2 .LBB2_41-.Ltmp30, $4  }
0x27c: {  	v63 =	vsel vm0, $0x1, v1;
	v16 =	vsel vm1, $0x1, v1  }
0x27d: {  	v13 =	vadd.s32 v63, v13;
	v14 =	vadd.s32 v16, v14  }
0x27e: {  	vm15 =	vgt.s32 v13, $0x3F;
	vm14 =	vgt.s32 v14, $0x3F  }
0x27f: {  	s29 =	sadd.s32 $0x1, s29;
	v9 =	vsel vm15, v12, v9;
	v10 =	vsel vm14, v11, v10  }
0x280: {  	s2 =	simm.s32 $0x10210  }
0x281: {  	v16 =	vld [tilespmem:s2+$0x0]  }
.Ltmp31:
0x282: {  	v15 =	vld [tilespmem:s2+$0xFFFFFFF0];
	(pc) =	sbr.rel @!p1 .LBB2_47-.Ltmp31, $3  }
0x283: {  	_ =	sdelay $0x1  }
0x284: {  	v11 =	vimm.f32 $0.0e+00;
	v12 =	vimm.s32 $0x0  }
0x285: {  	s0 =	sadd.s32 $0xFFFFFFFF, s28;
	s28 =	simm.s32 $0x10230;
	v13 =	vimm.f32 $0.0e+00;
	v14 =	vimm.s32 $0x0;
	v17 =	vshra.s32 v16, $0x1F  }
.LBB2_46:
0x286: {  	v18 =	vld [tilespmem:s28+$0x0];
	p0 =	sne.s32 s0, $0x1;
	s0 =	sadd.s32 $0xFFFFFFFF, s0;
	vm0 =	vgt.s32 v15, v10;
	v19 =	vshra.s32 v15, $0x1F;
	v17 =	vand.u32 $0x7FFFFFFF, v17;
	v20 =	vmovc v15  }
.Ltmp32:
0x287: {  	vm1 =	vgt.s32 v16, v9;
	v15 =	vld [tilespmem:s28+$0xFFFFFFF0];
	v19 =	vand.u32 $0x7FFFFFFF, v19;
	v16 =	vxor.u32 v16, v17;
	(pc) =	sbr.rel @p0 .LBB2_46-.Ltmp32, $4  }
0x288: {  	v17 =	vxor.u32 v20, v19;
	v16 =	vnsel vm1, $0x0, v16;
	v19 =	vsel vm0, $0x1, v1  }
0x289: {  	v20 =	vsel vm1, $0x1, v1;
	v17 =	vnsel vm0, $0x0, v17;
	v11 =	vadd.f32 v16, v11  }
0x28a: {  	v12 =	vadd.s32 v19, v12;
	v14 =	vadd.s32 v20, v14;
	v13 =	vadd.f32 v17, v13  }
0x28b: {  	s28 =	sadd.s32 $0x20, s28;
	v17 =	vshra.s32 v18, $0x1F;
	v16 =	vmov v18  }
.LBB2_47:
0x28c: {  	v18 =	vshra.s32 v15, $0x1F;
	v17 =	vand.u32 $0x7FFFFFFF, v17  }
.Ltmp33:
0x28d: {  	vm0 =	vgt.s32 v16, v9;
	vm1 =	vgt.s32 v15, v10;
	v18 =	vand.u32 $0x7FFFFFFF, v18;
	(pc) =	sbr.rel .LBB2_50-.Ltmp33, $4  }
0x28e: {  	v59 =	vxor.u32 v16, v17;
	v60 =	vsel vm1, $0x1, v1;
	v61 =	vsel vm0, $0x1, v1  }
0x28f: {  	v15 =	vxor.u32 v15, v18;
	v16 =	vnsel vm0, $0x0, v59;
	v62 =	vadd.s32 v60, v12  }
0x290: {  	v63 =	vadd.s32 v61, v14;
	v15 =	vnsel vm1, $0x0, v15;
	v11 =	vadd.f32 v16, v11  }
0x291: {  	v14 =	vcvt.s32.f32 v62;
	v12 =	vadd.f32 v15, v13;
	v13 =	vcvt.s32.f32 v63  }
.LBB2_49:
0x292: {  	v12 =	vimm.f32 $0.0e+00  }
0x293: {  	v11 =	vimm.f32 $0.0e+00;
	v14 =	vimm.f32 $0.0e+00;
	v13 =	vimm.f32 $0.0e+00  }
.LBB2_50:
0x294: {  	v15 =	vperm.xlane v8, v0;
	_ =	sdelay $0x1  }
0x295: {  	v8 =	vadd.s32 v8, v15  }
0x296: {  	v15 =	vperm.xlane v8, v2;
	_ =	sdelay $0x1  }
0x297: {  	v8 =	vadd.s32 v15, v8  }
0x298: {  	v15 =	vperm.xlane v8, v4;
	_ =	sdelay $0x1  }
0x299: {  	v8 =	vadd.s32 v15, v8  }
0x29a: {  	v15 =	vperm.xlane v8, v6;
	_ =	sdelay $0x1  }
0x29b: {  	v8 =	vadd.s32 v15, v8  }
0x29c: {  	v8 =	vcvt.s32.f32 v8;
	_ =	sdelay $0x1  }
0x29d: {  	v8 =	vmin.f32 v8, $6.400000000e+01  }
0x29e: {  	v8 =	vmax.f32 v8, $1.000000000e+00  }
0x29f: {  	(erf) = vrcp.f32 v8;
	_ =	sdelay $0x1  }
0x2a0: {  	vm0 =	veq.s32 v10, $0x80000000;
	v8 =	vshra.s32 v10, $0x1F  }
0x2a1: {  	v60 =	vshra.s32 v9, $0x1F;
	vm15 =	veq.s32 v9, $0x80000000;
	v8 =	vand.u32 $0x7FFFFFFF, v8  }
0x2a2: {  	v14 =	vsub.f32 $6.400000000e+01, v14;
	v8 =	vxor.u32 v10, v8;
	v10 =	vand.u32 $0x7FFFFFFF, v60  }
0x2a3: {  	v62 =	vsub.f32 $6.400000000e+01, v13;
	v8 =	vsel vm0, $0x0, v8;
	v61 =	vxor.u32 v9, v10  }
0x2a4: {  	v9 =	vsel vm15, $0x0, v61;
	v8 =	vmul.f32 v14, v8  }
0x2a5: {  	v9 =	vmul.f32 v62, v9  }
0x2a6: {  	v8 =	vadd.f32 v8, v12  }
0x2a7: {  	v9 =	vadd.f32 v9, v11;
	v63 =	vpop (erf)  }
0x2a8: {  	v8 =	vmul.f32 v63, v8  }
0x2a9: {  	v9 =	vmul.f32 v63, v9  }
0x2aa: {  	s26 =	sadd.s32 $0x1, s26;
	[tilespmem:$0x1E200] =	vst v8  }
0x2ab: {  	p0 =	sne.s32 s26, s12;
	[tilespmem:$0x1E210] =	vst v9  }
0x2ac: {  	[hbm4b:s11+s3] =	stream.linear.scatter [tilespmem:s24], [sflag:$0x5], $0x80, $0x38;
	[tilespmem:$0x1E280] =	vst v63  }
.Ltmp34:
0x2ad: {  	_ = 	snop;
	(pc) =	sbr.rel @p0 .LBB2_1-.Ltmp34, $4  }
.Ltmp35:
0x2ae: {  	_ = 	snop;
	(pc) =	sbr.rel @!p0 .LBB2_51-.Ltmp35, $4  }
0x2af: {  	_ =	swait.ge [sflag:s25], $0x80  }
0x2b0: {  	[sflag:s25] =	ssyncset.done $0x0  }
0x2b1: {  	[sflag:s25] =	ssyncadd.s32 $0xFFFFFF80  }
0x2b2: {  	_ = 	snop  }
.LBB2_34:
.Ltmp36:
0x2b3: {  	(pc) =	sbr.rel .LBB2_39-.Ltmp36, $2  }
0x2b4: {  	_ =	sdelay $0x2  }
0x2b5: {  	s0 =	simm.s32 $0x0  }
.LBB2_36:
.Ltmp37:
0x2b6: {  	(pc) =	sbr.rel .LBB2_39-.Ltmp37, $2  }
0x2b7: {  	_ =	sdelay $0x2  }
0x2b8: {  	vm3 =	vmmov vm2;
	v13 =	vmov v11  }
.LBB2_51:
0x2b9: {  	_ =	sfence.sel $0x180000  }
0x2ba: {  	[bflag:$0x0] =	sbarrier.arrive $0xFFFF  }
0x2bb: {  	_ =	strace $0x90000047  }
0x2bc: {  	s0 =	stileid.u32;
	[bflag:$0x2] =	sbarrier.arrive $0xFFFF  }
0x2bd: {  	p0 =	sne.s32 s0, $0x0;
	s0 =	rddreg [dreg:$0x3]  }
0x2be: {  	s0 =	sadd.s32 @!p0 $0x100000, s0  }
0x2bf: {  	[sflag:s0] =	ssyncadd.tile.s32 @!p0 $0x1;
	_ =	shalt  }
.Lfunc_end2:
_tile_overlayer_lowered:
.L_overlay_start_2:
0x2c0: {  	(tag) =	ssettag $0x2  }
0x2c1: {  	s0 =	rddreg [dreg:$0x0];
	s2 =	stileid.u32  }
0x2c2: {  	s1 =	rddreg [dreg:$0x1];
	p0 =	sne.s32 s2, $0x0  }
0x2c3: {  	s3 =	rddreg [dreg:$0x2];
	[bflag:$0x3] =	sbarrier.arrive $0xFFFF;
	s2 =	simm.s32 @!p0 $0x1C05  }
0x2c4: {  	[timem:s3], [sflag:s2] =	dma.local @!p0 [hbm:s0], s1  }
0x2c5: {  	s0 =	simm.s32 @!p0 $0x5  }
0x2c6: {  	_ =	swait.ge @!p0 [sflag:s0], s1  }
0x2c7: {  	s1 =	ssub.s32 @!p0 $0x0, s1;
	[sflag:s0] =	ssyncset.done @!p0 $0x0  }
0x2c8: {  	[sflag:s0] =	ssyncadd.s32 @!p0 s1  }
0x2c9: {  	[bflag:$0x3] =	sbarrier.arrive $0xFFFF  }
0x2ca: {  	_ =	shalt  }

</sc_bundles>
